<compile_context>
chip_gen: v7x
topology: tpu7x:2x2x1
jax: 0.10.2.dev20260603
libtpu: 0.0.44.dev20260713+nightly
codegen_flags: <defaults>
</compile_context>

<pallas_src>
import functools

import jax
import jax.numpy as jnp
from jax import lax
from jax.experimental import pallas as pl
from jax.experimental.pallas import tpu as pltpu
from jax.experimental.pallas import tpu_sc as plsc

F32 = jnp.float32
EPS = 1e-5

NC = 2
NS = 16
CHUNK = 128


def _matmul(a, b):
    return lax.dot_general(a, b, (((1,), (0,)), ((), ())),
                           preferred_element_type=F32)



def _tc_pre(h, wl, wr, bl, split_cols):
    n, din = h.shape
    dout = wl.shape[1]
    grid = (n // _BLK,)
    if split_cols:
        d2 = dout // 2

        def body(h_ref, wl_ref, wr_ref, b_ref, y_ref, hw_ref):
            hb = h_ref[...]
            y = _matmul(hb, wl_ref[...])
            y_ref[0] = y[:, :d2]
            y_ref[1] = y[:, d2:]
            hw_ref[...] = _matmul(hb, wr_ref[...]) + b_ref[...][None, :]

        y2, hw = pl.pallas_call(
            body,
            grid=grid,
            in_specs=[pl.BlockSpec((_BLK, din), lambda i: (i, 0)),
                      pl.BlockSpec((din, dout), lambda i: (0, 0)),
                      pl.BlockSpec((din, dout), lambda i: (0, 0)),
                      pl.BlockSpec((dout,), lambda i: (0,))],
            out_specs=(pl.BlockSpec((2, _BLK, d2), lambda i: (0, i, 0)),
                       pl.BlockSpec((_BLK, dout), lambda i: (i, 0))),
            out_shape=(jax.ShapeDtypeStruct((2, n, d2), F32),
                       jax.ShapeDtypeStruct((n, dout), F32)),
        )(h, wl, wr, bl)
        return y2.reshape(2 * n, d2), hw

    def body(h_ref, wl_ref, wr_ref, b_ref, y_ref, hw_ref):
        hb = h_ref[...]
        y_ref[...] = _matmul(hb, wl_ref[...])
        hw_ref[...] = _matmul(hb, wr_ref[...]) + b_ref[...][None, :]

    return pl.pallas_call(
        body,
        grid=grid,
        in_specs=[pl.BlockSpec((_BLK, din), lambda i: (i, 0)),
                  pl.BlockSpec((din, dout), lambda i: (0, 0)),
                  pl.BlockSpec((din, dout), lambda i: (0, 0)),
                  pl.BlockSpec((dout,), lambda i: (0,))],
        out_specs=(pl.BlockSpec((_BLK, dout), lambda i: (i, 0)),
                   pl.BlockSpec((_BLK, dout), lambda i: (i, 0))),
        out_shape=(jax.ShapeDtypeStruct((n, dout), F32),
                   jax.ShapeDtypeStruct((n, dout), F32)),
    )(h, wl, wr, bl)


def _tc_inv_cnt(cnt0, cnt1):
    n = cnt0.shape[0]

    def body(c0_ref, c1_ref, o_ref):
        cnt = c0_ref[...][:, :1] + c1_ref[...][:, :1]
        o_ref[...] = 1.0 / jnp.maximum(cnt, 1.0)

    return pl.pallas_call(
        body, out_shape=jax.ShapeDtypeStruct((n, 1), F32),
    )(cnt0, cnt1)


_BLK = 2000


def _tc_post_a(agg0, agg1, hw, inv_cnt, split_cols):
    n, dout = hw.shape
    d2 = agg0.shape[1]

    def body(a0_ref, a1_ref, hw_ref, ic_ref, z_ref, st_ref):
        i = pl.program_id(0)
        if split_cols:
            agg = jnp.concatenate([a0_ref[...], a1_ref[...]], axis=1)
        else:
            agg = a0_ref[...] + a1_ref[...]
        z = agg * ic_ref[...] + hw_ref[...]
        nrm = jnp.sqrt(jnp.sum(z * z, axis=1, keepdims=True))
        z = z / jnp.maximum(nrm, 1e-12)
        z_ref[...] = z
        s1 = jnp.sum(z, axis=0, keepdims=True)
        s2 = jnp.sum(z * z, axis=0, keepdims=True)
        st = jnp.concatenate([s1, s2, jnp.zeros((6, dout), F32)], axis=0)

        @pl.when(i == 0)
        def _():
            st_ref[...] = st

        @pl.when(i > 0)
        def _():
            st_ref[...] += st

    grid = (n // _BLK,)
    return pl.pallas_call(
        body,
        grid=grid,
        in_specs=[
            pl.BlockSpec((_BLK, d2), lambda i: (i, 0)),
            pl.BlockSpec((_BLK, d2), lambda i: (i, 0)),
            pl.BlockSpec((_BLK, dout), lambda i: (i, 0)),
            pl.BlockSpec((_BLK, 1), lambda i: (i, 0)),
        ],
        out_specs=(pl.BlockSpec((_BLK, dout), lambda i: (i, 0)),
                   pl.BlockSpec((8, dout), lambda i: (0, 0))),
        out_shape=(jax.ShapeDtypeStruct((n, dout), F32),
                   jax.ShapeDtypeStruct((8, dout), F32)),
    )(agg0, agg1, hw, inv_cnt)


def _tc_post_b(z, stats, gamma, beta, relu):
    n, dout = z.shape

    def body(z_ref, st_ref, g_ref, b_ref, o_ref):
        mu = st_ref[0:1, :] * (1.0 / n)
        var = st_ref[1:2, :] * (1.0 / n) - mu * mu
        scale = g_ref[...][None, :] * lax.rsqrt(var + EPS)
        o = (z_ref[...] - mu) * scale + b_ref[...][None, :]
        if relu:
            o = jnp.maximum(o, 0.0)
        o_ref[...] = o

    grid = (n // _BLK,)
    return pl.pallas_call(
        body,
        grid=grid,
        in_specs=[
            pl.BlockSpec((_BLK, dout), lambda i: (i, 0)),
            pl.BlockSpec((8, dout), lambda i: (0, 0)),
            pl.BlockSpec((dout,), lambda i: (0,)),
            pl.BlockSpec((dout,), lambda i: (0,)),
        ],
        out_specs=pl.BlockSpec((_BLK, dout), lambda i: (i, 0)),
        out_shape=jax.ShapeDtypeStruct((n, dout), F32),
    )(z, stats, gamma, beta)


def _tc_heads(z, stats, gamma, beta, w1_all, b1_all, w2_all, b2_all,
              n_heads, dh):
    n, dout = z.shape
    blk = 1000

    def body(z_ref, st_ref, g_ref, be_ref, w1_ref, b1_ref, w2_ref, b2_ref,
             o_ref):
        mu = st_ref[0:1, :] * (1.0 / n)
        var = st_ref[1:2, :] * (1.0 / n) - mu * mu
        scale = g_ref[...][None, :] * lax.rsqrt(var + EPS)
        h = (z_ref[...] - mu) * scale + be_ref[...][None, :]
        t = _matmul(h, w1_ref[...]) + b1_ref[...][None, :]
        t = jnp.maximum(t, 0.0) * w2_ref[...][None, :]
        cols = [jnp.sum(t[:, i * dh:(i + 1) * dh], axis=1, keepdims=True)
                for i in range(n_heads)]
        o_ref[...] = jnp.concatenate(cols, axis=1) + b2_ref[...][None, :]

    grid = (n // blk,)
    return pl.pallas_call(
        body,
        grid=grid,
        in_specs=[
            pl.BlockSpec((blk, dout), lambda i: (i, 0)),
            pl.BlockSpec(stats.shape, lambda i: (0, 0)),
            pl.BlockSpec(gamma.shape, lambda i: (0,)),
            pl.BlockSpec(beta.shape, lambda i: (0,)),
            pl.BlockSpec(w1_all.shape, lambda i: (0, 0)),
            pl.BlockSpec(b1_all.shape, lambda i: (0,)),
            pl.BlockSpec(w2_all.shape, lambda i: (0,)),
            pl.BlockSpec(b2_all.shape, lambda i: (0,)),
        ],
        out_specs=pl.BlockSpec((blk, n_heads), lambda i: (i, 0)),
        out_shape=jax.ShapeDtypeStruct((n, n_heads), F32),
    )(z, stats, gamma, beta, w1_all, b1_all, w2_all, b2_all)



def _sc_aggregate(y_flat, src2, dst2, zeros_rows, n, n_acc, e_pad,
                  split_cols):
    d2 = y_flat.shape[1]
    nch = e_pad // CHUNK
    cores_per_sweep = 1 if split_cols else NC
    chunks = nch // (NS * cores_per_sweep)
    n_halves = 2 if split_cols else 1
    zr = n_acc // NS
    mesh = plsc.VectorSubcoreMesh(core_axis_name="c", subcore_axis_name="s")

    @functools.partial(
        pl.kernel,
        out_type=jax.ShapeDtypeStruct((2, n_acc, d2), F32),
        mesh=mesh,
        scratch_types=[
            pltpu.VMEM((chunks // n_halves, CHUNK), jnp.int32),
            pltpu.VMEM((chunks // n_halves, CHUNK), jnp.int32),
            pltpu.VMEM((CHUNK, d2), F32),
            pltpu.VMEM((CHUNK, d2), F32),
            pltpu.VMEM_SHARED((n_acc, d2), F32),
            pltpu.SemaphoreType.DMA,
            pltpu.SemaphoreType.DMA,
        ],
    )
    def k(y_hbm, src_hbm, dst_hbm, z_hbm, o_hbm,
          sidx, didx, rows0, rows1, acc, sem0, sem1):
        c = lax.axis_index("c")
        s = lax.axis_index("s")
        hh = chunks // n_halves
        row0 = pl.multiple_of(s * zr, 8)
        if split_cols:
            cb = s * chunks
            plane = c
        else:
            cb = (s * NC + c) * chunks
            plane = c * 0

        pltpu.sync_copy(z_hbm, acc.at[pl.ds(row0, zr)])
        plsc.subcore_barrier()

        def gather(kk, buf, sem):
            return pltpu.async_copy(y_hbm.at[sidx.at[kk]], buf, sem)

        for half in range(n_halves):
            pltpu.sync_copy(src_hbm.at[plane, pl.ds(cb + half * hh, hh)],
                            sidx)
            pltpu.sync_copy(dst_hbm.at[pl.ds(cb + half * hh, hh)], didx)

            gather(0, rows0, sem0)
            gather(1, rows1, sem1)

            @pl.loop(0, hh // 2)
            def _(p):
                k0 = p * 2
                pltpu.make_async_copy(
                    y_hbm.at[sidx.at[k0]], rows0, sem0).wait()
                pltpu.sync_copy(rows0, acc.at[didx.at[k0]], add=True)

                @pl.when(k0 + 2 < hh)
                def _():
                    gather(k0 + 2, rows0, sem0)

                pltpu.make_async_copy(
                    y_hbm.at[sidx.at[k0]], rows1, sem1).wait()
                pltpu.sync_copy(rows1, acc.at[didx.at[k0 + 1]], add=True)

                @pl.when(k0 + 3 < hh)
                def _():
                    gather(k0 + 3, rows1, sem1)

        plsc.subcore_barrier()
        pltpu.sync_copy(acc.at[pl.ds(row0, zr)],
                        o_hbm.at[c, pl.ds(row0, zr)])

    return k(y_flat, src2, dst2, zeros_rows)


def _sc_count(dst2, ones_rows, zeros_rows, n, n_acc, e_pad):
    w = ones_rows.shape[1]
    nch = e_pad // CHUNK
    chunks = nch // (NC * NS)
    zr = n_acc // NS
    mesh = plsc.VectorSubcoreMesh(core_axis_name="c", subcore_axis_name="s")

    @functools.partial(
        pl.kernel,
        out_type=jax.ShapeDtypeStruct((2, n_acc, w), F32),
        mesh=mesh,
        scratch_types=[
            pltpu.VMEM((chunks, CHUNK), jnp.int32),
            pltpu.VMEM((CHUNK, w), F32),
            pltpu.VMEM_SHARED((n_acc, w), F32),
        ],
    )
    def k(dst_hbm, ones_hbm, z_hbm, o_hbm, didx, ones_v, acc):
        c = lax.axis_index("c")
        s = lax.axis_index("s")
        row0 = pl.multiple_of(s * zr, 8)
        cb = (c * NS + s) * chunks

        pltpu.sync_copy(dst_hbm.at[pl.ds(cb, chunks)], didx)
        pltpu.sync_copy(z_hbm, acc.at[pl.ds(row0, zr)])
        pltpu.sync_copy(ones_hbm, ones_v)
        plsc.subcore_barrier()

        @pl.loop(0, chunks)
        def _(kk):
            pltpu.sync_copy(ones_v, acc.at[didx.at[kk]], add=True)

        plsc.subcore_barrier()
        pltpu.sync_copy(acc.at[pl.ds(row0, zr)],
                        o_hbm.at[c, pl.ds(row0, zr)])

    return k(dst2, ones_rows, zeros_rows)



def kernel(x, params, edge_index):
    n = x.shape[0]
    e = edge_index.shape[1]

    e_pad = ((e + NS * CHUNK - 1) // (NS * CHUNK)) * (NS * CHUNK)
    if e_pad // (NC * NS) % CHUNK != 0:
        e_pad = ((e + NC * NS * CHUNK - 1) // (NC * NS * CHUNK)) * (NC * NS * CHUNK)
    pad = e_pad - e
    nch = e_pad // CHUNK
    src_p = jnp.concatenate(
        [edge_index[0].astype(jnp.int32), jnp.zeros((pad,), jnp.int32)])
    dst_p = jnp.concatenate(
        [edge_index[1].astype(jnp.int32), jnp.full((pad,), n, jnp.int32)])
    src2 = jnp.stack([src_p, src_p + n]).reshape(2, nch, CHUNK)
    dst2 = dst_p.reshape(nch, CHUNK)

    n_acc = ((n + 1 + 8 * NS - 1) // (8 * NS)) * (8 * NS)
    zeros_rows = jnp.zeros((n_acc // NS, 128), F32)
    ones_rows = jnp.ones((CHUNK, 128), F32)

    cnt = _sc_count(dst2, ones_rows, zeros_rows, n, n_acc, e_pad)
    inv_cnt = _tc_inv_cnt(cnt[0, :n], cnt[1, :n])

    h = x
    convs = [(params["conv1"], params["bn1"], True),
             (params["conv2"], params["bn2"], True),
             (params["conv3"], params["bn3"], True),
             (params["conv4"], params["bn4"], False)]
    for cp, bp, relu in convs[:3]:
        split_cols = cp["Wl"].shape[1] > 128
        y_flat, hw = _tc_pre(h, cp["Wl"], cp["Wr"], cp["bl"], split_cols)
        agg = _sc_aggregate(y_flat, src2, dst2,
                            zeros_rows[:, :y_flat.shape[1]],
                            n, n_acc, e_pad, split_cols)
        agg0, agg1 = agg[0, :n], agg[1, :n]
        z, stats = _tc_post_a(agg0, agg1, hw, inv_cnt, split_cols)
        h = _tc_post_b(z, stats, bp["gamma"], bp["beta"], relu)

    cp, bp, _ = convs[3]
    y_flat, hw = _tc_pre(h, cp["Wl"], cp["Wr"], cp["bl"], False)
    agg = _sc_aggregate(y_flat, src2, dst2, zeros_rows[:, :y_flat.shape[1]],
                        n, n_acc, e_pad, False)
    z, stats = _tc_post_a(agg[0, :n], agg[1, :n], hw, inv_cnt, False)

    heads = params["heads"]
    n_heads = len(heads)
    dh = heads[0]["W1"].shape[1]
    w1_all = jnp.concatenate([hp["W1"] for hp in heads], axis=1)
    b1_all = jnp.concatenate([hp["b1"] for hp in heads])
    w2_all = jnp.concatenate([hp["W2"][:, 0] for hp in heads])
    b2_all = jnp.stack([hp["b2"][0] for hp in heads])
    return _tc_heads(z, stats, bp["gamma"], bp["beta"],
                     w1_all, b1_all, w2_all, b2_all, n_heads, dh)

# --- scband reference (transcript-rebuilt; emitter-appended) ---
"""Pipeline reference for scband-graph-sage-65704409694252 (READ-ONLY COPY).

The authoritative reference and input builder live on the scoring server;
editing this copy changes nothing except your own understanding.
"""

import jax, jax.numpy as jnp
import numpy as np

N = 10000
E = 160000
IN_CH = 256
HID = 256
OUT = 128
N_HORIZONS = 3
EPS = 1e-5


def _lin_init(key, fan_in, fan_out):
    return jax.random.normal(key, (fan_in, fan_out), dtype=jnp.float32) / np.sqrt(fan_in)


def setup_inputs(seed: int = 0) -> dict:
    key = jax.random.key(seed)
    ks = jax.random.split(key, 32)
    x = jax.random.normal(ks[0], (N, IN_CH), dtype=jnp.float32)
    edge_index = jax.random.randint(ks[1], (2, E), 0, N)

    def conv_params(k, din, dout):
        k1, k2 = jax.random.split(k)
        return {"Wl": _lin_init(k1, din, dout), "bl": jnp.zeros((dout,), jnp.float32), "Wr": _lin_init(k2, din, dout)}

    def bn_params(d):
        return {"gamma": jnp.ones((d,), jnp.float32), "beta": jnp.zeros((d,), jnp.float32)}

    def head_params(k, d):
        k1, k2 = jax.random.split(k)
        return {"W1": _lin_init(k1, d, d * 4), "b1": jnp.zeros((d * 4,), jnp.float32), "W2": _lin_init(k2, d * 4, 1), "b2": jnp.zeros((1,), jnp.float32)}

    params = {
        "conv1": conv_params(ks[2], IN_CH, HID),
        "conv2": conv_params(ks[3], HID, HID),
        "conv3": conv_params(ks[4], HID, HID),
        "conv4": conv_params(ks[5], HID, OUT),
        "bn1": bn_params(HID),
        "bn2": bn_params(HID),
        "bn3": bn_params(HID),
        "bn4": bn_params(OUT),
        "heads": [head_params(ks[6 + i], OUT) for i in range(N_HORIZONS)],
    }
    return {"x": x, "params": params, "edge_index": edge_index}


def _sage_conv(x, edge_index, p):
    # PyG SAGEConv with mean aggregation and normalize=True
    src = edge_index[0]
    dst = edge_index[1]
    msgs = x[src]  # gather
    agg = jax.ops.segment_sum(msgs, dst, num_segments=N)  # scatter-add
    cnt = jax.ops.segment_sum(jnp.ones((edge_index.shape[1],), dtype=x.dtype), dst, num_segments=N)
    mean = agg / jnp.maximum(cnt, 1.0)[:, None]
    out = mean @ p["Wl"] + p["bl"] + x @ p["Wr"]
    # F.normalize(out, p=2, dim=-1)
    norm = jnp.linalg.norm(out, axis=-1, keepdims=True)
    return out / jnp.maximum(norm, 1e-12)


def _batch_norm(x, p):
    mu = x.mean(axis=0)
    var = x.var(axis=0)
    return (x - mu) / jnp.sqrt(var + EPS) * p["gamma"] + p["beta"]


def _forward(x, params, edge_index):
    h = _sage_conv(x, edge_index, params["conv1"])
    h = _batch_norm(h, params["bn1"])
    h = jax.nn.relu(h)
    # dropout is identity in eval mode
    h = _sage_conv(h, edge_index, params["conv2"])
    h = _batch_norm(h, params["bn2"])
    h = jax.nn.relu(h)
    h = _sage_conv(h, edge_index, params["conv3"])
    h = _batch_norm(h, params["bn3"])
    h = jax.nn.relu(h)
    h = _sage_conv(h, edge_index, params["conv4"])
    h = _batch_norm(h, params["bn4"])
    outs = []
    for hp in params["heads"]:
        t = jax.nn.relu(h @ hp["W1"] + hp["b1"])
        t = t @ hp["W2"] + hp["b2"]
        outs.append(t.squeeze(-1))
    return jnp.stack(outs, axis=1)  # [N, n_horizons]


def reference(x, params, edge_index):
    return _forward(x, params, edge_index)

if __name__ == "__main__":
    import jax
    _d = setup_inputs()
    print(jax.jit(kernel)(*tuple(_d.values())))

</pallas_src>

<mosaic_0001>
#map = affine_map<(d0, d1) -> (0, 0)>
#map1 = affine_map<(d0, d1) -> (0, 0, 0)>
module attributes {stable_mosaic.version = 14 : i64} {
  func.func @k(%arg0: i32, %arg1: i32, %arg2: memref<1280x128xi32, #tpu.memory_space<hbm>>, %arg3: memref<128x128xf32, #tpu.memory_space<hbm>>, %arg4: memref<632x128xf32, #tpu.memory_space<hbm>>, %arg5: memref<2x10112x128xf32, #tpu.memory_space<hbm>>, %arg6: memref<40x128xi32, #tpu.memory_space<vmem>>, %arg7: memref<128x128xf32, #tpu.memory_space<vmem>>, %arg8: memref<10112x128xf32, #tpu.memory_space<vmem_shared>>) attributes {dimension_semantics = [#tpu.dimension_semantics<core_parallel>, #tpu.dimension_semantics<subcore_parallel>], iteration_bounds = array<i64: 2, 16>, scalar_prefetch = 0 : i64, scratch_operands = 3 : i64, tpu.core_type = #tpu.core_type<sc_vector_subcore>, window_params = [{transform_indices = #map}, {transform_indices = #map}, {transform_indices = #map}, {transform_indices = #map1}]} {
    %mul3A = arith.constant 632 : i32
    %mul3A_0 = arith.muli %arg1, %mul3A : i32
    %multiple_of3A = tpu.assume_multiple %mul3A_0, 8 : i32
    %mul3A_1 = arith.constant 16 : i32
    %mul3A_2 = arith.muli %arg0, %mul3A_1 : i32
    %add3A = arith.addi %mul3A_2, %arg1 : i32
    %mul3A_3 = arith.constant 40 : i32
    %mul3A_4 = arith.muli %add3A, %mul3A_3 : i32
    "tpu.region"() ({
      %run_scoped3A = tpu.sem_alloc : memref<!tpu.dma_semaphore, #tpu.memory_space<semaphore_mem>>
      %dma_start3A = arith.constant 0 : i32
      %dma_start3A_10 = tpu.memref_slice %arg2[%mul3A_4, %dma_start3A] : memref<1280x128xi32, #tpu.memory_space<hbm>> -> memref<40x128xi32, #tpu.memory_space<hbm>>
      %dma_start3A_11 = arith.constant 0 : i32
      %dma_start3A_12 = tpu.memref_slice %arg2[%mul3A_4, %dma_start3A_11] : memref<1280x128xi32, #tpu.memory_space<hbm>> -> memref<40x128xi32, #tpu.memory_space<hbm>>
      tpu.enqueue_dma source(%dma_start3A_12 : memref<40x128xi32, #tpu.memory_space<hbm>>) target(%arg6 : memref<40x128xi32, #tpu.memory_space<vmem>>) target_semaphore(%run_scoped3A : memref<!tpu.dma_semaphore, #tpu.memory_space<semaphore_mem>>)
      %dma_wait3A = arith.constant 0 : i32
      %dma_wait3A_13 = tpu.memref_slice %arg2[%mul3A_4, %dma_wait3A] : memref<1280x128xi32, #tpu.memory_space<hbm>> -> memref<40x128xi32, #tpu.memory_space<hbm>>
      %dma_wait3A_14 = arith.constant 0 : i32
      %dma_wait3A_15 = tpu.memref_slice %arg2[%mul3A_4, %dma_wait3A_14] : memref<1280x128xi32, #tpu.memory_space<hbm>> -> memref<40x128xi32, #tpu.memory_space<hbm>>
      tpu.wait_dma2 semaphore(%run_scoped3A : memref<!tpu.dma_semaphore, #tpu.memory_space<semaphore_mem>>) src(%dma_wait3A_15 : memref<40x128xi32, #tpu.memory_space<hbm>>) dst(%arg6 : memref<40x128xi32, #tpu.memory_space<vmem>>)
      tpu.yield
    }) : () -> ()
    "tpu.region"() ({
      %run_scoped3A = tpu.sem_alloc : memref<!tpu.dma_semaphore, #tpu.memory_space<semaphore_mem>>
      %dma_start3A = arith.constant 0 : i32
      %dma_start3A_10 = tpu.memref_slice %arg8[%multiple_of3A, %dma_start3A] : memref<10112x128xf32, #tpu.memory_space<vmem_shared>> -> memref<632x128xf32, #tpu.memory_space<vmem_shared>>
      tpu.enqueue_dma source(%arg4 : memref<632x128xf32, #tpu.memory_space<hbm>>) target(%dma_start3A_10 : memref<632x128xf32, #tpu.memory_space<vmem_shared>>) target_semaphore(%run_scoped3A : memref<!tpu.dma_semaphore, #tpu.memory_space<semaphore_mem>>)
      %dma_wait3A = arith.constant 0 : i32
      %dma_wait3A_11 = tpu.memref_slice %arg8[%multiple_of3A, %dma_wait3A] : memref<10112x128xf32, #tpu.memory_space<vmem_shared>> -> memref<632x128xf32, #tpu.memory_space<vmem_shared>>
      tpu.wait_dma2 semaphore(%run_scoped3A : memref<!tpu.dma_semaphore, #tpu.memory_space<semaphore_mem>>) src(%arg4 : memref<632x128xf32, #tpu.memory_space<hbm>>) dst(%dma_wait3A_11 : memref<632x128xf32, #tpu.memory_space<vmem_shared>>)
      tpu.yield
    }) : () -> ()
    "tpu.region"() ({
      %run_scoped3A = tpu.sem_alloc : memref<!tpu.dma_semaphore, #tpu.memory_space<semaphore_mem>>
      tpu.enqueue_dma source(%arg3 : memref<128x128xf32, #tpu.memory_space<hbm>>) target(%arg7 : memref<128x128xf32, #tpu.memory_space<vmem>>) target_semaphore(%run_scoped3A : memref<!tpu.dma_semaphore, #tpu.memory_space<semaphore_mem>>)
      tpu.wait_dma2 semaphore(%run_scoped3A : memref<!tpu.dma_semaphore, #tpu.memory_space<semaphore_mem>>) src(%arg3 : memref<128x128xf32, #tpu.memory_space<hbm>>) dst(%arg7 : memref<128x128xf32, #tpu.memory_space<vmem>>)
      tpu.yield
    }) : () -> ()
    %barrier3A = arith.constant 0 : index
    tpu.barrier barrier_id(%barrier3A)
    %scan3A = arith.constant 0 : i32
    %scan3A_5 = arith.constant 40 : i32
    %scan3A_6 = arith.addi %scan3A, %scan3A_5 : i32
    %scan3A_7 = arith.constant 1 : i32
    scf.for %scan3A_10 = %scan3A to %scan3A_6 step %scan3A_7  : i32 {
      %mul3A_11 = arith.constant 1 : i32
      %mul3A_12 = arith.muli %scan3A_10, %mul3A_11 : i32
      %add3A_13 = arith.constant 0 : i32
      %add3A_14 = arith.addi %add3A_13, %mul3A_12 : i32
      "tpu.region"() ({
        %run_scoped3A = tpu.sem_alloc : memref<!tpu.dma_semaphore, #tpu.memory_space<semaphore_mem>>
        %dma_start3A = arith.constant 0 : i32
        %dma_start3A_15 = tpu.memref_slice %arg6[%add3A_14, %dma_start3A] : memref<40x128xi32, #tpu.memory_space<vmem>> -> memref<1x128xi32, #tpu.memory_space<vmem>>
        %dma_start3A_16 = tpu.memref_squeeze %dma_start3A_15 : memref<1x128xi32, #tpu.memory_space<vmem>> -> memref<128xi32, #tpu.memory_space<vmem>>
        %dma_start3A_17 = arith.constant 0 : i32
        %dma_start3A_18 = arith.constant 0 : i32
        %dma_start3A_19 = tpu.memref_slice %arg8[%dma_start3A_17, %dma_start3A_18] : memref<10112x128xf32, #tpu.memory_space<vmem_shared>> -> memref<10112x128xf32, #tpu.memory_space<vmem_shared>>
        tpu.enqueue_indirect_dma source(%arg7 : memref<128x128xf32, #tpu.memory_space<vmem>>) target(%dma_start3A_19 : memref<10112x128xf32, #tpu.memory_space<vmem_shared>>) offsets(%dma_start3A_16 : memref<128xi32, #tpu.memory_space<vmem>>) semaphore(%run_scoped3A : memref<!tpu.dma_semaphore, #tpu.memory_space<semaphore_mem>>) {add = true}
        %dma_wait3A = arith.constant 0 : i32
        %dma_wait3A_20 = tpu.memref_slice %arg6[%add3A_14, %dma_wait3A] : memref<40x128xi32, #tpu.memory_space<vmem>> -> memref<1x128xi32, #tpu.memory_space<vmem>>
        %dma_wait3A_21 = tpu.memref_squeeze %dma_wait3A_20 : memref<1x128xi32, #tpu.memory_space<vmem>> -> memref<128xi32, #tpu.memory_space<vmem>>
        %dma_wait3A_22 = arith.constant 0 : i32
        %dma_wait3A_23 = arith.constant 0 : i32
        %dma_wait3A_24 = tpu.memref_slice %arg8[%dma_wait3A_22, %dma_wait3A_23] : memref<10112x128xf32, #tpu.memory_space<vmem_shared>> -> memref<10112x128xf32, #tpu.memory_space<vmem_shared>>
        tpu.wait_indirect_dma semaphore(%run_scoped3A : memref<!tpu.dma_semaphore, #tpu.memory_space<semaphore_mem>>) src(%arg7 : memref<128x128xf32, #tpu.memory_space<vmem>>) dst(%dma_wait3A_24 : memref<10112x128xf32, #tpu.memory_space<vmem_shared>>)
        tpu.yield
      }) : () -> ()
    }
    %scan3A_8 = arith.constant 40 : i32
    %barrier3A_9 = arith.constant 0 : index
    tpu.barrier barrier_id(%barrier3A_9)
    "tpu.region"() ({
      %run_scoped3A = tpu.sem_alloc : memref<!tpu.dma_semaphore, #tpu.memory_space<semaphore_mem>>
      %dma_start3A = arith.constant 0 : i32
      %dma_start3A_10 = tpu.memref_slice %arg5[%arg0, %multiple_of3A, %dma_start3A] : memref<2x10112x128xf32, #tpu.memory_space<hbm>> -> memref<1x632x128xf32, #tpu.memory_space<hbm>>
      %dma_start3A_11 = tpu.memref_squeeze %dma_start3A_10 : memref<1x632x128xf32, #tpu.memory_space<hbm>> -> memref<632x128xf32, #tpu.memory_space<hbm>>
      %dma_start3A_12 = arith.constant 0 : i32
      %dma_start3A_13 = tpu.memref_slice %arg8[%multiple_of3A, %dma_start3A_12] : memref<10112x128xf32, #tpu.memory_space<vmem_shared>> -> memref<632x128xf32, #tpu.memory_space<vmem_shared>>
      tpu.enqueue_dma source(%dma_start3A_13 : memref<632x128xf32, #tpu.memory_space<vmem_shared>>) target(%dma_start3A_11 : memref<632x128xf32, #tpu.memory_space<hbm>>) target_semaphore(%run_scoped3A : memref<!tpu.dma_semaphore, #tpu.memory_space<semaphore_mem>>)
      %dma_wait3A = arith.constant 0 : i32
      %dma_wait3A_14 = tpu.memref_slice %arg5[%arg0, %multiple_of3A, %dma_wait3A] : memref<2x10112x128xf32, #tpu.memory_space<hbm>> -> memref<1x632x128xf32, #tpu.memory_space<hbm>>
      %dma_wait3A_15 = tpu.memref_squeeze %dma_wait3A_14 : memref<1x632x128xf32, #tpu.memory_space<hbm>> -> memref<632x128xf32, #tpu.memory_space<hbm>>
      %dma_wait3A_16 = arith.constant 0 : i32
      %dma_wait3A_17 = tpu.memref_slice %arg8[%multiple_of3A, %dma_wait3A_16] : memref<10112x128xf32, #tpu.memory_space<vmem_shared>> -> memref<632x128xf32, #tpu.memory_space<vmem_shared>>
      tpu.wait_dma2 semaphore(%run_scoped3A : memref<!tpu.dma_semaphore, #tpu.memory_space<semaphore_mem>>) src(%dma_wait3A_17 : memref<632x128xf32, #tpu.memory_space<vmem_shared>>) dst(%dma_wait3A_15 : memref<632x128xf32, #tpu.memory_space<hbm>>)
      tpu.yield
    }) : () -> ()
    return
  }
}

#map = affine_map<(d0, d1) -> (0, 0)>
#map1 = affine_map<(d0, d1) -> (0, 0, 0)>
module attributes {stable_mosaic.version = 14 : i64} {
  func.func @k(%arg0: i32, %arg1: i32, %arg2: memref<20000x128xf32, #tpu.memory_space<hbm>>, %arg3: memref<2x1280x128xi32, #tpu.memory_space<hbm>>, %arg4: memref<1280x128xi32, #tpu.memory_space<hbm>>, %arg5: memref<632x128xf32, #tpu.memory_space<hbm>>, %arg6: memref<2x10112x128xf32, #tpu.memory_space<hbm>>, %arg7: memref<40x128xi32, #tpu.memory_space<vmem>>, %arg8: memref<40x128xi32, #tpu.memory_space<vmem>>, %arg9: memref<128x128xf32, #tpu.memory_space<vmem>>, %arg10: memref<128x128xf32, #tpu.memory_space<vmem>>, %arg11: memref<10112x128xf32, #tpu.memory_space<vmem_shared>>, %arg12: memref<!tpu.dma_semaphore, #tpu.memory_space<semaphore_mem>>, %arg13: memref<!tpu.dma_semaphore, #tpu.memory_space<semaphore_mem>>) attributes {dimension_semantics = [#tpu.dimension_semantics<core_parallel>, #tpu.dimension_semantics<subcore_parallel>], iteration_bounds = array<i64: 2, 16>, scalar_prefetch = 0 : i64, scratch_operands = 7 : i64, tpu.core_type = #tpu.core_type<sc_vector_subcore>, window_params = [{transform_indices = #map}, {transform_indices = #map1}, {transform_indices = #map}, {transform_indices = #map}, {transform_indices = #map1}]} {
    %mul3A = arith.constant 632 : i32
    %mul3A_0 = arith.muli %arg1, %mul3A : i32
    %multiple_of3A = tpu.assume_multiple %mul3A_0, 8 : i32
    %mul3A_1 = arith.constant 80 : i32
    %mul3A_2 = arith.muli %arg1, %mul3A_1 : i32
    "tpu.region"() ({
      %run_scoped3A = tpu.sem_alloc : memref<!tpu.dma_semaphore, #tpu.memory_space<semaphore_mem>>
      %dma_start3A_47 = arith.constant 0 : i32
      %dma_start3A_48 = tpu.memref_slice %arg11[%multiple_of3A, %dma_start3A_47] : memref<10112x128xf32, #tpu.memory_space<vmem_shared>> -> memref<632x128xf32, #tpu.memory_space<vmem_shared>>
      tpu.enqueue_dma source(%arg5 : memref<632x128xf32, #tpu.memory_space<hbm>>) target(%dma_start3A_48 : memref<632x128xf32, #tpu.memory_space<vmem_shared>>) target_semaphore(%run_scoped3A : memref<!tpu.dma_semaphore, #tpu.memory_space<semaphore_mem>>)
      %dma_wait3A = arith.constant 0 : i32
      %dma_wait3A_49 = tpu.memref_slice %arg11[%multiple_of3A, %dma_wait3A] : memref<10112x128xf32, #tpu.memory_space<vmem_shared>> -> memref<632x128xf32, #tpu.memory_space<vmem_shared>>
      tpu.wait_dma2 semaphore(%run_scoped3A : memref<!tpu.dma_semaphore, #tpu.memory_space<semaphore_mem>>) src(%arg5 : memref<632x128xf32, #tpu.memory_space<hbm>>) dst(%dma_wait3A_49 : memref<632x128xf32, #tpu.memory_space<vmem_shared>>)
      tpu.yield
    }) : () -> ()
    %barrier3A = arith.constant 0 : index
    tpu.barrier barrier_id(%barrier3A)
    %add3A = arith.constant 0 : i32
    %add3A_3 = arith.addi %mul3A_2, %add3A : i32
    "tpu.region"() ({
      %run_scoped3A = tpu.sem_alloc : memref<!tpu.dma_semaphore, #tpu.memory_space<semaphore_mem>>
      %dma_start3A_47 = arith.constant 0 : i32
      %dma_start3A_48 = tpu.memref_slice %arg3[%arg0, %add3A_3, %dma_start3A_47] : memref<2x1280x128xi32, #tpu.memory_space<hbm>> -> memref<1x40x128xi32, #tpu.memory_space<hbm>>
      %dma_start3A_49 = tpu.memref_squeeze %dma_start3A_48 : memref<1x40x128xi32, #tpu.memory_space<hbm>> -> memref<40x128xi32, #tpu.memory_space<hbm>>
      %dma_start3A_50 = arith.constant 0 : i32
      %dma_start3A_51 = tpu.memref_slice %arg3[%arg0, %add3A_3, %dma_start3A_50] : memref<2x1280x128xi32, #tpu.memory_space<hbm>> -> memref<1x40x128xi32, #tpu.memory_space<hbm>>
      %dma_start3A_52 = tpu.memref_squeeze %dma_start3A_51 : memref<1x40x128xi32, #tpu.memory_space<hbm>> -> memref<40x128xi32, #tpu.memory_space<hbm>>
      tpu.enqueue_dma source(%dma_start3A_52 : memref<40x128xi32, #tpu.memory_space<hbm>>) target(%arg7 : memref<40x128xi32, #tpu.memory_space<vmem>>) target_semaphore(%run_scoped3A : memref<!tpu.dma_semaphore, #tpu.memory_space<semaphore_mem>>)
      %dma_wait3A = arith.constant 0 : i32
      %dma_wait3A_53 = tpu.memref_slice %arg3[%arg0, %add3A_3, %dma_wait3A] : memref<2x1280x128xi32, #tpu.memory_space<hbm>> -> memref<1x40x128xi32, #tpu.memory_space<hbm>>
      %dma_wait3A_54 = tpu.memref_squeeze %dma_wait3A_53 : memref<1x40x128xi32, #tpu.memory_space<hbm>> -> memref<40x128xi32, #tpu.memory_space<hbm>>
      %dma_wait3A_55 = arith.constant 0 : i32
      %dma_wait3A_56 = tpu.memref_slice %arg3[%arg0, %add3A_3, %dma_wait3A_55] : memref<2x1280x128xi32, #tpu.memory_space<hbm>> -> memref<1x40x128xi32, #tpu.memory_space<hbm>>
      %dma_wait3A_57 = tpu.memref_squeeze %dma_wait3A_56 : memref<1x40x128xi32, #tpu.memory_space<hbm>> -> memref<40x128xi32, #tpu.memory_space<hbm>>
      tpu.wait_dma2 semaphore(%run_scoped3A : memref<!tpu.dma_semaphore, #tpu.memory_space<semaphore_mem>>) src(%dma_wait3A_57 : memref<40x128xi32, #tpu.memory_space<hbm>>) dst(%arg7 : memref<40x128xi32, #tpu.memory_space<vmem>>)
      tpu.yield
    }) : () -> ()
    %add3A_4 = arith.constant 0 : i32
    %add3A_5 = arith.addi %mul3A_2, %add3A_4 : i32
    "tpu.region"() ({
      %run_scoped3A = tpu.sem_alloc : memref<!tpu.dma_semaphore, #tpu.memory_space<semaphore_mem>>
      %dma_start3A_47 = arith.constant 0 : i32
      %dma_start3A_48 = tpu.memref_slice %arg4[%add3A_5, %dma_start3A_47] : memref<1280x128xi32, #tpu.memory_space<hbm>> -> memref<40x128xi32, #tpu.memory_space<hbm>>
      %dma_start3A_49 = arith.constant 0 : i32
      %dma_start3A_50 = tpu.memref_slice %arg4[%add3A_5, %dma_start3A_49] : memref<1280x128xi32, #tpu.memory_space<hbm>> -> memref<40x128xi32, #tpu.memory_space<hbm>>
      tpu.enqueue_dma source(%dma_start3A_50 : memref<40x128xi32, #tpu.memory_space<hbm>>) target(%arg8 : memref<40x128xi32, #tpu.memory_space<vmem>>) target_semaphore(%run_scoped3A : memref<!tpu.dma_semaphore, #tpu.memory_space<semaphore_mem>>)
      %dma_wait3A = arith.constant 0 : i32
      %dma_wait3A_51 = tpu.memref_slice %arg4[%add3A_5, %dma_wait3A] : memref<1280x128xi32, #tpu.memory_space<hbm>> -> memref<40x128xi32, #tpu.memory_space<hbm>>
      %dma_wait3A_52 = arith.constant 0 : i32
      %dma_wait3A_53 = tpu.memref_slice %arg4[%add3A_5, %dma_wait3A_52] : memref<1280x128xi32, #tpu.memory_space<hbm>> -> memref<40x128xi32, #tpu.memory_space<hbm>>
      tpu.wait_dma2 semaphore(%run_scoped3A : memref<!tpu.dma_semaphore, #tpu.memory_space<semaphore_mem>>) src(%dma_wait3A_53 : memref<40x128xi32, #tpu.memory_space<hbm>>) dst(%arg8 : memref<40x128xi32, #tpu.memory_space<vmem>>)
      tpu.yield
    }) : () -> ()
    %dma_start3A = arith.constant 0 : i32
    %dma_start3A_6 = arith.constant 0 : i32
    %dma_start3A_7 = tpu.memref_slice %arg7[%dma_start3A, %dma_start3A_6] : memref<40x128xi32, #tpu.memory_space<vmem>> -> memref<1x128xi32, #tpu.memory_space<vmem>>
    %dma_start3A_8 = tpu.memref_squeeze %dma_start3A_7 : memref<1x128xi32, #tpu.memory_space<vmem>> -> memref<128xi32, #tpu.memory_space<vmem>>
    %dma_start3A_9 = arith.constant 0 : i32
    %dma_start3A_10 = arith.constant 0 : i32
    %dma_start3A_11 = tpu.memref_slice %arg2[%dma_start3A_9, %dma_start3A_10] : memref<20000x128xf32, #tpu.memory_space<hbm>> -> memref<20000x128xf32, #tpu.memory_space<hbm>>
    tpu.enqueue_indirect_dma source(%dma_start3A_11 : memref<20000x128xf32, #tpu.memory_space<hbm>>) target(%arg9 : memref<128x128xf32, #tpu.memory_space<vmem>>) offsets(%dma_start3A_8 : memref<128xi32, #tpu.memory_space<vmem>>) semaphore(%arg12 : memref<!tpu.dma_semaphore, #tpu.memory_space<semaphore_mem>>)
    %dma_start3A_12 = arith.constant 1 : i32
    %dma_start3A_13 = arith.constant 0 : i32
    %dma_start3A_14 = tpu.memref_slice %arg7[%dma_start3A_12, %dma_start3A_13] : memref<40x128xi32, #tpu.memory_space<vmem>> -> memref<1x128xi32, #tpu.memory_space<vmem>>
    %dma_start3A_15 = tpu.memref_squeeze %dma_start3A_14 : memref<1x128xi32, #tpu.memory_space<vmem>> -> memref<128xi32, #tpu.memory_space<vmem>>
    %dma_start3A_16 = arith.constant 0 : i32
    %dma_start3A_17 = arith.constant 0 : i32
    %dma_start3A_18 = tpu.memref_slice %arg2[%dma_start3A_16, %dma_start3A_17] : memref<20000x128xf32, #tpu.memory_space<hbm>> -> memref<20000x128xf32, #tpu.memory_space<hbm>>
    tpu.enqueue_indirect_dma source(%dma_start3A_18 : memref<20000x128xf32, #tpu.memory_space<hbm>>) target(%arg10 : memref<128x128xf32, #tpu.memory_space<vmem>>) offsets(%dma_start3A_15 : memref<128xi32, #tpu.memory_space<vmem>>) semaphore(%arg13 : memref<!tpu.dma_semaphore, #tpu.memory_space<semaphore_mem>>)
    %scan3A = arith.constant 0 : i32
    %scan3A_19 = arith.constant 20 : i32
    %scan3A_20 = arith.addi %scan3A, %scan3A_19 : i32
    %scan3A_21 = arith.constant 1 : i32
    scf.for %scan3A_47 = %scan3A to %scan3A_20 step %scan3A_21  : i32 {
      %mul3A_48 = arith.constant 1 : i32
      %mul3A_49 = arith.muli %scan3A_47, %mul3A_48 : i32
      %add3A_50 = arith.constant 0 : i32
      %add3A_51 = arith.addi %add3A_50, %mul3A_49 : i32
      %mul3A_52 = arith.constant 2 : i32
      %mul3A_53 = arith.muli %add3A_51, %mul3A_52 : i32
      %dma_wait3A = arith.constant 0 : i32
      %dma_wait3A_54 = tpu.memref_slice %arg7[%mul3A_53, %dma_wait3A] : memref<40x128xi32, #tpu.memory_space<vmem>> -> memref<1x128xi32, #tpu.memory_space<vmem>>
      %dma_wait3A_55 = tpu.memref_squeeze %dma_wait3A_54 : memref<1x128xi32, #tpu.memory_space<vmem>> -> memref<128xi32, #tpu.memory_space<vmem>>
      %dma_wait3A_56 = arith.constant 0 : i32
      %dma_wait3A_57 = arith.constant 0 : i32
      %dma_wait3A_58 = tpu.memref_slice %arg2[%dma_wait3A_56, %dma_wait3A_57] : memref<20000x128xf32, #tpu.memory_space<hbm>> -> memref<20000x128xf32, #tpu.memory_space<hbm>>
      tpu.wait_indirect_dma semaphore(%arg12 : memref<!tpu.dma_semaphore, #tpu.memory_space<semaphore_mem>>) src(%dma_wait3A_58 : memref<20000x128xf32, #tpu.memory_space<hbm>>) dst(%arg9 : memref<128x128xf32, #tpu.memory_space<vmem>>)
      "tpu.region"() ({
        %run_scoped3A = tpu.sem_alloc : memref<!tpu.dma_semaphore, #tpu.memory_space<semaphore_mem>>
        %dma_start3A_78 = arith.constant 0 : i32
        %dma_start3A_79 = tpu.memref_slice %arg8[%mul3A_53, %dma_start3A_78] : memref<40x128xi32, #tpu.memory_space<vmem>> -> memref<1x128xi32, #tpu.memory_space<vmem>>
        %dma_start3A_80 = tpu.memref_squeeze %dma_start3A_79 : memref<1x128xi32, #tpu.memory_space<vmem>> -> memref<128xi32, #tpu.memory_space<vmem>>
        %dma_start3A_81 = arith.constant 0 : i32
        %dma_start3A_82 = arith.constant 0 : i32
        %dma_start3A_83 = tpu.memref_slice %arg11[%dma_start3A_81, %dma_start3A_82] : memref<10112x128xf32, #tpu.memory_space<vmem_shared>> -> memref<10112x128xf32, #tpu.memory_space<vmem_shared>>
        tpu.enqueue_indirect_dma source(%arg9 : memref<128x128xf32, #tpu.memory_space<vmem>>) target(%dma_start3A_83 : memref<10112x128xf32, #tpu.memory_space<vmem_shared>>) offsets(%dma_start3A_80 : memref<128xi32, #tpu.memory_space<vmem>>) semaphore(%run_scoped3A : memref<!tpu.dma_semaphore, #tpu.memory_space<semaphore_mem>>) {add = true}
        %dma_wait3A_84 = arith.constant 0 : i32
        %dma_wait3A_85 = tpu.memref_slice %arg8[%mul3A_53, %dma_wait3A_84] : memref<40x128xi32, #tpu.memory_space<vmem>> -> memref<1x128xi32, #tpu.memory_space<vmem>>
        %dma_wait3A_86 = tpu.memref_squeeze %dma_wait3A_85 : memref<1x128xi32, #tpu.memory_space<vmem>> -> memref<128xi32, #tpu.memory_space<vmem>>
        %dma_wait3A_87 = arith.constant 0 : i32
        %dma_wait3A_88 = arith.constant 0 : i32
        %dma_wait3A_89 = tpu.memref_slice %arg11[%dma_wait3A_87, %dma_wait3A_88] : memref<10112x128xf32, #tpu.memory_space<vmem_shared>> -> memref<10112x128xf32, #tpu.memory_space<vmem_shared>>
        tpu.wait_indirect_dma semaphore(%run_scoped3A : memref<!tpu.dma_semaphore, #tpu.memory_space<semaphore_mem>>) src(%arg9 : memref<128x128xf32, #tpu.memory_space<vmem>>) dst(%dma_wait3A_89 : memref<10112x128xf32, #tpu.memory_space<vmem_shared>>)
        tpu.yield
      }) : () -> ()
      %add3A_59 = arith.constant 2 : i32
      %add3A_60 = arith.addi %mul3A_53, %add3A_59 : i32
      %lt3A = arith.constant 40 : i32
      %lt3A_61 = arith.cmpi slt, %add3A_60, %lt3A : i32
      %convert_element_type3A = arith.extui %lt3A_61 : i1 to i32
      %cond3A = arith.constant 0 : i32
      %cond3A_62 = arith.cmpi ne, %convert_element_type3A, %cond3A : i32
      scf.if %cond3A_62 {
        %add3A_78 = arith.constant 2 : i32
        %add3A_79 = arith.addi %mul3A_53, %add3A_78 : i32
        %dma_start3A_80 = arith.constant 0 : i32
        %dma_start3A_81 = tpu.memref_slice %arg7[%add3A_79, %dma_start3A_80] : memref<40x128xi32, #tpu.memory_space<vmem>> -> memref<1x128xi32, #tpu.memory_space<vmem>>
        %dma_start3A_82 = tpu.memref_squeeze %dma_start3A_81 : memref<1x128xi32, #tpu.memory_space<vmem>> -> memref<128xi32, #tpu.memory_space<vmem>>
        %dma_start3A_83 = arith.constant 0 : i32
        %dma_start3A_84 = arith.constant 0 : i32
        %dma_start3A_85 = tpu.memref_slice %arg2[%dma_start3A_83, %dma_start3A_84] : memref<20000x128xf32, #tpu.memory_space<hbm>> -> memref<20000x128xf32, #tpu.memory_space<hbm>>
        tpu.enqueue_indirect_dma source(%dma_start3A_85 : memref<20000x128xf32, #tpu.memory_space<hbm>>) target(%arg9 : memref<128x128xf32, #tpu.memory_space<vmem>>) offsets(%dma_start3A_82 : memref<128xi32, #tpu.memory_space<vmem>>) semaphore(%arg12 : memref<!tpu.dma_semaphore, #tpu.memory_space<semaphore_mem>>)
      } else {
      }
      %dma_wait3A_63 = arith.constant 0 : i32
      %dma_wait3A_64 = tpu.memref_slice %arg7[%mul3A_53, %dma_wait3A_63] : memref<40x128xi32, #tpu.memory_space<vmem>> -> memref<1x128xi32, #tpu.memory_space<vmem>>
      %dma_wait3A_65 = tpu.memref_squeeze %dma_wait3A_64 : memref<1x128xi32, #tpu.memory_space<vmem>> -> memref<128xi32, #tpu.memory_space<vmem>>
      %dma_wait3A_66 = arith.constant 0 : i32
      %dma_wait3A_67 = arith.constant 0 : i32
      %dma_wait3A_68 = tpu.memref_slice %arg2[%dma_wait3A_66, %dma_wait3A_67] : memref<20000x128xf32, #tpu.memory_space<hbm>> -> memref<20000x128xf32, #tpu.memory_space<hbm>>
      tpu.wait_indirect_dma semaphore(%arg13 : memref<!tpu.dma_semaphore, #tpu.memory_space<semaphore_mem>>) src(%dma_wait3A_68 : memref<20000x128xf32, #tpu.memory_space<hbm>>) dst(%arg10 : memref<128x128xf32, #tpu.memory_space<vmem>>)
      %add3A_69 = arith.constant 1 : i32
      %add3A_70 = arith.addi %mul3A_53, %add3A_69 : i32
      "tpu.region"() ({
        %run_scoped3A = tpu.sem_alloc : memref<!tpu.dma_semaphore, #tpu.memory_space<semaphore_mem>>
        %dma_start3A_78 = arith.constant 0 : i32
        %dma_start3A_79 = tpu.memref_slice %arg8[%add3A_70, %dma_start3A_78] : memref<40x128xi32, #tpu.memory_space<vmem>> -> memref<1x128xi32, #tpu.memory_space<vmem>>
        %dma_start3A_80 = tpu.memref_squeeze %dma_start3A_79 : memref<1x128xi32, #tpu.memory_space<vmem>> -> memref<128xi32, #tpu.memory_space<vmem>>
        %dma_start3A_81 = arith.constant 0 : i32
        %dma_start3A_82 = arith.constant 0 : i32
        %dma_start3A_83 = tpu.memref_slice %arg11[%dma_start3A_81, %dma_start3A_82] : memref<10112x128xf32, #tpu.memory_space<vmem_shared>> -> memref<10112x128xf32, #tpu.memory_space<vmem_shared>>
        tpu.enqueue_indirect_dma source(%arg10 : memref<128x128xf32, #tpu.memory_space<vmem>>) target(%dma_start3A_83 : memref<10112x128xf32, #tpu.memory_space<vmem_shared>>) offsets(%dma_start3A_80 : memref<128xi32, #tpu.memory_space<vmem>>) semaphore(%run_scoped3A : memref<!tpu.dma_semaphore, #tpu.memory_space<semaphore_mem>>) {add = true}
        %dma_wait3A_84 = arith.constant 0 : i32
        %dma_wait3A_85 = tpu.memref_slice %arg8[%add3A_70, %dma_wait3A_84] : memref<40x128xi32, #tpu.memory_space<vmem>> -> memref<1x128xi32, #tpu.memory_space<vmem>>
        %dma_wait3A_86 = tpu.memref_squeeze %dma_wait3A_85 : memref<1x128xi32, #tpu.memory_space<vmem>> -> memref<128xi32, #tpu.memory_space<vmem>>
        %dma_wait3A_87 = arith.constant 0 : i32
        %dma_wait3A_88 = arith.constant 0 : i32
        %dma_wait3A_89 = tpu.memref_slice %arg11[%dma_wait3A_87, %dma_wait3A_88] : memref<10112x128xf32, #tpu.memory_space<vmem_shared>> -> memref<10112x128xf32, #tpu.memory_space<vmem_shared>>
        tpu.wait_indirect_dma semaphore(%run_scoped3A : memref<!tpu.dma_semaphore, #tpu.memory_space<semaphore_mem>>) src(%arg10 : memref<128x128xf32, #tpu.memory_space<vmem>>) dst(%dma_wait3A_89 : memref<10112x128xf32, #tpu.memory_space<vmem_shared>>)
        tpu.yield
      }) : () -> ()
      %add3A_71 = arith.constant 3 : i32
      %add3A_72 = arith.addi %mul3A_53, %add3A_71 : i32
      %lt3A_73 = arith.constant 40 : i32
      %lt3A_74 = arith.cmpi slt, %add3A_72, %lt3A_73 : i32
      %convert_element_type3A_75 = arith.extui %lt3A_74 : i1 to i32
      %cond3A_76 = arith.constant 0 : i32
      %cond3A_77 = arith.cmpi ne, %convert_element_type3A_75, %cond3A_76 : i32
      scf.if %cond3A_77 {
        %add3A_78 = arith.constant 3 : i32
        %add3A_79 = arith.addi %mul3A_53, %add3A_78 : i32
        %dma_start3A_80 = arith.constant 0 : i32
        %dma_start3A_81 = tpu.memref_slice %arg7[%add3A_79, %dma_start3A_80] : memref<40x128xi32, #tpu.memory_space<vmem>> -> memref<1x128xi32, #tpu.memory_space<vmem>>
        %dma_start3A_82 = tpu.memref_squeeze %dma_start3A_81 : memref<1x128xi32, #tpu.memory_space<vmem>> -> memref<128xi32, #tpu.memory_space<vmem>>
        %dma_start3A_83 = arith.constant 0 : i32
        %dma_start3A_84 = arith.constant 0 : i32
        %dma_start3A_85 = tpu.memref_slice %arg2[%dma_start3A_83, %dma_start3A_84] : memref<20000x128xf32, #tpu.memory_space<hbm>> -> memref<20000x128xf32, #tpu.memory_space<hbm>>
        tpu.enqueue_indirect_dma source(%dma_start3A_85 : memref<20000x128xf32, #tpu.memory_space<hbm>>) target(%arg10 : memref<128x128xf32, #tpu.memory_space<vmem>>) offsets(%dma_start3A_82 : memref<128xi32, #tpu.memory_space<vmem>>) semaphore(%arg13 : memref<!tpu.dma_semaphore, #tpu.memory_space<semaphore_mem>>)
      } else {
      }
    }
    %scan3A_22 = arith.constant 20 : i32
    %add3A_23 = arith.constant 40 : i32
    %add3A_24 = arith.addi %mul3A_2, %add3A_23 : i32
    "tpu.region"() ({
      %run_scoped3A = tpu.sem_alloc : memref<!tpu.dma_semaphore, #tpu.memory_space<semaphore_mem>>
      %dma_start3A_47 = arith.constant 0 : i32
      %dma_start3A_48 = tpu.memref_slice %arg3[%arg0, %add3A_24, %dma_start3A_47] : memref<2x1280x128xi32, #tpu.memory_space<hbm>> -> memref<1x40x128xi32, #tpu.memory_space<hbm>>
      %dma_start3A_49 = tpu.memref_squeeze %dma_start3A_48 : memref<1x40x128xi32, #tpu.memory_space<hbm>> -> memref<40x128xi32, #tpu.memory_space<hbm>>
      %dma_start3A_50 = arith.constant 0 : i32
      %dma_start3A_51 = tpu.memref_slice %arg3[%arg0, %add3A_24, %dma_start3A_50] : memref<2x1280x128xi32, #tpu.memory_space<hbm>> -> memref<1x40x128xi32, #tpu.memory_space<hbm>>
      %dma_start3A_52 = tpu.memref_squeeze %dma_start3A_51 : memref<1x40x128xi32, #tpu.memory_space<hbm>> -> memref<40x128xi32, #tpu.memory_space<hbm>>
      tpu.enqueue_dma source(%dma_start3A_52 : memref<40x128xi32, #tpu.memory_space<hbm>>) target(%arg7 : memref<40x128xi32, #tpu.memory_space<vmem>>) target_semaphore(%run_scoped3A : memref<!tpu.dma_semaphore, #tpu.memory_space<semaphore_mem>>)
      %dma_wait3A = arith.constant 0 : i32
      %dma_wait3A_53 = tpu.memref_slice %arg3[%arg0, %add3A_24, %dma_wait3A] : memref<2x1280x128xi32, #tpu.memory_space<hbm>> -> memref<1x40x128xi32, #tpu.memory_space<hbm>>
      %dma_wait3A_54 = tpu.memref_squeeze %dma_wait3A_53 : memref<1x40x128xi32, #tpu.memory_space<hbm>> -> memref<40x128xi32, #tpu.memory_space<hbm>>
      %dma_wait3A_55 = arith.constant 0 : i32
      %dma_wait3A_56 = tpu.memref_slice %arg3[%arg0, %add3A_24, %dma_wait3A_55] : memref<2x1280x128xi32, #tpu.memory_space<hbm>> -> memref<1x40x128xi32, #tpu.memory_space<hbm>>
      %dma_wait3A_57 = tpu.memref_squeeze %dma_wait3A_56 : memref<1x40x128xi32, #tpu.memory_space<hbm>> -> memref<40x128xi32, #tpu.memory_space<hbm>>
      tpu.wait_dma2 semaphore(%run_scoped3A : memref<!tpu.dma_semaphore, #tpu.memory_space<semaphore_mem>>) src(%dma_wait3A_57 : memref<40x128xi32, #tpu.memory_space<hbm>>) dst(%arg7 : memref<40x128xi32, #tpu.memory_space<vmem>>)
      tpu.yield
    }) : () -> ()
    %add3A_25 = arith.constant 40 : i32
    %add3A_26 = arith.addi %mul3A_2, %add3A_25 : i32
    "tpu.region"() ({
      %run_scoped3A = tpu.sem_alloc : memref<!tpu.dma_semaphore, #tpu.memory_space<semaphore_mem>>
      %dma_start3A_47 = arith.constant 0 : i32
      %dma_start3A_48 = tpu.memref_slice %arg4[%add3A_26, %dma_start3A_47] : memref<1280x128xi32, #tpu.memory_space<hbm>> -> memref<40x128xi32, #tpu.memory_space<hbm>>
      %dma_start3A_49 = arith.constant 0 : i32
      %dma_start3A_50 = tpu.memref_slice %arg4[%add3A_26, %dma_start3A_49] : memref<1280x128xi32, #tpu.memory_space<hbm>> -> memref<40x128xi32, #tpu.memory_space<hbm>>
      tpu.enqueue_dma source(%dma_start3A_50 : memref<40x128xi32, #tpu.memory_space<hbm>>) target(%arg8 : memref<40x128xi32, #tpu.memory_space<vmem>>) target_semaphore(%run_scoped3A : memref<!tpu.dma_semaphore, #tpu.memory_space<semaphore_mem>>)
      %dma_wait3A = arith.constant 0 : i32
      %dma_wait3A_51 = tpu.memref_slice %arg4[%add3A_26, %dma_wait3A] : memref<1280x128xi32, #tpu.memory_space<hbm>> -> memref<40x128xi32, #tpu.memory_space<hbm>>
      %dma_wait3A_52 = arith.constant 0 : i32
      %dma_wait3A_53 = tpu.memref_slice %arg4[%add3A_26, %dma_wait3A_52] : memref<1280x128xi32, #tpu.memory_space<hbm>> -> memref<40x128xi32, #tpu.memory_space<hbm>>
      tpu.wait_dma2 semaphore(%run_scoped3A : memref<!tpu.dma_semaphore, #tpu.memory_space<semaphore_mem>>) src(%dma_wait3A_53 : memref<40x128xi32, #tpu.memory_space<hbm>>) dst(%arg8 : memref<40x128xi32, #tpu.memory_space<vmem>>)
      tpu.yield
    }) : () -> ()
    %dma_start3A_27 = arith.constant 0 : i32
    %dma_start3A_28 = arith.constant 0 : i32
    %dma_start3A_29 = tpu.memref_slice %arg7[%dma_start3A_27, %dma_start3A_28] : memref<40x128xi32, #tpu.memory_space<vmem>> -> memref<1x128xi32, #tpu.memory_space<vmem>>
    %dma_start3A_30 = tpu.memref_squeeze %dma_start3A_29 : memref<1x128xi32, #tpu.memory_space<vmem>> -> memref<128xi32, #tpu.memory_space<vmem>>
    %dma_start3A_31 = arith.constant 0 : i32
    %dma_start3A_32 = arith.constant 0 : i32
    %dma_start3A_33 = tpu.memref_slice %arg2[%dma_start3A_31, %dma_start3A_32] : memref<20000x128xf32, #tpu.memory_space<hbm>> -> memref<20000x128xf32, #tpu.memory_space<hbm>>
    tpu.enqueue_indirect_dma source(%dma_start3A_33 : memref<20000x128xf32, #tpu.memory_space<hbm>>) target(%arg9 : memref<128x128xf32, #tpu.memory_space<vmem>>) offsets(%dma_start3A_30 : memref<128xi32, #tpu.memory_space<vmem>>) semaphore(%arg12 : memref<!tpu.dma_semaphore, #tpu.memory_space<semaphore_mem>>)
    %dma_start3A_34 = arith.constant 1 : i32
    %dma_start3A_35 = arith.constant 0 : i32
    %dma_start3A_36 = tpu.memref_slice %arg7[%dma_start3A_34, %dma_start3A_35] : memref<40x128xi32, #tpu.memory_space<vmem>> -> memref<1x128xi32, #tpu.memory_space<vmem>>
    %dma_start3A_37 = tpu.memref_squeeze %dma_start3A_36 : memref<1x128xi32, #tpu.memory_space<vmem>> -> memref<128xi32, #tpu.memory_space<vmem>>
    %dma_start3A_38 = arith.constant 0 : i32
    %dma_start3A_39 = arith.constant 0 : i32
    %dma_start3A_40 = tpu.memref_slice %arg2[%dma_start3A_38, %dma_start3A_39] : memref<20000x128xf32, #tpu.memory_space<hbm>> -> memref<20000x128xf32, #tpu.memory_space<hbm>>
    tpu.enqueue_indirect_dma source(%dma_start3A_40 : memref<20000x128xf32, #tpu.memory_space<hbm>>) target(%arg10 : memref<128x128xf32, #tpu.memory_space<vmem>>) offsets(%dma_start3A_37 : memref<128xi32, #tpu.memory_space<vmem>>) semaphore(%arg13 : memref<!tpu.dma_semaphore, #tpu.memory_space<semaphore_mem>>)
    %scan3A_41 = arith.constant 0 : i32
    %scan3A_42 = arith.constant 20 : i32
    %scan3A_43 = arith.addi %scan3A_41, %scan3A_42 : i32
    %scan3A_44 = arith.constant 1 : i32
    scf.for %scan3A_47 = %scan3A_41 to %scan3A_43 step %scan3A_44  : i32 {
      %mul3A_48 = arith.constant 1 : i32
      %mul3A_49 = arith.muli %scan3A_47, %mul3A_48 : i32
      %add3A_50 = arith.constant 0 : i32
      %add3A_51 = arith.addi %add3A_50, %mul3A_49 : i32
      %mul3A_52 = arith.constant 2 : i32
      %mul3A_53 = arith.muli %add3A_51, %mul3A_52 : i32
      %dma_wait3A = arith.constant 0 : i32
      %dma_wait3A_54 = tpu.memref_slice %arg7[%mul3A_53, %dma_wait3A] : memref<40x128xi32, #tpu.memory_space<vmem>> -> memref<1x128xi32, #tpu.memory_space<vmem>>
      %dma_wait3A_55 = tpu.memref_squeeze %dma_wait3A_54 : memref<1x128xi32, #tpu.memory_space<vmem>> -> memref<128xi32, #tpu.memory_space<vmem>>
      %dma_wait3A_56 = arith.constant 0 : i32
      %dma_wait3A_57 = arith.constant 0 : i32
      %dma_wait3A_58 = tpu.memref_slice %arg2[%dma_wait3A_56, %dma_wait3A_57] : memref<20000x128xf32, #tpu.memory_space<hbm>> -> memref<20000x128xf32, #tpu.memory_space<hbm>>
      tpu.wait_indirect_dma semaphore(%arg12 : memref<!tpu.dma_semaphore, #tpu.memory_space<semaphore_mem>>) src(%dma_wait3A_58 : memref<20000x128xf32, #tpu.memory_space<hbm>>) dst(%arg9 : memref<128x128xf32, #tpu.memory_space<vmem>>)
      "tpu.region"() ({
        %run_scoped3A = tpu.sem_alloc : memref<!tpu.dma_semaphore, #tpu.memory_space<semaphore_mem>>
        %dma_start3A_78 = arith.constant 0 : i32
        %dma_start3A_79 = tpu.memref_slice %arg8[%mul3A_53, %dma_start3A_78] : memref<40x128xi32, #tpu.memory_space<vmem>> -> memref<1x128xi32, #tpu.memory_space<vmem>>
        %dma_start3A_80 = tpu.memref_squeeze %dma_start3A_79 : memref<1x128xi32, #tpu.memory_space<vmem>> -> memref<128xi32, #tpu.memory_space<vmem>>
        %dma_start3A_81 = arith.constant 0 : i32
        %dma_start3A_82 = arith.constant 0 : i32
        %dma_start3A_83 = tpu.memref_slice %arg11[%dma_start3A_81, %dma_start3A_82] : memref<10112x128xf32, #tpu.memory_space<vmem_shared>> -> memref<10112x128xf32, #tpu.memory_space<vmem_shared>>
        tpu.enqueue_indirect_dma source(%arg9 : memref<128x128xf32, #tpu.memory_space<vmem>>) target(%dma_start3A_83 : memref<10112x128xf32, #tpu.memory_space<vmem_shared>>) offsets(%dma_start3A_80 : memref<128xi32, #tpu.memory_space<vmem>>) semaphore(%run_scoped3A : memref<!tpu.dma_semaphore, #tpu.memory_space<semaphore_mem>>) {add = true}
        %dma_wait3A_84 = arith.constant 0 : i32
        %dma_wait3A_85 = tpu.memref_slice %arg8[%mul3A_53, %dma_wait3A_84] : memref<40x128xi32, #tpu.memory_space<vmem>> -> memref<1x128xi32, #tpu.memory_space<vmem>>
        %dma_wait3A_86 = tpu.memref_squeeze %dma_wait3A_85 : memref<1x128xi32, #tpu.memory_space<vmem>> -> memref<128xi32, #tpu.memory_space<vmem>>
        %dma_wait3A_87 = arith.constant 0 : i32
        %dma_wait3A_88 = arith.constant 0 : i32
        %dma_wait3A_89 = tpu.memref_slice %arg11[%dma_wait3A_87, %dma_wait3A_88] : memref<10112x128xf32, #tpu.memory_space<vmem_shared>> -> memref<10112x128xf32, #tpu.memory_space<vmem_shared>>
        tpu.wait_indirect_dma semaphore(%run_scoped3A : memref<!tpu.dma_semaphore, #tpu.memory_space<semaphore_mem>>) src(%arg9 : memref<128x128xf32, #tpu.memory_space<vmem>>) dst(%dma_wait3A_89 : memref<10112x128xf32, #tpu.memory_space<vmem_shared>>)
        tpu.yield
      }) : () -> ()
      %add3A_59 = arith.constant 2 : i32
      %add3A_60 = arith.addi %mul3A_53, %add3A_59 : i32
      %lt3A = arith.constant 40 : i32
      %lt3A_61 = arith.cmpi slt, %add3A_60, %lt3A : i32
      %convert_element_type3A = arith.extui %lt3A_61 : i1 to i32
      %cond3A = arith.constant 0 : i32
      %cond3A_62 = arith.cmpi ne, %convert_element_type3A, %cond3A : i32
      scf.if %cond3A_62 {
        %add3A_78 = arith.constant 2 : i32
        %add3A_79 = arith.addi %mul3A_53, %add3A_78 : i32
        %dma_start3A_80 = arith.constant 0 : i32
        %dma_start3A_81 = tpu.memref_slice %arg7[%add3A_79, %dma_start3A_80] : memref<40x128xi32, #tpu.memory_space<vmem>> -> memref<1x128xi32, #tpu.memory_space<vmem>>
        %dma_start3A_82 = tpu.memref_squeeze %dma_start3A_81 : memref<1x128xi32, #tpu.memory_space<vmem>> -> memref<128xi32, #tpu.memory_space<vmem>>
        %dma_start3A_83 = arith.constant 0 : i32
        %dma_start3A_84 = arith.constant 0 : i32
        %dma_start3A_85 = tpu.memref_slice %arg2[%dma_start3A_83, %dma_start3A_84] : memref<20000x128xf32, #tpu.memory_space<hbm>> -> memref<20000x128xf32, #tpu.memory_space<hbm>>
        tpu.enqueue_indirect_dma source(%dma_start3A_85 : memref<20000x128xf32, #tpu.memory_space<hbm>>) target(%arg9 : memref<128x128xf32, #tpu.memory_space<vmem>>) offsets(%dma_start3A_82 : memref<128xi32, #tpu.memory_space<vmem>>) semaphore(%arg12 : memref<!tpu.dma_semaphore, #tpu.memory_space<semaphore_mem>>)
      } else {
      }
      %dma_wait3A_63 = arith.constant 0 : i32
      %dma_wait3A_64 = tpu.memref_slice %arg7[%mul3A_53, %dma_wait3A_63] : memref<40x128xi32, #tpu.memory_space<vmem>> -> memref<1x128xi32, #tpu.memory_space<vmem>>
      %dma_wait3A_65 = tpu.memref_squeeze %dma_wait3A_64 : memref<1x128xi32, #tpu.memory_space<vmem>> -> memref<128xi32, #tpu.memory_space<vmem>>
      %dma_wait3A_66 = arith.constant 0 : i32
      %dma_wait3A_67 = arith.constant 0 : i32
      %dma_wait3A_68 = tpu.memref_slice %arg2[%dma_wait3A_66, %dma_wait3A_67] : memref<20000x128xf32, #tpu.memory_space<hbm>> -> memref<20000x128xf32, #tpu.memory_space<hbm>>
      tpu.wait_indirect_dma semaphore(%arg13 : memref<!tpu.dma_semaphore, #tpu.memory_space<semaphore_mem>>) src(%dma_wait3A_68 : memref<20000x128xf32, #tpu.memory_space<hbm>>) dst(%arg10 : memref<128x128xf32, #tpu.memory_space<vmem>>)
      %add3A_69 = arith.constant 1 : i32
      %add3A_70 = arith.addi %mul3A_53, %add3A_69 : i32
      "tpu.region"() ({
        %run_scoped3A = tpu.sem_alloc : memref<!tpu.dma_semaphore, #tpu.memory_space<semaphore_mem>>
        %dma_start3A_78 = arith.constant 0 : i32
        %dma_start3A_79 = tpu.memref_slice %arg8[%add3A_70, %dma_start3A_78] : memref<40x128xi32, #tpu.memory_space<vmem>> -> memref<1x128xi32, #tpu.memory_space<vmem>>
        %dma_start3A_80 = tpu.memref_squeeze %dma_start3A_79 : memref<1x128xi32, #tpu.memory_space<vmem>> -> memref<128xi32, #tpu.memory_space<vmem>>
        %dma_start3A_81 = arith.constant 0 : i32
        %dma_start3A_82 = arith.constant 0 : i32
        %dma_start3A_83 = tpu.memref_slice %arg11[%dma_start3A_81, %dma_start3A_82] : memref<10112x128xf32, #tpu.memory_space<vmem_shared>> -> memref<10112x128xf32, #tpu.memory_space<vmem_shared>>
        tpu.enqueue_indirect_dma source(%arg10 : memref<128x128xf32, #tpu.memory_space<vmem>>) target(%dma_start3A_83 : memref<10112x128xf32, #tpu.memory_space<vmem_shared>>) offsets(%dma_start3A_80 : memref<128xi32, #tpu.memory_space<vmem>>) semaphore(%run_scoped3A : memref<!tpu.dma_semaphore, #tpu.memory_space<semaphore_mem>>) {add = true}
        %dma_wait3A_84 = arith.constant 0 : i32
        %dma_wait3A_85 = tpu.memref_slice %arg8[%add3A_70, %dma_wait3A_84] : memref<40x128xi32, #tpu.memory_space<vmem>> -> memref<1x128xi32, #tpu.memory_space<vmem>>
        %dma_wait3A_86 = tpu.memref_squeeze %dma_wait3A_85 : memref<1x128xi32, #tpu.memory_space<vmem>> -> memref<128xi32, #tpu.memory_space<vmem>>
        %dma_wait3A_87 = arith.constant 0 : i32
        %dma_wait3A_88 = arith.constant 0 : i32
        %dma_wait3A_89 = tpu.memref_slice %arg11[%dma_wait3A_87, %dma_wait3A_88] : memref<10112x128xf32, #tpu.memory_space<vmem_shared>> -> memref<10112x128xf32, #tpu.memory_space<vmem_shared>>
        tpu.wait_indirect_dma semaphore(%run_scoped3A : memref<!tpu.dma_semaphore, #tpu.memory_space<semaphore_mem>>) src(%arg10 : memref<128x128xf32, #tpu.memory_space<vmem>>) dst(%dma_wait3A_89 : memref<10112x128xf32, #tpu.memory_space<vmem_shared>>)
        tpu.yield
      }) : () -> ()
      %add3A_71 = arith.constant 3 : i32
      %add3A_72 = arith.addi %mul3A_53, %add3A_71 : i32
      %lt3A_73 = arith.constant 40 : i32
      %lt3A_74 = arith.cmpi slt, %add3A_72, %lt3A_73 : i32
      %convert_element_type3A_75 = arith.extui %lt3A_74 : i1 to i32
      %cond3A_76 = arith.constant 0 : i32
      %cond3A_77 = arith.cmpi ne, %convert_element_type3A_75, %cond3A_76 : i32
      scf.if %cond3A_77 {
        %add3A_78 = arith.constant 3 : i32
        %add3A_79 = arith.addi %mul3A_53, %add3A_78 : i32
        %dma_start3A_80 = arith.constant 0 : i32
        %dma_start3A_81 = tpu.memref_slice %arg7[%add3A_79, %dma_start3A_80] : memref<40x128xi32, #tpu.memory_space<vmem>> -> memref<1x128xi32, #tpu.memory_space<vmem>>
        %dma_start3A_82 = tpu.memref_squeeze %dma_start3A_81 : memref<1x128xi32, #tpu.memory_space<vmem>> -> memref<128xi32, #tpu.memory_space<vmem>>
        %dma_start3A_83 = arith.constant 0 : i32
        %dma_start3A_84 = arith.constant 0 : i32
        %dma_start3A_85 = tpu.memref_slice %arg2[%dma_start3A_83, %dma_start3A_84] : memref<20000x128xf32, #tpu.memory_space<hbm>> -> memref<20000x128xf32, #tpu.memory_space<hbm>>
        tpu.enqueue_indirect_dma source(%dma_start3A_85 : memref<20000x128xf32, #tpu.memory_space<hbm>>) target(%arg10 : memref<128x128xf32, #tpu.memory_space<vmem>>) offsets(%dma_start3A_82 : memref<128xi32, #tpu.memory_space<vmem>>) semaphore(%arg13 : memref<!tpu.dma_semaphore, #tpu.memory_space<semaphore_mem>>)
      } else {
      }
    }
    %scan3A_45 = arith.constant 20 : i32
    %barrier3A_46 = arith.constant 0 : index
    tpu.barrier barrier_id(%barrier3A_46)
    "tpu.region"() ({
      %run_scoped3A = tpu.sem_alloc : memref<!tpu.dma_semaphore, #tpu.memory_space<semaphore_mem>>
      %dma_start3A_47 = arith.constant 0 : i32
      %dma_start3A_48 = tpu.memref_slice %arg6[%arg0, %multiple_of3A, %dma_start3A_47] : memref<2x10112x128xf32, #tpu.memory_space<hbm>> -> memref<1x632x128xf32, #tpu.memory_space<hbm>>
      %dma_start3A_49 = tpu.memref_squeeze %dma_start3A_48 : memref<1x632x128xf32, #tpu.memory_space<hbm>> -> memref<632x128xf32, #tpu.memory_space<hbm>>
      %dma_start3A_50 = arith.constant 0 : i32
      %dma_start3A_51 = tpu.memref_slice %arg11[%multiple_of3A, %dma_start3A_50] : memref<10112x128xf32, #tpu.memory_space<vmem_shared>> -> memref<632x128xf32, #tpu.memory_space<vmem_shared>>
      tpu.enqueue_dma source(%dma_start3A_51 : memref<632x128xf32, #tpu.memory_space<vmem_shared>>) target(%dma_start3A_49 : memref<632x128xf32, #tpu.memory_space<hbm>>) target_semaphore(%run_scoped3A : memref<!tpu.dma_semaphore, #tpu.memory_space<semaphore_mem>>)
      %dma_wait3A = arith.constant 0 : i32
      %dma_wait3A_52 = tpu.memref_slice %arg6[%arg0, %multiple_of3A, %dma_wait3A] : memref<2x10112x128xf32, #tpu.memory_space<hbm>> -> memref<1x632x128xf32, #tpu.memory_space<hbm>>
      %dma_wait3A_53 = tpu.memref_squeeze %dma_wait3A_52 : memref<1x632x128xf32, #tpu.memory_space<hbm>> -> memref<632x128xf32, #tpu.memory_space<hbm>>
      %dma_wait3A_54 = arith.constant 0 : i32
      %dma_wait3A_55 = tpu.memref_slice %arg11[%multiple_of3A, %dma_wait3A_54] : memref<10112x128xf32, #tpu.memory_space<vmem_shared>> -> memref<632x128xf32, #tpu.memory_space<vmem_shared>>
      tpu.wait_dma2 semaphore(%run_scoped3A : memref<!tpu.dma_semaphore, #tpu.memory_space<semaphore_mem>>) src(%dma_wait3A_55 : memref<632x128xf32, #tpu.memory_space<vmem_shared>>) dst(%dma_wait3A_53 : memref<632x128xf32, #tpu.memory_space<hbm>>)
      tpu.yield
    }) : () -> ()
    return
  }
}

#map = affine_map<(d0, d1) -> (0, 0)>
#map1 = affine_map<(d0, d1) -> (0, 0, 0)>
module attributes {stable_mosaic.version = 14 : i64} {
  func.func @k(%arg0: i32, %arg1: i32, %arg2: memref<20000x128xf32, #tpu.memory_space<hbm>>, %arg3: memref<2x1280x128xi32, #tpu.memory_space<hbm>>, %arg4: memref<1280x128xi32, #tpu.memory_space<hbm>>, %arg5: memref<632x128xf32, #tpu.memory_space<hbm>>, %arg6: memref<2x10112x128xf32, #tpu.memory_space<hbm>>, %arg7: memref<40x128xi32, #tpu.memory_space<vmem>>, %arg8: memref<40x128xi32, #tpu.memory_space<vmem>>, %arg9: memref<128x128xf32, #tpu.memory_space<vmem>>, %arg10: memref<128x128xf32, #tpu.memory_space<vmem>>, %arg11: memref<10112x128xf32, #tpu.memory_space<vmem_shared>>, %arg12: memref<!tpu.dma_semaphore, #tpu.memory_space<semaphore_mem>>, %arg13: memref<!tpu.dma_semaphore, #tpu.memory_space<semaphore_mem>>) attributes {dimension_semantics = [#tpu.dimension_semantics<core_parallel>, #tpu.dimension_semantics<subcore_parallel>], iteration_bounds = array<i64: 2, 16>, scalar_prefetch = 0 : i64, scratch_operands = 7 : i64, tpu.core_type = #tpu.core_type<sc_vector_subcore>, window_params = [{transform_indices = #map}, {transform_indices = #map1}, {transform_indices = #map}, {transform_indices = #map}, {transform_indices = #map1}]} {
    %mul3A = arith.constant 632 : i32
    %mul3A_0 = arith.muli %arg1, %mul3A : i32
    %multiple_of3A = tpu.assume_multiple %mul3A_0, 8 : i32
    %mul3A_1 = arith.constant 80 : i32
    %mul3A_2 = arith.muli %arg1, %mul3A_1 : i32
    "tpu.region"() ({
      %run_scoped3A = tpu.sem_alloc : memref<!tpu.dma_semaphore, #tpu.memory_space<semaphore_mem>>
      %dma_start3A_47 = arith.constant 0 : i32
      %dma_start3A_48 = tpu.memref_slice %arg11[%multiple_of3A, %dma_start3A_47] : memref<10112x128xf32, #tpu.memory_space<vmem_shared>> -> memref<632x128xf32, #tpu.memory_space<vmem_shared>>
      tpu.enqueue_dma source(%arg5 : memref<632x128xf32, #tpu.memory_space<hbm>>) target(%dma_start3A_48 : memref<632x128xf32, #tpu.memory_space<vmem_shared>>) target_semaphore(%run_scoped3A : memref<!tpu.dma_semaphore, #tpu.memory_space<semaphore_mem>>)
      %dma_wait3A = arith.constant 0 : i32
      %dma_wait3A_49 = tpu.memref_slice %arg11[%multiple_of3A, %dma_wait3A] : memref<10112x128xf32, #tpu.memory_space<vmem_shared>> -> memref<632x128xf32, #tpu.memory_space<vmem_shared>>
      tpu.wait_dma2 semaphore(%run_scoped3A : memref<!tpu.dma_semaphore, #tpu.memory_space<semaphore_mem>>) src(%arg5 : memref<632x128xf32, #tpu.memory_space<hbm>>) dst(%dma_wait3A_49 : memref<632x128xf32, #tpu.memory_space<vmem_shared>>)
      tpu.yield
    }) : () -> ()
    %barrier3A = arith.constant 0 : index
    tpu.barrier barrier_id(%barrier3A)
    %add3A = arith.constant 0 : i32
    %add3A_3 = arith.addi %mul3A_2, %add3A : i32
    "tpu.region"() ({
      %run_scoped3A = tpu.sem_alloc : memref<!tpu.dma_semaphore, #tpu.memory_space<semaphore_mem>>
      %dma_start3A_47 = arith.constant 0 : i32
      %dma_start3A_48 = tpu.memref_slice %arg3[%arg0, %add3A_3, %dma_start3A_47] : memref<2x1280x128xi32, #tpu.memory_space<hbm>> -> memref<1x40x128xi32, #tpu.memory_space<hbm>>
      %dma_start3A_49 = tpu.memref_squeeze %dma_start3A_48 : memref<1x40x128xi32, #tpu.memory_space<hbm>> -> memref<40x128xi32, #tpu.memory_space<hbm>>
      %dma_start3A_50 = arith.constant 0 : i32
      %dma_start3A_51 = tpu.memref_slice %arg3[%arg0, %add3A_3, %dma_start3A_50] : memref<2x1280x128xi32, #tpu.memory_space<hbm>> -> memref<1x40x128xi32, #tpu.memory_space<hbm>>
      %dma_start3A_52 = tpu.memref_squeeze %dma_start3A_51 : memref<1x40x128xi32, #tpu.memory_space<hbm>> -> memref<40x128xi32, #tpu.memory_space<hbm>>
      tpu.enqueue_dma source(%dma_start3A_52 : memref<40x128xi32, #tpu.memory_space<hbm>>) target(%arg7 : memref<40x128xi32, #tpu.memory_space<vmem>>) target_semaphore(%run_scoped3A : memref<!tpu.dma_semaphore, #tpu.memory_space<semaphore_mem>>)
      %dma_wait3A = arith.constant 0 : i32
      %dma_wait3A_53 = tpu.memref_slice %arg3[%arg0, %add3A_3, %dma_wait3A] : memref<2x1280x128xi32, #tpu.memory_space<hbm>> -> memref<1x40x128xi32, #tpu.memory_space<hbm>>
      %dma_wait3A_54 = tpu.memref_squeeze %dma_wait3A_53 : memref<1x40x128xi32, #tpu.memory_space<hbm>> -> memref<40x128xi32, #tpu.memory_space<hbm>>
      %dma_wait3A_55 = arith.constant 0 : i32
      %dma_wait3A_56 = tpu.memref_slice %arg3[%arg0, %add3A_3, %dma_wait3A_55] : memref<2x1280x128xi32, #tpu.memory_space<hbm>> -> memref<1x40x128xi32, #tpu.memory_space<hbm>>
      %dma_wait3A_57 = tpu.memref_squeeze %dma_wait3A_56 : memref<1x40x128xi32, #tpu.memory_space<hbm>> -> memref<40x128xi32, #tpu.memory_space<hbm>>
      tpu.wait_dma2 semaphore(%run_scoped3A : memref<!tpu.dma_semaphore, #tpu.memory_space<semaphore_mem>>) src(%dma_wait3A_57 : memref<40x128xi32, #tpu.memory_space<hbm>>) dst(%arg7 : memref<40x128xi32, #tpu.memory_space<vmem>>)
      tpu.yield
    }) : () -> ()
    %add3A_4 = arith.constant 0 : i32
    %add3A_5 = arith.addi %mul3A_2, %add3A_4 : i32
    "tpu.region"() ({
      %run_scoped3A = tpu.sem_alloc : memref<!tpu.dma_semaphore, #tpu.memory_space<semaphore_mem>>
      %dma_start3A_47 = arith.constant 0 : i32
      %dma_start3A_48 = tpu.memref_slice %arg4[%add3A_5, %dma_start3A_47] : memref<1280x128xi32, #tpu.memory_space<hbm>> -> memref<40x128xi32, #tpu.memory_space<hbm>>
      %dma_start3A_49 = arith.constant 0 : i32
      %dma_start3A_50 = tpu.memref_slice %arg4[%add3A_5, %dma_start3A_49] : memref<1280x128xi32, #tpu.memory_space<hbm>> -> memref<40x128xi32, #tpu.memory_space<hbm>>
      tpu.enqueue_dma source(%dma_start3A_50 : memref<40x128xi32, #tpu.memory_space<hbm>>) target(%arg8 : memref<40x128xi32, #tpu.memory_space<vmem>>) target_semaphore(%run_scoped3A : memref<!tpu.dma_semaphore, #tpu.memory_space<semaphore_mem>>)
      %dma_wait3A = arith.constant 0 : i32
      %dma_wait3A_51 = tpu.memref_slice %arg4[%add3A_5, %dma_wait3A] : memref<1280x128xi32, #tpu.memory_space<hbm>> -> memref<40x128xi32, #tpu.memory_space<hbm>>
      %dma_wait3A_52 = arith.constant 0 : i32
      %dma_wait3A_53 = tpu.memref_slice %arg4[%add3A_5, %dma_wait3A_52] : memref<1280x128xi32, #tpu.memory_space<hbm>> -> memref<40x128xi32, #tpu.memory_space<hbm>>
      tpu.wait_dma2 semaphore(%run_scoped3A : memref<!tpu.dma_semaphore, #tpu.memory_space<semaphore_mem>>) src(%dma_wait3A_53 : memref<40x128xi32, #tpu.memory_space<hbm>>) dst(%arg8 : memref<40x128xi32, #tpu.memory_space<vmem>>)
      tpu.yield
    }) : () -> ()
    %dma_start3A = arith.constant 0 : i32
    %dma_start3A_6 = arith.constant 0 : i32
    %dma_start3A_7 = tpu.memref_slice %arg7[%dma_start3A, %dma_start3A_6] : memref<40x128xi32, #tpu.memory_space<vmem>> -> memref<1x128xi32, #tpu.memory_space<vmem>>
    %dma_start3A_8 = tpu.memref_squeeze %dma_start3A_7 : memref<1x128xi32, #tpu.memory_space<vmem>> -> memref<128xi32, #tpu.memory_space<vmem>>
    %dma_start3A_9 = arith.constant 0 : i32
    %dma_start3A_10 = arith.constant 0 : i32
    %dma_start3A_11 = tpu.memref_slice %arg2[%dma_start3A_9, %dma_start3A_10] : memref<20000x128xf32, #tpu.memory_space<hbm>> -> memref<20000x128xf32, #tpu.memory_space<hbm>>
    tpu.enqueue_indirect_dma source(%dma_start3A_11 : memref<20000x128xf32, #tpu.memory_space<hbm>>) target(%arg9 : memref<128x128xf32, #tpu.memory_space<vmem>>) offsets(%dma_start3A_8 : memref<128xi32, #tpu.memory_space<vmem>>) semaphore(%arg12 : memref<!tpu.dma_semaphore, #tpu.memory_space<semaphore_mem>>)
    %dma_start3A_12 = arith.constant 1 : i32
    %dma_start3A_13 = arith.constant 0 : i32
    %dma_start3A_14 = tpu.memref_slice %arg7[%dma_start3A_12, %dma_start3A_13] : memref<40x128xi32, #tpu.memory_space<vmem>> -> memref<1x128xi32, #tpu.memory_space<vmem>>
    %dma_start3A_15 = tpu.memref_squeeze %dma_start3A_14 : memref<1x128xi32, #tpu.memory_space<vmem>> -> memref<128xi32, #tpu.memory_space<vmem>>
    %dma_start3A_16 = arith.constant 0 : i32
    %dma_start3A_17 = arith.constant 0 : i32
    %dma_start3A_18 = tpu.memref_slice %arg2[%dma_start3A_16, %dma_start3A_17] : memref<20000x128xf32, #tpu.memory_space<hbm>> -> memref<20000x128xf32, #tpu.memory_space<hbm>>
    tpu.enqueue_indirect_dma source(%dma_start3A_18 : memref<20000x128xf32, #tpu.memory_space<hbm>>) target(%arg10 : memref<128x128xf32, #tpu.memory_space<vmem>>) offsets(%dma_start3A_15 : memref<128xi32, #tpu.memory_space<vmem>>) semaphore(%arg13 : memref<!tpu.dma_semaphore, #tpu.memory_space<semaphore_mem>>)
    %scan3A = arith.constant 0 : i32
    %scan3A_19 = arith.constant 20 : i32
    %scan3A_20 = arith.addi %scan3A, %scan3A_19 : i32
    %scan3A_21 = arith.constant 1 : i32
    scf.for %scan3A_47 = %scan3A to %scan3A_20 step %scan3A_21  : i32 {
      %mul3A_48 = arith.constant 1 : i32
      %mul3A_49 = arith.muli %scan3A_47, %mul3A_48 : i32
      %add3A_50 = arith.constant 0 : i32
      %add3A_51 = arith.addi %add3A_50, %mul3A_49 : i32
      %mul3A_52 = arith.constant 2 : i32
      %mul3A_53 = arith.muli %add3A_51, %mul3A_52 : i32
      %dma_wait3A = arith.constant 0 : i32
      %dma_wait3A_54 = tpu.memref_slice %arg7[%mul3A_53, %dma_wait3A] : memref<40x128xi32, #tpu.memory_space<vmem>> -> memref<1x128xi32, #tpu.memory_space<vmem>>
      %dma_wait3A_55 = tpu.memref_squeeze %dma_wait3A_54 : memref<1x128xi32, #tpu.memory_space<vmem>> -> memref<128xi32, #tpu.memory_space<vmem>>
      %dma_wait3A_56 = arith.constant 0 : i32
      %dma_wait3A_57 = arith.constant 0 : i32
      %dma_wait3A_58 = tpu.memref_slice %arg2[%dma_wait3A_56, %dma_wait3A_57] : memref<20000x128xf32, #tpu.memory_space<hbm>> -> memref<20000x128xf32, #tpu.memory_space<hbm>>
      tpu.wait_indirect_dma semaphore(%arg12 : memref<!tpu.dma_semaphore, #tpu.memory_space<semaphore_mem>>) src(%dma_wait3A_58 : memref<20000x128xf32, #tpu.memory_space<hbm>>) dst(%arg9 : memref<128x128xf32, #tpu.memory_space<vmem>>)
      "tpu.region"() ({
        %run_scoped3A = tpu.sem_alloc : memref<!tpu.dma_semaphore, #tpu.memory_space<semaphore_mem>>
        %dma_start3A_78 = arith.constant 0 : i32
        %dma_start3A_79 = tpu.memref_slice %arg8[%mul3A_53, %dma_start3A_78] : memref<40x128xi32, #tpu.memory_space<vmem>> -> memref<1x128xi32, #tpu.memory_space<vmem>>
        %dma_start3A_80 = tpu.memref_squeeze %dma_start3A_79 : memref<1x128xi32, #tpu.memory_space<vmem>> -> memref<128xi32, #tpu.memory_space<vmem>>
        %dma_start3A_81 = arith.constant 0 : i32
        %dma_start3A_82 = arith.constant 0 : i32
        %dma_start3A_83 = tpu.memref_slice %arg11[%dma_start3A_81, %dma_start3A_82] : memref<10112x128xf32, #tpu.memory_space<vmem_shared>> -> memref<10112x128xf32, #tpu.memory_space<vmem_shared>>
        tpu.enqueue_indirect_dma source(%arg9 : memref<128x128xf32, #tpu.memory_space<vmem>>) target(%dma_start3A_83 : memref<10112x128xf32, #tpu.memory_space<vmem_shared>>) offsets(%dma_start3A_80 : memref<128xi32, #tpu.memory_space<vmem>>) semaphore(%run_scoped3A : memref<!tpu.dma_semaphore, #tpu.memory_space<semaphore_mem>>) {add = true}
        %dma_wait3A_84 = arith.constant 0 : i32
        %dma_wait3A_85 = tpu.memref_slice %arg8[%mul3A_53, %dma_wait3A_84] : memref<40x128xi32, #tpu.memory_space<vmem>> -> memref<1x128xi32, #tpu.memory_space<vmem>>
        %dma_wait3A_86 = tpu.memref_squeeze %dma_wait3A_85 : memref<1x128xi32, #tpu.memory_space<vmem>> -> memref<128xi32, #tpu.memory_space<vmem>>
        %dma_wait3A_87 = arith.constant 0 : i32
        %dma_wait3A_88 = arith.constant 0 : i32
        %dma_wait3A_89 = tpu.memref_slice %arg11[%dma_wait3A_87, %dma_wait3A_88] : memref<10112x128xf32, #tpu.memory_space<vmem_shared>> -> memref<10112x128xf32, #tpu.memory_space<vmem_shared>>
        tpu.wait_indirect_dma semaphore(%run_scoped3A : memref<!tpu.dma_semaphore, #tpu.memory_space<semaphore_mem>>) src(%arg9 : memref<128x128xf32, #tpu.memory_space<vmem>>) dst(%dma_wait3A_89 : memref<10112x128xf32, #tpu.memory_space<vmem_shared>>)
        tpu.yield
      }) : () -> ()
      %add3A_59 = arith.constant 2 : i32
      %add3A_60 = arith.addi %mul3A_53, %add3A_59 : i32
      %lt3A = arith.constant 40 : i32
      %lt3A_61 = arith.cmpi slt, %add3A_60, %lt3A : i32
      %convert_element_type3A = arith.extui %lt3A_61 : i1 to i32
      %cond3A = arith.constant 0 : i32
      %cond3A_62 = arith.cmpi ne, %convert_element_type3A, %cond3A : i32
      scf.if %cond3A_62 {
        %add3A_78 = arith.constant 2 : i32
        %add3A_79 = arith.addi %mul3A_53, %add3A_78 : i32
        %dma_start3A_80 = arith.constant 0 : i32
        %dma_start3A_81 = tpu.memref_slice %arg7[%add3A_79, %dma_start3A_80] : memref<40x128xi32, #tpu.memory_space<vmem>> -> memref<1x128xi32, #tpu.memory_space<vmem>>
        %dma_start3A_82 = tpu.memref_squeeze %dma_start3A_81 : memref<1x128xi32, #tpu.memory_space<vmem>> -> memref<128xi32, #tpu.memory_space<vmem>>
        %dma_start3A_83 = arith.constant 0 : i32
        %dma_start3A_84 = arith.constant 0 : i32
        %dma_start3A_85 = tpu.memref_slice %arg2[%dma_start3A_83, %dma_start3A_84] : memref<20000x128xf32, #tpu.memory_space<hbm>> -> memref<20000x128xf32, #tpu.memory_space<hbm>>
        tpu.enqueue_indirect_dma source(%dma_start3A_85 : memref<20000x128xf32, #tpu.memory_space<hbm>>) target(%arg9 : memref<128x128xf32, #tpu.memory_space<vmem>>) offsets(%dma_start3A_82 : memref<128xi32, #tpu.memory_space<vmem>>) semaphore(%arg12 : memref<!tpu.dma_semaphore, #tpu.memory_space<semaphore_mem>>)
      } else {
      }
      %dma_wait3A_63 = arith.constant 0 : i32
      %dma_wait3A_64 = tpu.memref_slice %arg7[%mul3A_53, %dma_wait3A_63] : memref<40x128xi32, #tpu.memory_space<vmem>> -> memref<1x128xi32, #tpu.memory_space<vmem>>
      %dma_wait3A_65 = tpu.memref_squeeze %dma_wait3A_64 : memref<1x128xi32, #tpu.memory_space<vmem>> -> memref<128xi32, #tpu.memory_space<vmem>>
      %dma_wait3A_66 = arith.constant 0 : i32
      %dma_wait3A_67 = arith.constant 0 : i32
      %dma_wait3A_68 = tpu.memref_slice %arg2[%dma_wait3A_66, %dma_wait3A_67] : memref<20000x128xf32, #tpu.memory_space<hbm>> -> memref<20000x128xf32, #tpu.memory_space<hbm>>
      tpu.wait_indirect_dma semaphore(%arg13 : memref<!tpu.dma_semaphore, #tpu.memory_space<semaphore_mem>>) src(%dma_wait3A_68 : memref<20000x128xf32, #tpu.memory_space<hbm>>) dst(%arg10 : memref<128x128xf32, #tpu.memory_space<vmem>>)
      %add3A_69 = arith.constant 1 : i32
      %add3A_70 = arith.addi %mul3A_53, %add3A_69 : i32
      "tpu.region"() ({
        %run_scoped3A = tpu.sem_alloc : memref<!tpu.dma_semaphore, #tpu.memory_space<semaphore_mem>>
        %dma_start3A_78 = arith.constant 0 : i32
        %dma_start3A_79 = tpu.memref_slice %arg8[%add3A_70, %dma_start3A_78] : memref<40x128xi32, #tpu.memory_space<vmem>> -> memref<1x128xi32, #tpu.memory_space<vmem>>
        %dma_start3A_80 = tpu.memref_squeeze %dma_start3A_79 : memref<1x128xi32, #tpu.memory_space<vmem>> -> memref<128xi32, #tpu.memory_space<vmem>>
        %dma_start3A_81 = arith.constant 0 : i32
        %dma_start3A_82 = arith.constant 0 : i32
        %dma_start3A_83 = tpu.memref_slice %arg11[%dma_start3A_81, %dma_start3A_82] : memref<10112x128xf32, #tpu.memory_space<vmem_shared>> -> memref<10112x128xf32, #tpu.memory_space<vmem_shared>>
        tpu.enqueue_indirect_dma source(%arg10 : memref<128x128xf32, #tpu.memory_space<vmem>>) target(%dma_start3A_83 : memref<10112x128xf32, #tpu.memory_space<vmem_shared>>) offsets(%dma_start3A_80 : memref<128xi32, #tpu.memory_space<vmem>>) semaphore(%run_scoped3A : memref<!tpu.dma_semaphore, #tpu.memory_space<semaphore_mem>>) {add = true}
        %dma_wait3A_84 = arith.constant 0 : i32
        %dma_wait3A_85 = tpu.memref_slice %arg8[%add3A_70, %dma_wait3A_84] : memref<40x128xi32, #tpu.memory_space<vmem>> -> memref<1x128xi32, #tpu.memory_space<vmem>>
        %dma_wait3A_86 = tpu.memref_squeeze %dma_wait3A_85 : memref<1x128xi32, #tpu.memory_space<vmem>> -> memref<128xi32, #tpu.memory_space<vmem>>
        %dma_wait3A_87 = arith.constant 0 : i32
        %dma_wait3A_88 = arith.constant 0 : i32
        %dma_wait3A_89 = tpu.memref_slice %arg11[%dma_wait3A_87, %dma_wait3A_88] : memref<10112x128xf32, #tpu.memory_space<vmem_shared>> -> memref<10112x128xf32, #tpu.memory_space<vmem_shared>>
        tpu.wait_indirect_dma semaphore(%run_scoped3A : memref<!tpu.dma_semaphore, #tpu.memory_space<semaphore_mem>>) src(%arg10 : memref<128x128xf32, #tpu.memory_space<vmem>>) dst(%dma_wait3A_89 : memref<10112x128xf32, #tpu.memory_space<vmem_shared>>)
        tpu.yield
      }) : () -> ()
      %add3A_71 = arith.constant 3 : i32
      %add3A_72 = arith.addi %mul3A_53, %add3A_71 : i32
      %lt3A_73 = arith.constant 40 : i32
      %lt3A_74 = arith.cmpi slt, %add3A_72, %lt3A_73 : i32
      %convert_element_type3A_75 = arith.extui %lt3A_74 : i1 to i32
      %cond3A_76 = arith.constant 0 : i32
      %cond3A_77 = arith.cmpi ne, %convert_element_type3A_75, %cond3A_76 : i32
      scf.if %cond3A_77 {
        %add3A_78 = arith.constant 3 : i32
        %add3A_79 = arith.addi %mul3A_53, %add3A_78 : i32
        %dma_start3A_80 = arith.constant 0 : i32
        %dma_start3A_81 = tpu.memref_slice %arg7[%add3A_79, %dma_start3A_80] : memref<40x128xi32, #tpu.memory_space<vmem>> -> memref<1x128xi32, #tpu.memory_space<vmem>>
        %dma_start3A_82 = tpu.memref_squeeze %dma_start3A_81 : memref<1x128xi32, #tpu.memory_space<vmem>> -> memref<128xi32, #tpu.memory_space<vmem>>
        %dma_start3A_83 = arith.constant 0 : i32
        %dma_start3A_84 = arith.constant 0 : i32
        %dma_start3A_85 = tpu.memref_slice %arg2[%dma_start3A_83, %dma_start3A_84] : memref<20000x128xf32, #tpu.memory_space<hbm>> -> memref<20000x128xf32, #tpu.memory_space<hbm>>
        tpu.enqueue_indirect_dma source(%dma_start3A_85 : memref<20000x128xf32, #tpu.memory_space<hbm>>) target(%arg10 : memref<128x128xf32, #tpu.memory_space<vmem>>) offsets(%dma_start3A_82 : memref<128xi32, #tpu.memory_space<vmem>>) semaphore(%arg13 : memref<!tpu.dma_semaphore, #tpu.memory_space<semaphore_mem>>)
      } else {
      }
    }
    %scan3A_22 = arith.constant 20 : i32
    %add3A_23 = arith.constant 40 : i32
    %add3A_24 = arith.addi %mul3A_2, %add3A_23 : i32
    "tpu.region"() ({
      %run_scoped3A = tpu.sem_alloc : memref<!tpu.dma_semaphore, #tpu.memory_space<semaphore_mem>>
      %dma_start3A_47 = arith.constant 0 : i32
      %dma_start3A_48 = tpu.memref_slice %arg3[%arg0, %add3A_24, %dma_start3A_47] : memref<2x1280x128xi32, #tpu.memory_space<hbm>> -> memref<1x40x128xi32, #tpu.memory_space<hbm>>
      %dma_start3A_49 = tpu.memref_squeeze %dma_start3A_48 : memref<1x40x128xi32, #tpu.memory_space<hbm>> -> memref<40x128xi32, #tpu.memory_space<hbm>>
      %dma_start3A_50 = arith.constant 0 : i32
      %dma_start3A_51 = tpu.memref_slice %arg3[%arg0, %add3A_24, %dma_start3A_50] : memref<2x1280x128xi32, #tpu.memory_space<hbm>> -> memref<1x40x128xi32, #tpu.memory_space<hbm>>
      %dma_start3A_52 = tpu.memref_squeeze %dma_start3A_51 : memref<1x40x128xi32, #tpu.memory_space<hbm>> -> memref<40x128xi32, #tpu.memory_space<hbm>>
      tpu.enqueue_dma source(%dma_start3A_52 : memref<40x128xi32, #tpu.memory_space<hbm>>) target(%arg7 : memref<40x128xi32, #tpu.memory_space<vmem>>) target_semaphore(%run_scoped3A : memref<!tpu.dma_semaphore, #tpu.memory_space<semaphore_mem>>)
      %dma_wait3A = arith.constant 0 : i32
      %dma_wait3A_53 = tpu.memref_slice %arg3[%arg0, %add3A_24, %dma_wait3A] : memref<2x1280x128xi32, #tpu.memory_space<hbm>> -> memref<1x40x128xi32, #tpu.memory_space<hbm>>
      %dma_wait3A_54 = tpu.memref_squeeze %dma_wait3A_53 : memref<1x40x128xi32, #tpu.memory_space<hbm>> -> memref<40x128xi32, #tpu.memory_space<hbm>>
      %dma_wait3A_55 = arith.constant 0 : i32
      %dma_wait3A_56 = tpu.memref_slice %arg3[%arg0, %add3A_24, %dma_wait3A_55] : memref<2x1280x128xi32, #tpu.memory_space<hbm>> -> memref<1x40x128xi32, #tpu.memory_space<hbm>>
      %dma_wait3A_57 = tpu.memref_squeeze %dma_wait3A_56 : memref<1x40x128xi32, #tpu.memory_space<hbm>> -> memref<40x128xi32, #tpu.memory_space<hbm>>
      tpu.wait_dma2 semaphore(%run_scoped3A : memref<!tpu.dma_semaphore, #tpu.memory_space<semaphore_mem>>) src(%dma_wait3A_57 : memref<40x128xi32, #tpu.memory_space<hbm>>) dst(%arg7 : memref<40x128xi32, #tpu.memory_space<vmem>>)
      tpu.yield
    }) : () -> ()
    %add3A_25 = arith.constant 40 : i32
    %add3A_26 = arith.addi %mul3A_2, %add3A_25 : i32
    "tpu.region"() ({
      %run_scoped3A = tpu.sem_alloc : memref<!tpu.dma_semaphore, #tpu.memory_space<semaphore_mem>>
      %dma_start3A_47 = arith.constant 0 : i32
      %dma_start3A_48 = tpu.memref_slice %arg4[%add3A_26, %dma_start3A_47] : memref<1280x128xi32, #tpu.memory_space<hbm>> -> memref<40x128xi32, #tpu.memory_space<hbm>>
      %dma_start3A_49 = arith.constant 0 : i32
      %dma_start3A_50 = tpu.memref_slice %arg4[%add3A_26, %dma_start3A_49] : memref<1280x128xi32, #tpu.memory_space<hbm>> -> memref<40x128xi32, #tpu.memory_space<hbm>>
      tpu.enqueue_dma source(%dma_start3A_50 : memref<40x128xi32, #tpu.memory_space<hbm>>) target(%arg8 : memref<40x128xi32, #tpu.memory_space<vmem>>) target_semaphore(%run_scoped3A : memref<!tpu.dma_semaphore, #tpu.memory_space<semaphore_mem>>)
      %dma_wait3A = arith.constant 0 : i32
      %dma_wait3A_51 = tpu.memref_slice %arg4[%add3A_26, %dma_wait3A] : memref<1280x128xi32, #tpu.memory_space<hbm>> -> memref<40x128xi32, #tpu.memory_space<hbm>>
      %dma_wait3A_52 = arith.constant 0 : i32
      %dma_wait3A_53 = tpu.memref_slice %arg4[%add3A_26, %dma_wait3A_52] : memref<1280x128xi32, #tpu.memory_space<hbm>> -> memref<40x128xi32, #tpu.memory_space<hbm>>
      tpu.wait_dma2 semaphore(%run_scoped3A : memref<!tpu.dma_semaphore, #tpu.memory_space<semaphore_mem>>) src(%dma_wait3A_53 : memref<40x128xi32, #tpu.memory_space<hbm>>) dst(%arg8 : memref<40x128xi32, #tpu.memory_space<vmem>>)
      tpu.yield
    }) : () -> ()
    %dma_start3A_27 = arith.constant 0 : i32
    %dma_start3A_28 = arith.constant 0 : i32
    %dma_start3A_29 = tpu.memref_slice %arg7[%dma_start3A_27, %dma_start3A_28] : memref<40x128xi32, #tpu.memory_space<vmem>> -> memref<1x128xi32, #tpu.memory_space<vmem>>
    %dma_start3A_30 = tpu.memref_squeeze %dma_start3A_29 : memref<1x128xi32, #tpu.memory_space<vmem>> -> memref<128xi32, #tpu.memory_space<vmem>>
    %dma_start3A_31 = arith.constant 0 : i32
    %dma_start3A_32 = arith.constant 0 : i32
    %dma_start3A_33 = tpu.memref_slice %arg2[%dma_start3A_31, %dma_start3A_32] : memref<20000x128xf32, #tpu.memory_space<hbm>> -> memref<20000x128xf32, #tpu.memory_space<hbm>>
    tpu.enqueue_indirect_dma source(%dma_start3A_33 : memref<20000x128xf32, #tpu.memory_space<hbm>>) target(%arg9 : memref<128x128xf32, #tpu.memory_space<vmem>>) offsets(%dma_start3A_30 : memref<128xi32, #tpu.memory_space<vmem>>) semaphore(%arg12 : memref<!tpu.dma_semaphore, #tpu.memory_space<semaphore_mem>>)
    %dma_start3A_34 = arith.constant 1 : i32
    %dma_start3A_35 = arith.constant 0 : i32
    %dma_start3A_36 = tpu.memref_slice %arg7[%dma_start3A_34, %dma_start3A_35] : memref<40x128xi32, #tpu.memory_space<vmem>> -> memref<1x128xi32, #tpu.memory_space<vmem>>
    %dma_start3A_37 = tpu.memref_squeeze %dma_start3A_36 : memref<1x128xi32, #tpu.memory_space<vmem>> -> memref<128xi32, #tpu.memory_space<vmem>>
    %dma_start3A_38 = arith.constant 0 : i32
    %dma_start3A_39 = arith.constant 0 : i32
    %dma_start3A_40 = tpu.memref_slice %arg2[%dma_start3A_38, %dma_start3A_39] : memref<20000x128xf32, #tpu.memory_space<hbm>> -> memref<20000x128xf32, #tpu.memory_space<hbm>>
    tpu.enqueue_indirect_dma source(%dma_start3A_40 : memref<20000x128xf32, #tpu.memory_space<hbm>>) target(%arg10 : memref<128x128xf32, #tpu.memory_space<vmem>>) offsets(%dma_start3A_37 : memref<128xi32, #tpu.memory_space<vmem>>) semaphore(%arg13 : memref<!tpu.dma_semaphore, #tpu.memory_space<semaphore_mem>>)
    %scan3A_41 = arith.constant 0 : i32
    %scan3A_42 = arith.constant 20 : i32
    %scan3A_43 = arith.addi %scan3A_41, %scan3A_42 : i32
    %scan3A_44 = arith.constant 1 : i32
    scf.for %scan3A_47 = %scan3A_41 to %scan3A_43 step %scan3A_44  : i32 {
      %mul3A_48 = arith.constant 1 : i32
      %mul3A_49 = arith.muli %scan3A_47, %mul3A_48 : i32
      %add3A_50 = arith.constant 0 : i32
      %add3A_51 = arith.addi %add3A_50, %mul3A_49 : i32
      %mul3A_52 = arith.constant 2 : i32
      %mul3A_53 = arith.muli %add3A_51, %mul3A_52 : i32
      %dma_wait3A = arith.constant 0 : i32
      %dma_wait3A_54 = tpu.memref_slice %arg7[%mul3A_53, %dma_wait3A] : memref<40x128xi32, #tpu.memory_space<vmem>> -> memref<1x128xi32, #tpu.memory_space<vmem>>
      %dma_wait3A_55 = tpu.memref_squeeze %dma_wait3A_54 : memref<1x128xi32, #tpu.memory_space<vmem>> -> memref<128xi32, #tpu.memory_space<vmem>>
      %dma_wait3A_56 = arith.constant 0 : i32
      %dma_wait3A_57 = arith.constant 0 : i32
      %dma_wait3A_58 = tpu.memref_slice %arg2[%dma_wait3A_56, %dma_wait3A_57] : memref<20000x128xf32, #tpu.memory_space<hbm>> -> memref<20000x128xf32, #tpu.memory_space<hbm>>
      tpu.wait_indirect_dma semaphore(%arg12 : memref<!tpu.dma_semaphore, #tpu.memory_space<semaphore_mem>>) src(%dma_wait3A_58 : memref<20000x128xf32, #tpu.memory_space<hbm>>) dst(%arg9 : memref<128x128xf32, #tpu.memory_space<vmem>>)
      "tpu.region"() ({
        %run_scoped3A = tpu.sem_alloc : memref<!tpu.dma_semaphore, #tpu.memory_space<semaphore_mem>>
        %dma_start3A_78 = arith.constant 0 : i32
        %dma_start3A_79 = tpu.memref_slice %arg8[%mul3A_53, %dma_start3A_78] : memref<40x128xi32, #tpu.memory_space<vmem>> -> memref<1x128xi32, #tpu.memory_space<vmem>>
        %dma_start3A_80 = tpu.memref_squeeze %dma_start3A_79 : memref<1x128xi32, #tpu.memory_space<vmem>> -> memref<128xi32, #tpu.memory_space<vmem>>
        %dma_start3A_81 = arith.constant 0 : i32
        %dma_start3A_82 = arith.constant 0 : i32
        %dma_start3A_83 = tpu.memref_slice %arg11[%dma_start3A_81, %dma_start3A_82] : memref<10112x128xf32, #tpu.memory_space<vmem_shared>> -> memref<10112x128xf32, #tpu.memory_space<vmem_shared>>
        tpu.enqueue_indirect_dma source(%arg9 : memref<128x128xf32, #tpu.memory_space<vmem>>) target(%dma_start3A_83 : memref<10112x128xf32, #tpu.memory_space<vmem_shared>>) offsets(%dma_start3A_80 : memref<128xi32, #tpu.memory_space<vmem>>) semaphore(%run_scoped3A : memref<!tpu.dma_semaphore, #tpu.memory_space<semaphore_mem>>) {add = true}
        %dma_wait3A_84 = arith.constant 0 : i32
        %dma_wait3A_85 = tpu.memref_slice %arg8[%mul3A_53, %dma_wait3A_84] : memref<40x128xi32, #tpu.memory_space<vmem>> -> memref<1x128xi32, #tpu.memory_space<vmem>>
        %dma_wait3A_86 = tpu.memref_squeeze %dma_wait3A_85 : memref<1x128xi32, #tpu.memory_space<vmem>> -> memref<128xi32, #tpu.memory_space<vmem>>
        %dma_wait3A_87 = arith.constant 0 : i32
        %dma_wait3A_88 = arith.constant 0 : i32
        %dma_wait3A_89 = tpu.memref_slice %arg11[%dma_wait3A_87, %dma_wait3A_88] : memref<10112x128xf32, #tpu.memory_space<vmem_shared>> -> memref<10112x128xf32, #tpu.memory_space<vmem_shared>>
        tpu.wait_indirect_dma semaphore(%run_scoped3A : memref<!tpu.dma_semaphore, #tpu.memory_space<semaphore_mem>>) src(%arg9 : memref<128x128xf32, #tpu.memory_space<vmem>>) dst(%dma_wait3A_89 : memref<10112x128xf32, #tpu.memory_space<vmem_shared>>)
        tpu.yield
      }) : () -> ()
      %add3A_59 = arith.constant 2 : i32
      %add3A_60 = arith.addi %mul3A_53, %add3A_59 : i32
      %lt3A = arith.constant 40 : i32
      %lt3A_61 = arith.cmpi slt, %add3A_60, %lt3A : i32
      %convert_element_type3A = arith.extui %lt3A_61 : i1 to i32
      %cond3A = arith.constant 0 : i32
      %cond3A_62 = arith.cmpi ne, %convert_element_type3A, %cond3A : i32
      scf.if %cond3A_62 {
        %add3A_78 = arith.constant 2 : i32
        %add3A_79 = arith.addi %mul3A_53, %add3A_78 : i32
        %dma_start3A_80 = arith.constant 0 : i32
        %dma_start3A_81 = tpu.memref_slice %arg7[%add3A_79, %dma_start3A_80] : memref<40x128xi32, #tpu.memory_space<vmem>> -> memref<1x128xi32, #tpu.memory_space<vmem>>
        %dma_start3A_82 = tpu.memref_squeeze %dma_start3A_81 : memref<1x128xi32, #tpu.memory_space<vmem>> -> memref<128xi32, #tpu.memory_space<vmem>>
        %dma_start3A_83 = arith.constant 0 : i32
        %dma_start3A_84 = arith.constant 0 : i32
        %dma_start3A_85 = tpu.memref_slice %arg2[%dma_start3A_83, %dma_start3A_84] : memref<20000x128xf32, #tpu.memory_space<hbm>> -> memref<20000x128xf32, #tpu.memory_space<hbm>>
        tpu.enqueue_indirect_dma source(%dma_start3A_85 : memref<20000x128xf32, #tpu.memory_space<hbm>>) target(%arg9 : memref<128x128xf32, #tpu.memory_space<vmem>>) offsets(%dma_start3A_82 : memref<128xi32, #tpu.memory_space<vmem>>) semaphore(%arg12 : memref<!tpu.dma_semaphore, #tpu.memory_space<semaphore_mem>>)
      } else {
      }
      %dma_wait3A_63 = arith.constant 0 : i32
      %dma_wait3A_64 = tpu.memref_slice %arg7[%mul3A_53, %dma_wait3A_63] : memref<40x128xi32, #tpu.memory_space<vmem>> -> memref<1x128xi32, #tpu.memory_space<vmem>>
      %dma_wait3A_65 = tpu.memref_squeeze %dma_wait3A_64 : memref<1x128xi32, #tpu.memory_space<vmem>> -> memref<128xi32, #tpu.memory_space<vmem>>
      %dma_wait3A_66 = arith.constant 0 : i32
      %dma_wait3A_67 = arith.constant 0 : i32
      %dma_wait3A_68 = tpu.memref_slice %arg2[%dma_wait3A_66, %dma_wait3A_67] : memref<20000x128xf32, #tpu.memory_space<hbm>> -> memref<20000x128xf32, #tpu.memory_space<hbm>>
      tpu.wait_indirect_dma semaphore(%arg13 : memref<!tpu.dma_semaphore, #tpu.memory_space<semaphore_mem>>) src(%dma_wait3A_68 : memref<20000x128xf32, #tpu.memory_space<hbm>>) dst(%arg10 : memref<128x128xf32, #tpu.memory_space<vmem>>)
      %add3A_69 = arith.constant 1 : i32
      %add3A_70 = arith.addi %mul3A_53, %add3A_69 : i32
      "tpu.region"() ({
        %run_scoped3A = tpu.sem_alloc : memref<!tpu.dma_semaphore, #tpu.memory_space<semaphore_mem>>
        %dma_start3A_78 = arith.constant 0 : i32
        %dma_start3A_79 = tpu.memref_slice %arg8[%add3A_70, %dma_start3A_78] : memref<40x128xi32, #tpu.memory_space<vmem>> -> memref<1x128xi32, #tpu.memory_space<vmem>>
        %dma_start3A_80 = tpu.memref_squeeze %dma_start3A_79 : memref<1x128xi32, #tpu.memory_space<vmem>> -> memref<128xi32, #tpu.memory_space<vmem>>
        %dma_start3A_81 = arith.constant 0 : i32
        %dma_start3A_82 = arith.constant 0 : i32
        %dma_start3A_83 = tpu.memref_slice %arg11[%dma_start3A_81, %dma_start3A_82] : memref<10112x128xf32, #tpu.memory_space<vmem_shared>> -> memref<10112x128xf32, #tpu.memory_space<vmem_shared>>
        tpu.enqueue_indirect_dma source(%arg10 : memref<128x128xf32, #tpu.memory_space<vmem>>) target(%dma_start3A_83 : memref<10112x128xf32, #tpu.memory_space<vmem_shared>>) offsets(%dma_start3A_80 : memref<128xi32, #tpu.memory_space<vmem>>) semaphore(%run_scoped3A : memref<!tpu.dma_semaphore, #tpu.memory_space<semaphore_mem>>) {add = true}
        %dma_wait3A_84 = arith.constant 0 : i32
        %dma_wait3A_85 = tpu.memref_slice %arg8[%add3A_70, %dma_wait3A_84] : memref<40x128xi32, #tpu.memory_space<vmem>> -> memref<1x128xi32, #tpu.memory_space<vmem>>
        %dma_wait3A_86 = tpu.memref_squeeze %dma_wait3A_85 : memref<1x128xi32, #tpu.memory_space<vmem>> -> memref<128xi32, #tpu.memory_space<vmem>>
        %dma_wait3A_87 = arith.constant 0 : i32
        %dma_wait3A_88 = arith.constant 0 : i32
        %dma_wait3A_89 = tpu.memref_slice %arg11[%dma_wait3A_87, %dma_wait3A_88] : memref<10112x128xf32, #tpu.memory_space<vmem_shared>> -> memref<10112x128xf32, #tpu.memory_space<vmem_shared>>
        tpu.wait_indirect_dma semaphore(%run_scoped3A : memref<!tpu.dma_semaphore, #tpu.memory_space<semaphore_mem>>) src(%arg10 : memref<128x128xf32, #tpu.memory_space<vmem>>) dst(%dma_wait3A_89 : memref<10112x128xf32, #tpu.memory_space<vmem_shared>>)
        tpu.yield
      }) : () -> ()
      %add3A_71 = arith.constant 3 : i32
      %add3A_72 = arith.addi %mul3A_53, %add3A_71 : i32
      %lt3A_73 = arith.constant 40 : i32
      %lt3A_74 = arith.cmpi slt, %add3A_72, %lt3A_73 : i32
      %convert_element_type3A_75 = arith.extui %lt3A_74 : i1 to i32
      %cond3A_76 = arith.constant 0 : i32
      %cond3A_77 = arith.cmpi ne, %convert_element_type3A_75, %cond3A_76 : i32
      scf.if %cond3A_77 {
        %add3A_78 = arith.constant 3 : i32
        %add3A_79 = arith.addi %mul3A_53, %add3A_78 : i32
        %dma_start3A_80 = arith.constant 0 : i32
        %dma_start3A_81 = tpu.memref_slice %arg7[%add3A_79, %dma_start3A_80] : memref<40x128xi32, #tpu.memory_space<vmem>> -> memref<1x128xi32, #tpu.memory_space<vmem>>
        %dma_start3A_82 = tpu.memref_squeeze %dma_start3A_81 : memref<1x128xi32, #tpu.memory_space<vmem>> -> memref<128xi32, #tpu.memory_space<vmem>>
        %dma_start3A_83 = arith.constant 0 : i32
        %dma_start3A_84 = arith.constant 0 : i32
        %dma_start3A_85 = tpu.memref_slice %arg2[%dma_start3A_83, %dma_start3A_84] : memref<20000x128xf32, #tpu.memory_space<hbm>> -> memref<20000x128xf32, #tpu.memory_space<hbm>>
        tpu.enqueue_indirect_dma source(%dma_start3A_85 : memref<20000x128xf32, #tpu.memory_space<hbm>>) target(%arg10 : memref<128x128xf32, #tpu.memory_space<vmem>>) offsets(%dma_start3A_82 : memref<128xi32, #tpu.memory_space<vmem>>) semaphore(%arg13 : memref<!tpu.dma_semaphore, #tpu.memory_space<semaphore_mem>>)
      } else {
      }
    }
    %scan3A_45 = arith.constant 20 : i32
    %barrier3A_46 = arith.constant 0 : index
    tpu.barrier barrier_id(%barrier3A_46)
    "tpu.region"() ({
      %run_scoped3A = tpu.sem_alloc : memref<!tpu.dma_semaphore, #tpu.memory_space<semaphore_mem>>
      %dma_start3A_47 = arith.constant 0 : i32
      %dma_start3A_48 = tpu.memref_slice %arg6[%arg0, %multiple_of3A, %dma_start3A_47] : memref<2x10112x128xf32, #tpu.memory_space<hbm>> -> memref<1x632x128xf32, #tpu.memory_space<hbm>>
      %dma_start3A_49 = tpu.memref_squeeze %dma_start3A_48 : memref<1x632x128xf32, #tpu.memory_space<hbm>> -> memref<632x128xf32, #tpu.memory_space<hbm>>
      %dma_start3A_50 = arith.constant 0 : i32
      %dma_start3A_51 = tpu.memref_slice %arg11[%multiple_of3A, %dma_start3A_50] : memref<10112x128xf32, #tpu.memory_space<vmem_shared>> -> memref<632x128xf32, #tpu.memory_space<vmem_shared>>
      tpu.enqueue_dma source(%dma_start3A_51 : memref<632x128xf32, #tpu.memory_space<vmem_shared>>) target(%dma_start3A_49 : memref<632x128xf32, #tpu.memory_space<hbm>>) target_semaphore(%run_scoped3A : memref<!tpu.dma_semaphore, #tpu.memory_space<semaphore_mem>>)
      %dma_wait3A = arith.constant 0 : i32
      %dma_wait3A_52 = tpu.memref_slice %arg6[%arg0, %multiple_of3A, %dma_wait3A] : memref<2x10112x128xf32, #tpu.memory_space<hbm>> -> memref<1x632x128xf32, #tpu.memory_space<hbm>>
      %dma_wait3A_53 = tpu.memref_squeeze %dma_wait3A_52 : memref<1x632x128xf32, #tpu.memory_space<hbm>> -> memref<632x128xf32, #tpu.memory_space<hbm>>
      %dma_wait3A_54 = arith.constant 0 : i32
      %dma_wait3A_55 = tpu.memref_slice %arg11[%multiple_of3A, %dma_wait3A_54] : memref<10112x128xf32, #tpu.memory_space<vmem_shared>> -> memref<632x128xf32, #tpu.memory_space<vmem_shared>>
      tpu.wait_dma2 semaphore(%run_scoped3A : memref<!tpu.dma_semaphore, #tpu.memory_space<semaphore_mem>>) src(%dma_wait3A_55 : memref<632x128xf32, #tpu.memory_space<vmem_shared>>) dst(%dma_wait3A_53 : memref<632x128xf32, #tpu.memory_space<hbm>>)
      tpu.yield
    }) : () -> ()
    return
  }
}

#map = affine_map<(d0, d1) -> (0, 0)>
#map1 = affine_map<(d0, d1) -> (0, 0, 0)>
module attributes {stable_mosaic.version = 14 : i64} {
  func.func @k(%arg0: i32, %arg1: i32, %arg2: memref<20000x128xf32, #tpu.memory_space<hbm>>, %arg3: memref<2x1280x128xi32, #tpu.memory_space<hbm>>, %arg4: memref<1280x128xi32, #tpu.memory_space<hbm>>, %arg5: memref<632x128xf32, #tpu.memory_space<hbm>>, %arg6: memref<2x10112x128xf32, #tpu.memory_space<hbm>>, %arg7: memref<40x128xi32, #tpu.memory_space<vmem>>, %arg8: memref<40x128xi32, #tpu.memory_space<vmem>>, %arg9: memref<128x128xf32, #tpu.memory_space<vmem>>, %arg10: memref<128x128xf32, #tpu.memory_space<vmem>>, %arg11: memref<10112x128xf32, #tpu.memory_space<vmem_shared>>, %arg12: memref<!tpu.dma_semaphore, #tpu.memory_space<semaphore_mem>>, %arg13: memref<!tpu.dma_semaphore, #tpu.memory_space<semaphore_mem>>) attributes {dimension_semantics = [#tpu.dimension_semantics<core_parallel>, #tpu.dimension_semantics<subcore_parallel>], iteration_bounds = array<i64: 2, 16>, scalar_prefetch = 0 : i64, scratch_operands = 7 : i64, tpu.core_type = #tpu.core_type<sc_vector_subcore>, window_params = [{transform_indices = #map}, {transform_indices = #map1}, {transform_indices = #map}, {transform_indices = #map}, {transform_indices = #map1}]} {
    %mul3A = arith.constant 632 : i32
    %mul3A_0 = arith.muli %arg1, %mul3A : i32
    %multiple_of3A = tpu.assume_multiple %mul3A_0, 8 : i32
    %mul3A_1 = arith.constant 80 : i32
    %mul3A_2 = arith.muli %arg1, %mul3A_1 : i32
    "tpu.region"() ({
      %run_scoped3A = tpu.sem_alloc : memref<!tpu.dma_semaphore, #tpu.memory_space<semaphore_mem>>
      %dma_start3A_47 = arith.constant 0 : i32
      %dma_start3A_48 = tpu.memref_slice %arg11[%multiple_of3A, %dma_start3A_47] : memref<10112x128xf32, #tpu.memory_space<vmem_shared>> -> memref<632x128xf32, #tpu.memory_space<vmem_shared>>
      tpu.enqueue_dma source(%arg5 : memref<632x128xf32, #tpu.memory_space<hbm>>) target(%dma_start3A_48 : memref<632x128xf32, #tpu.memory_space<vmem_shared>>) target_semaphore(%run_scoped3A : memref<!tpu.dma_semaphore, #tpu.memory_space<semaphore_mem>>)
      %dma_wait3A = arith.constant 0 : i32
      %dma_wait3A_49 = tpu.memref_slice %arg11[%multiple_of3A, %dma_wait3A] : memref<10112x128xf32, #tpu.memory_space<vmem_shared>> -> memref<632x128xf32, #tpu.memory_space<vmem_shared>>
      tpu.wait_dma2 semaphore(%run_scoped3A : memref<!tpu.dma_semaphore, #tpu.memory_space<semaphore_mem>>) src(%arg5 : memref<632x128xf32, #tpu.memory_space<hbm>>) dst(%dma_wait3A_49 : memref<632x128xf32, #tpu.memory_space<vmem_shared>>)
      tpu.yield
    }) : () -> ()
    %barrier3A = arith.constant 0 : index
    tpu.barrier barrier_id(%barrier3A)
    %add3A = arith.constant 0 : i32
    %add3A_3 = arith.addi %mul3A_2, %add3A : i32
    "tpu.region"() ({
      %run_scoped3A = tpu.sem_alloc : memref<!tpu.dma_semaphore, #tpu.memory_space<semaphore_mem>>
      %dma_start3A_47 = arith.constant 0 : i32
      %dma_start3A_48 = tpu.memref_slice %arg3[%arg0, %add3A_3, %dma_start3A_47] : memref<2x1280x128xi32, #tpu.memory_space<hbm>> -> memref<1x40x128xi32, #tpu.memory_space<hbm>>
      %dma_start3A_49 = tpu.memref_squeeze %dma_start3A_48 : memref<1x40x128xi32, #tpu.memory_space<hbm>> -> memref<40x128xi32, #tpu.memory_space<hbm>>
      %dma_start3A_50 = arith.constant 0 : i32
      %dma_start3A_51 = tpu.memref_slice %arg3[%arg0, %add3A_3, %dma_start3A_50] : memref<2x1280x128xi32, #tpu.memory_space<hbm>> -> memref<1x40x128xi32, #tpu.memory_space<hbm>>
      %dma_start3A_52 = tpu.memref_squeeze %dma_start3A_51 : memref<1x40x128xi32, #tpu.memory_space<hbm>> -> memref<40x128xi32, #tpu.memory_space<hbm>>
      tpu.enqueue_dma source(%dma_start3A_52 : memref<40x128xi32, #tpu.memory_space<hbm>>) target(%arg7 : memref<40x128xi32, #tpu.memory_space<vmem>>) target_semaphore(%run_scoped3A : memref<!tpu.dma_semaphore, #tpu.memory_space<semaphore_mem>>)
      %dma_wait3A = arith.constant 0 : i32
      %dma_wait3A_53 = tpu.memref_slice %arg3[%arg0, %add3A_3, %dma_wait3A] : memref<2x1280x128xi32, #tpu.memory_space<hbm>> -> memref<1x40x128xi32, #tpu.memory_space<hbm>>
      %dma_wait3A_54 = tpu.memref_squeeze %dma_wait3A_53 : memref<1x40x128xi32, #tpu.memory_space<hbm>> -> memref<40x128xi32, #tpu.memory_space<hbm>>
      %dma_wait3A_55 = arith.constant 0 : i32
      %dma_wait3A_56 = tpu.memref_slice %arg3[%arg0, %add3A_3, %dma_wait3A_55] : memref<2x1280x128xi32, #tpu.memory_space<hbm>> -> memref<1x40x128xi32, #tpu.memory_space<hbm>>
      %dma_wait3A_57 = tpu.memref_squeeze %dma_wait3A_56 : memref<1x40x128xi32, #tpu.memory_space<hbm>> -> memref<40x128xi32, #tpu.memory_space<hbm>>
      tpu.wait_dma2 semaphore(%run_scoped3A : memref<!tpu.dma_semaphore, #tpu.memory_space<semaphore_mem>>) src(%dma_wait3A_57 : memref<40x128xi32, #tpu.memory_space<hbm>>) dst(%arg7 : memref<40x128xi32, #tpu.memory_space<vmem>>)
      tpu.yield
    }) : () -> ()
    %add3A_4 = arith.constant 0 : i32
    %add3A_5 = arith.addi %mul3A_2, %add3A_4 : i32
    "tpu.region"() ({
      %run_scoped3A = tpu.sem_alloc : memref<!tpu.dma_semaphore, #tpu.memory_space<semaphore_mem>>
      %dma_start3A_47 = arith.constant 0 : i32
      %dma_start3A_48 = tpu.memref_slice %arg4[%add3A_5, %dma_start3A_47] : memref<1280x128xi32, #tpu.memory_space<hbm>> -> memref<40x128xi32, #tpu.memory_space<hbm>>
      %dma_start3A_49 = arith.constant 0 : i32
      %dma_start3A_50 = tpu.memref_slice %arg4[%add3A_5, %dma_start3A_49] : memref<1280x128xi32, #tpu.memory_space<hbm>> -> memref<40x128xi32, #tpu.memory_space<hbm>>
      tpu.enqueue_dma source(%dma_start3A_50 : memref<40x128xi32, #tpu.memory_space<hbm>>) target(%arg8 : memref<40x128xi32, #tpu.memory_space<vmem>>) target_semaphore(%run_scoped3A : memref<!tpu.dma_semaphore, #tpu.memory_space<semaphore_mem>>)
      %dma_wait3A = arith.constant 0 : i32
      %dma_wait3A_51 = tpu.memref_slice %arg4[%add3A_5, %dma_wait3A] : memref<1280x128xi32, #tpu.memory_space<hbm>> -> memref<40x128xi32, #tpu.memory_space<hbm>>
      %dma_wait3A_52 = arith.constant 0 : i32
      %dma_wait3A_53 = tpu.memref_slice %arg4[%add3A_5, %dma_wait3A_52] : memref<1280x128xi32, #tpu.memory_space<hbm>> -> memref<40x128xi32, #tpu.memory_space<hbm>>
      tpu.wait_dma2 semaphore(%run_scoped3A : memref<!tpu.dma_semaphore, #tpu.memory_space<semaphore_mem>>) src(%dma_wait3A_53 : memref<40x128xi32, #tpu.memory_space<hbm>>) dst(%arg8 : memref<40x128xi32, #tpu.memory_space<vmem>>)
      tpu.yield
    }) : () -> ()
    %dma_start3A = arith.constant 0 : i32
    %dma_start3A_6 = arith.constant 0 : i32
    %dma_start3A_7 = tpu.memref_slice %arg7[%dma_start3A, %dma_start3A_6] : memref<40x128xi32, #tpu.memory_space<vmem>> -> memref<1x128xi32, #tpu.memory_space<vmem>>
    %dma_start3A_8 = tpu.memref_squeeze %dma_start3A_7 : memref<1x128xi32, #tpu.memory_space<vmem>> -> memref<128xi32, #tpu.memory_space<vmem>>
    %dma_start3A_9 = arith.constant 0 : i32
    %dma_start3A_10 = arith.constant 0 : i32
    %dma_start3A_11 = tpu.memref_slice %arg2[%dma_start3A_9, %dma_start3A_10] : memref<20000x128xf32, #tpu.memory_space<hbm>> -> memref<20000x128xf32, #tpu.memory_space<hbm>>
    tpu.enqueue_indirect_dma source(%dma_start3A_11 : memref<20000x128xf32, #tpu.memory_space<hbm>>) target(%arg9 : memref<128x128xf32, #tpu.memory_space<vmem>>) offsets(%dma_start3A_8 : memref<128xi32, #tpu.memory_space<vmem>>) semaphore(%arg12 : memref<!tpu.dma_semaphore, #tpu.memory_space<semaphore_mem>>)
    %dma_start3A_12 = arith.constant 1 : i32
    %dma_start3A_13 = arith.constant 0 : i32
    %dma_start3A_14 = tpu.memref_slice %arg7[%dma_start3A_12, %dma_start3A_13] : memref<40x128xi32, #tpu.memory_space<vmem>> -> memref<1x128xi32, #tpu.memory_space<vmem>>
    %dma_start3A_15 = tpu.memref_squeeze %dma_start3A_14 : memref<1x128xi32, #tpu.memory_space<vmem>> -> memref<128xi32, #tpu.memory_space<vmem>>
    %dma_start3A_16 = arith.constant 0 : i32
    %dma_start3A_17 = arith.constant 0 : i32
    %dma_start3A_18 = tpu.memref_slice %arg2[%dma_start3A_16, %dma_start3A_17] : memref<20000x128xf32, #tpu.memory_space<hbm>> -> memref<20000x128xf32, #tpu.memory_space<hbm>>
    tpu.enqueue_indirect_dma source(%dma_start3A_18 : memref<20000x128xf32, #tpu.memory_space<hbm>>) target(%arg10 : memref<128x128xf32, #tpu.memory_space<vmem>>) offsets(%dma_start3A_15 : memref<128xi32, #tpu.memory_space<vmem>>) semaphore(%arg13 : memref<!tpu.dma_semaphore, #tpu.memory_space<semaphore_mem>>)
    %scan3A = arith.constant 0 : i32
    %scan3A_19 = arith.constant 20 : i32
    %scan3A_20 = arith.addi %scan3A, %scan3A_19 : i32
    %scan3A_21 = arith.constant 1 : i32
    scf.for %scan3A_47 = %scan3A to %scan3A_20 step %scan3A_21  : i32 {
      %mul3A_48 = arith.constant 1 : i32
      %mul3A_49 = arith.muli %scan3A_47, %mul3A_48 : i32
      %add3A_50 = arith.constant 0 : i32
      %add3A_51 = arith.addi %add3A_50, %mul3A_49 : i32
      %mul3A_52 = arith.constant 2 : i32
      %mul3A_53 = arith.muli %add3A_51, %mul3A_52 : i32
      %dma_wait3A = arith.constant 0 : i32
      %dma_wait3A_54 = tpu.memref_slice %arg7[%mul3A_53, %dma_wait3A] : memref<40x128xi32, #tpu.memory_space<vmem>> -> memref<1x128xi32, #tpu.memory_space<vmem>>
      %dma_wait3A_55 = tpu.memref_squeeze %dma_wait3A_54 : memref<1x128xi32, #tpu.memory_space<vmem>> -> memref<128xi32, #tpu.memory_space<vmem>>
      %dma_wait3A_56 = arith.constant 0 : i32
      %dma_wait3A_57 = arith.constant 0 : i32
      %dma_wait3A_58 = tpu.memref_slice %arg2[%dma_wait3A_56, %dma_wait3A_57] : memref<20000x128xf32, #tpu.memory_space<hbm>> -> memref<20000x128xf32, #tpu.memory_space<hbm>>
      tpu.wait_indirect_dma semaphore(%arg12 : memref<!tpu.dma_semaphore, #tpu.memory_space<semaphore_mem>>) src(%dma_wait3A_58 : memref<20000x128xf32, #tpu.memory_space<hbm>>) dst(%arg9 : memref<128x128xf32, #tpu.memory_space<vmem>>)
      "tpu.region"() ({
        %run_scoped3A = tpu.sem_alloc : memref<!tpu.dma_semaphore, #tpu.memory_space<semaphore_mem>>
        %dma_start3A_78 = arith.constant 0 : i32
        %dma_start3A_79 = tpu.memref_slice %arg8[%mul3A_53, %dma_start3A_78] : memref<40x128xi32, #tpu.memory_space<vmem>> -> memref<1x128xi32, #tpu.memory_space<vmem>>
        %dma_start3A_80 = tpu.memref_squeeze %dma_start3A_79 : memref<1x128xi32, #tpu.memory_space<vmem>> -> memref<128xi32, #tpu.memory_space<vmem>>
        %dma_start3A_81 = arith.constant 0 : i32
        %dma_start3A_82 = arith.constant 0 : i32
        %dma_start3A_83 = tpu.memref_slice %arg11[%dma_start3A_81, %dma_start3A_82] : memref<10112x128xf32, #tpu.memory_space<vmem_shared>> -> memref<10112x128xf32, #tpu.memory_space<vmem_shared>>
        tpu.enqueue_indirect_dma source(%arg9 : memref<128x128xf32, #tpu.memory_space<vmem>>) target(%dma_start3A_83 : memref<10112x128xf32, #tpu.memory_space<vmem_shared>>) offsets(%dma_start3A_80 : memref<128xi32, #tpu.memory_space<vmem>>) semaphore(%run_scoped3A : memref<!tpu.dma_semaphore, #tpu.memory_space<semaphore_mem>>) {add = true}
        %dma_wait3A_84 = arith.constant 0 : i32
        %dma_wait3A_85 = tpu.memref_slice %arg8[%mul3A_53, %dma_wait3A_84] : memref<40x128xi32, #tpu.memory_space<vmem>> -> memref<1x128xi32, #tpu.memory_space<vmem>>
        %dma_wait3A_86 = tpu.memref_squeeze %dma_wait3A_85 : memref<1x128xi32, #tpu.memory_space<vmem>> -> memref<128xi32, #tpu.memory_space<vmem>>
        %dma_wait3A_87 = arith.constant 0 : i32
        %dma_wait3A_88 = arith.constant 0 : i32
        %dma_wait3A_89 = tpu.memref_slice %arg11[%dma_wait3A_87, %dma_wait3A_88] : memref<10112x128xf32, #tpu.memory_space<vmem_shared>> -> memref<10112x128xf32, #tpu.memory_space<vmem_shared>>
        tpu.wait_indirect_dma semaphore(%run_scoped3A : memref<!tpu.dma_semaphore, #tpu.memory_space<semaphore_mem>>) src(%arg9 : memref<128x128xf32, #tpu.memory_space<vmem>>) dst(%dma_wait3A_89 : memref<10112x128xf32, #tpu.memory_space<vmem_shared>>)
        tpu.yield
      }) : () -> ()
      %add3A_59 = arith.constant 2 : i32
      %add3A_60 = arith.addi %mul3A_53, %add3A_59 : i32
      %lt3A = arith.constant 40 : i32
      %lt3A_61 = arith.cmpi slt, %add3A_60, %lt3A : i32
      %convert_element_type3A = arith.extui %lt3A_61 : i1 to i32
      %cond3A = arith.constant 0 : i32
      %cond3A_62 = arith.cmpi ne, %convert_element_type3A, %cond3A : i32
      scf.if %cond3A_62 {
        %add3A_78 = arith.constant 2 : i32
        %add3A_79 = arith.addi %mul3A_53, %add3A_78 : i32
        %dma_start3A_80 = arith.constant 0 : i32
        %dma_start3A_81 = tpu.memref_slice %arg7[%add3A_79, %dma_start3A_80] : memref<40x128xi32, #tpu.memory_space<vmem>> -> memref<1x128xi32, #tpu.memory_space<vmem>>
        %dma_start3A_82 = tpu.memref_squeeze %dma_start3A_81 : memref<1x128xi32, #tpu.memory_space<vmem>> -> memref<128xi32, #tpu.memory_space<vmem>>
        %dma_start3A_83 = arith.constant 0 : i32
        %dma_start3A_84 = arith.constant 0 : i32
        %dma_start3A_85 = tpu.memref_slice %arg2[%dma_start3A_83, %dma_start3A_84] : memref<20000x128xf32, #tpu.memory_space<hbm>> -> memref<20000x128xf32, #tpu.memory_space<hbm>>
        tpu.enqueue_indirect_dma source(%dma_start3A_85 : memref<20000x128xf32, #tpu.memory_space<hbm>>) target(%arg9 : memref<128x128xf32, #tpu.memory_space<vmem>>) offsets(%dma_start3A_82 : memref<128xi32, #tpu.memory_space<vmem>>) semaphore(%arg12 : memref<!tpu.dma_semaphore, #tpu.memory_space<semaphore_mem>>)
      } else {
      }
      %dma_wait3A_63 = arith.constant 0 : i32
      %dma_wait3A_64 = tpu.memref_slice %arg7[%mul3A_53, %dma_wait3A_63] : memref<40x128xi32, #tpu.memory_space<vmem>> -> memref<1x128xi32, #tpu.memory_space<vmem>>
      %dma_wait3A_65 = tpu.memref_squeeze %dma_wait3A_64 : memref<1x128xi32, #tpu.memory_space<vmem>> -> memref<128xi32, #tpu.memory_space<vmem>>
      %dma_wait3A_66 = arith.constant 0 : i32
      %dma_wait3A_67 = arith.constant 0 : i32
      %dma_wait3A_68 = tpu.memref_slice %arg2[%dma_wait3A_66, %dma_wait3A_67] : memref<20000x128xf32, #tpu.memory_space<hbm>> -> memref<20000x128xf32, #tpu.memory_space<hbm>>
      tpu.wait_indirect_dma semaphore(%arg13 : memref<!tpu.dma_semaphore, #tpu.memory_space<semaphore_mem>>) src(%dma_wait3A_68 : memref<20000x128xf32, #tpu.memory_space<hbm>>) dst(%arg10 : memref<128x128xf32, #tpu.memory_space<vmem>>)
      %add3A_69 = arith.constant 1 : i32
      %add3A_70 = arith.addi %mul3A_53, %add3A_69 : i32
      "tpu.region"() ({
        %run_scoped3A = tpu.sem_alloc : memref<!tpu.dma_semaphore, #tpu.memory_space<semaphore_mem>>
        %dma_start3A_78 = arith.constant 0 : i32
        %dma_start3A_79 = tpu.memref_slice %arg8[%add3A_70, %dma_start3A_78] : memref<40x128xi32, #tpu.memory_space<vmem>> -> memref<1x128xi32, #tpu.memory_space<vmem>>
        %dma_start3A_80 = tpu.memref_squeeze %dma_start3A_79 : memref<1x128xi32, #tpu.memory_space<vmem>> -> memref<128xi32, #tpu.memory_space<vmem>>
        %dma_start3A_81 = arith.constant 0 : i32
        %dma_start3A_82 = arith.constant 0 : i32
        %dma_start3A_83 = tpu.memref_slice %arg11[%dma_start3A_81, %dma_start3A_82] : memref<10112x128xf32, #tpu.memory_space<vmem_shared>> -> memref<10112x128xf32, #tpu.memory_space<vmem_shared>>
        tpu.enqueue_indirect_dma source(%arg10 : memref<128x128xf32, #tpu.memory_space<vmem>>) target(%dma_start3A_83 : memref<10112x128xf32, #tpu.memory_space<vmem_shared>>) offsets(%dma_start3A_80 : memref<128xi32, #tpu.memory_space<vmem>>) semaphore(%run_scoped3A : memref<!tpu.dma_semaphore, #tpu.memory_space<semaphore_mem>>) {add = true}
        %dma_wait3A_84 = arith.constant 0 : i32
        %dma_wait3A_85 = tpu.memref_slice %arg8[%add3A_70, %dma_wait3A_84] : memref<40x128xi32, #tpu.memory_space<vmem>> -> memref<1x128xi32, #tpu.memory_space<vmem>>
        %dma_wait3A_86 = tpu.memref_squeeze %dma_wait3A_85 : memref<1x128xi32, #tpu.memory_space<vmem>> -> memref<128xi32, #tpu.memory_space<vmem>>
        %dma_wait3A_87 = arith.constant 0 : i32
        %dma_wait3A_88 = arith.constant 0 : i32
        %dma_wait3A_89 = tpu.memref_slice %arg11[%dma_wait3A_87, %dma_wait3A_88] : memref<10112x128xf32, #tpu.memory_space<vmem_shared>> -> memref<10112x128xf32, #tpu.memory_space<vmem_shared>>
        tpu.wait_indirect_dma semaphore(%run_scoped3A : memref<!tpu.dma_semaphore, #tpu.memory_space<semaphore_mem>>) src(%arg10 : memref<128x128xf32, #tpu.memory_space<vmem>>) dst(%dma_wait3A_89 : memref<10112x128xf32, #tpu.memory_space<vmem_shared>>)
        tpu.yield
      }) : () -> ()
      %add3A_71 = arith.constant 3 : i32
      %add3A_72 = arith.addi %mul3A_53, %add3A_71 : i32
      %lt3A_73 = arith.constant 40 : i32
      %lt3A_74 = arith.cmpi slt, %add3A_72, %lt3A_73 : i32
      %convert_element_type3A_75 = arith.extui %lt3A_74 : i1 to i32
      %cond3A_76 = arith.constant 0 : i32
      %cond3A_77 = arith.cmpi ne, %convert_element_type3A_75, %cond3A_76 : i32
      scf.if %cond3A_77 {
        %add3A_78 = arith.constant 3 : i32
        %add3A_79 = arith.addi %mul3A_53, %add3A_78 : i32
        %dma_start3A_80 = arith.constant 0 : i32
        %dma_start3A_81 = tpu.memref_slice %arg7[%add3A_79, %dma_start3A_80] : memref<40x128xi32, #tpu.memory_space<vmem>> -> memref<1x128xi32, #tpu.memory_space<vmem>>
        %dma_start3A_82 = tpu.memref_squeeze %dma_start3A_81 : memref<1x128xi32, #tpu.memory_space<vmem>> -> memref<128xi32, #tpu.memory_space<vmem>>
        %dma_start3A_83 = arith.constant 0 : i32
        %dma_start3A_84 = arith.constant 0 : i32
        %dma_start3A_85 = tpu.memref_slice %arg2[%dma_start3A_83, %dma_start3A_84] : memref<20000x128xf32, #tpu.memory_space<hbm>> -> memref<20000x128xf32, #tpu.memory_space<hbm>>
        tpu.enqueue_indirect_dma source(%dma_start3A_85 : memref<20000x128xf32, #tpu.memory_space<hbm>>) target(%arg10 : memref<128x128xf32, #tpu.memory_space<vmem>>) offsets(%dma_start3A_82 : memref<128xi32, #tpu.memory_space<vmem>>) semaphore(%arg13 : memref<!tpu.dma_semaphore, #tpu.memory_space<semaphore_mem>>)
      } else {
      }
    }
    %scan3A_22 = arith.constant 20 : i32
    %add3A_23 = arith.constant 40 : i32
    %add3A_24 = arith.addi %mul3A_2, %add3A_23 : i32
    "tpu.region"() ({
      %run_scoped3A = tpu.sem_alloc : memref<!tpu.dma_semaphore, #tpu.memory_space<semaphore_mem>>
      %dma_start3A_47 = arith.constant 0 : i32
      %dma_start3A_48 = tpu.memref_slice %arg3[%arg0, %add3A_24, %dma_start3A_47] : memref<2x1280x128xi32, #tpu.memory_space<hbm>> -> memref<1x40x128xi32, #tpu.memory_space<hbm>>
      %dma_start3A_49 = tpu.memref_squeeze %dma_start3A_48 : memref<1x40x128xi32, #tpu.memory_space<hbm>> -> memref<40x128xi32, #tpu.memory_space<hbm>>
      %dma_start3A_50 = arith.constant 0 : i32
      %dma_start3A_51 = tpu.memref_slice %arg3[%arg0, %add3A_24, %dma_start3A_50] : memref<2x1280x128xi32, #tpu.memory_space<hbm>> -> memref<1x40x128xi32, #tpu.memory_space<hbm>>
      %dma_start3A_52 = tpu.memref_squeeze %dma_start3A_51 : memref<1x40x128xi32, #tpu.memory_space<hbm>> -> memref<40x128xi32, #tpu.memory_space<hbm>>
      tpu.enqueue_dma source(%dma_start3A_52 : memref<40x128xi32, #tpu.memory_space<hbm>>) target(%arg7 : memref<40x128xi32, #tpu.memory_space<vmem>>) target_semaphore(%run_scoped3A : memref<!tpu.dma_semaphore, #tpu.memory_space<semaphore_mem>>)
      %dma_wait3A = arith.constant 0 : i32
      %dma_wait3A_53 = tpu.memref_slice %arg3[%arg0, %add3A_24, %dma_wait3A] : memref<2x1280x128xi32, #tpu.memory_space<hbm>> -> memref<1x40x128xi32, #tpu.memory_space<hbm>>
      %dma_wait3A_54 = tpu.memref_squeeze %dma_wait3A_53 : memref<1x40x128xi32, #tpu.memory_space<hbm>> -> memref<40x128xi32, #tpu.memory_space<hbm>>
      %dma_wait3A_55 = arith.constant 0 : i32
      %dma_wait3A_56 = tpu.memref_slice %arg3[%arg0, %add3A_24, %dma_wait3A_55] : memref<2x1280x128xi32, #tpu.memory_space<hbm>> -> memref<1x40x128xi32, #tpu.memory_space<hbm>>
      %dma_wait3A_57 = tpu.memref_squeeze %dma_wait3A_56 : memref<1x40x128xi32, #tpu.memory_space<hbm>> -> memref<40x128xi32, #tpu.memory_space<hbm>>
      tpu.wait_dma2 semaphore(%run_scoped3A : memref<!tpu.dma_semaphore, #tpu.memory_space<semaphore_mem>>) src(%dma_wait3A_57 : memref<40x128xi32, #tpu.memory_space<hbm>>) dst(%arg7 : memref<40x128xi32, #tpu.memory_space<vmem>>)
      tpu.yield
    }) : () -> ()
    %add3A_25 = arith.constant 40 : i32
    %add3A_26 = arith.addi %mul3A_2, %add3A_25 : i32
    "tpu.region"() ({
      %run_scoped3A = tpu.sem_alloc : memref<!tpu.dma_semaphore, #tpu.memory_space<semaphore_mem>>
      %dma_start3A_47 = arith.constant 0 : i32
      %dma_start3A_48 = tpu.memref_slice %arg4[%add3A_26, %dma_start3A_47] : memref<1280x128xi32, #tpu.memory_space<hbm>> -> memref<40x128xi32, #tpu.memory_space<hbm>>
      %dma_start3A_49 = arith.constant 0 : i32
      %dma_start3A_50 = tpu.memref_slice %arg4[%add3A_26, %dma_start3A_49] : memref<1280x128xi32, #tpu.memory_space<hbm>> -> memref<40x128xi32, #tpu.memory_space<hbm>>
      tpu.enqueue_dma source(%dma_start3A_50 : memref<40x128xi32, #tpu.memory_space<hbm>>) target(%arg8 : memref<40x128xi32, #tpu.memory_space<vmem>>) target_semaphore(%run_scoped3A : memref<!tpu.dma_semaphore, #tpu.memory_space<semaphore_mem>>)
      %dma_wait3A = arith.constant 0 : i32
      %dma_wait3A_51 = tpu.memref_slice %arg4[%add3A_26, %dma_wait3A] : memref<1280x128xi32, #tpu.memory_space<hbm>> -> memref<40x128xi32, #tpu.memory_space<hbm>>
      %dma_wait3A_52 = arith.constant 0 : i32
      %dma_wait3A_53 = tpu.memref_slice %arg4[%add3A_26, %dma_wait3A_52] : memref<1280x128xi32, #tpu.memory_space<hbm>> -> memref<40x128xi32, #tpu.memory_space<hbm>>
      tpu.wait_dma2 semaphore(%run_scoped3A : memref<!tpu.dma_semaphore, #tpu.memory_space<semaphore_mem>>) src(%dma_wait3A_53 : memref<40x128xi32, #tpu.memory_space<hbm>>) dst(%arg8 : memref<40x128xi32, #tpu.memory_space<vmem>>)
      tpu.yield
    }) : () -> ()
    %dma_start3A_27 = arith.constant 0 : i32
    %dma_start3A_28 = arith.constant 0 : i32
    %dma_start3A_29 = tpu.memref_slice %arg7[%dma_start3A_27, %dma_start3A_28] : memref<40x128xi32, #tpu.memory_space<vmem>> -> memref<1x128xi32, #tpu.memory_space<vmem>>
    %dma_start3A_30 = tpu.memref_squeeze %dma_start3A_29 : memref<1x128xi32, #tpu.memory_space<vmem>> -> memref<128xi32, #tpu.memory_space<vmem>>
    %dma_start3A_31 = arith.constant 0 : i32
    %dma_start3A_32 = arith.constant 0 : i32
    %dma_start3A_33 = tpu.memref_slice %arg2[%dma_start3A_31, %dma_start3A_32] : memref<20000x128xf32, #tpu.memory_space<hbm>> -> memref<20000x128xf32, #tpu.memory_space<hbm>>
    tpu.enqueue_indirect_dma source(%dma_start3A_33 : memref<20000x128xf32, #tpu.memory_space<hbm>>) target(%arg9 : memref<128x128xf32, #tpu.memory_space<vmem>>) offsets(%dma_start3A_30 : memref<128xi32, #tpu.memory_space<vmem>>) semaphore(%arg12 : memref<!tpu.dma_semaphore, #tpu.memory_space<semaphore_mem>>)
    %dma_start3A_34 = arith.constant 1 : i32
    %dma_start3A_35 = arith.constant 0 : i32
    %dma_start3A_36 = tpu.memref_slice %arg7[%dma_start3A_34, %dma_start3A_35] : memref<40x128xi32, #tpu.memory_space<vmem>> -> memref<1x128xi32, #tpu.memory_space<vmem>>
    %dma_start3A_37 = tpu.memref_squeeze %dma_start3A_36 : memref<1x128xi32, #tpu.memory_space<vmem>> -> memref<128xi32, #tpu.memory_space<vmem>>
    %dma_start3A_38 = arith.constant 0 : i32
    %dma_start3A_39 = arith.constant 0 : i32
    %dma_start3A_40 = tpu.memref_slice %arg2[%dma_start3A_38, %dma_start3A_39] : memref<20000x128xf32, #tpu.memory_space<hbm>> -> memref<20000x128xf32, #tpu.memory_space<hbm>>
    tpu.enqueue_indirect_dma source(%dma_start3A_40 : memref<20000x128xf32, #tpu.memory_space<hbm>>) target(%arg10 : memref<128x128xf32, #tpu.memory_space<vmem>>) offsets(%dma_start3A_37 : memref<128xi32, #tpu.memory_space<vmem>>) semaphore(%arg13 : memref<!tpu.dma_semaphore, #tpu.memory_space<semaphore_mem>>)
    %scan3A_41 = arith.constant 0 : i32
    %scan3A_42 = arith.constant 20 : i32
    %scan3A_43 = arith.addi %scan3A_41, %scan3A_42 : i32
    %scan3A_44 = arith.constant 1 : i32
    scf.for %scan3A_47 = %scan3A_41 to %scan3A_43 step %scan3A_44  : i32 {
      %mul3A_48 = arith.constant 1 : i32
      %mul3A_49 = arith.muli %scan3A_47, %mul3A_48 : i32
      %add3A_50 = arith.constant 0 : i32
      %add3A_51 = arith.addi %add3A_50, %mul3A_49 : i32
      %mul3A_52 = arith.constant 2 : i32
      %mul3A_53 = arith.muli %add3A_51, %mul3A_52 : i32
      %dma_wait3A = arith.constant 0 : i32
      %dma_wait3A_54 = tpu.memref_slice %arg7[%mul3A_53, %dma_wait3A] : memref<40x128xi32, #tpu.memory_space<vmem>> -> memref<1x128xi32, #tpu.memory_space<vmem>>
      %dma_wait3A_55 = tpu.memref_squeeze %dma_wait3A_54 : memref<1x128xi32, #tpu.memory_space<vmem>> -> memref<128xi32, #tpu.memory_space<vmem>>
      %dma_wait3A_56 = arith.constant 0 : i32
      %dma_wait3A_57 = arith.constant 0 : i32
      %dma_wait3A_58 = tpu.memref_slice %arg2[%dma_wait3A_56, %dma_wait3A_57] : memref<20000x128xf32, #tpu.memory_space<hbm>> -> memref<20000x128xf32, #tpu.memory_space<hbm>>
      tpu.wait_indirect_dma semaphore(%arg12 : memref<!tpu.dma_semaphore, #tpu.memory_space<semaphore_mem>>) src(%dma_wait3A_58 : memref<20000x128xf32, #tpu.memory_space<hbm>>) dst(%arg9 : memref<128x128xf32, #tpu.memory_space<vmem>>)
      "tpu.region"() ({
        %run_scoped3A = tpu.sem_alloc : memref<!tpu.dma_semaphore, #tpu.memory_space<semaphore_mem>>
        %dma_start3A_78 = arith.constant 0 : i32
        %dma_start3A_79 = tpu.memref_slice %arg8[%mul3A_53, %dma_start3A_78] : memref<40x128xi32, #tpu.memory_space<vmem>> -> memref<1x128xi32, #tpu.memory_space<vmem>>
        %dma_start3A_80 = tpu.memref_squeeze %dma_start3A_79 : memref<1x128xi32, #tpu.memory_space<vmem>> -> memref<128xi32, #tpu.memory_space<vmem>>
        %dma_start3A_81 = arith.constant 0 : i32
        %dma_start3A_82 = arith.constant 0 : i32
        %dma_start3A_83 = tpu.memref_slice %arg11[%dma_start3A_81, %dma_start3A_82] : memref<10112x128xf32, #tpu.memory_space<vmem_shared>> -> memref<10112x128xf32, #tpu.memory_space<vmem_shared>>
        tpu.enqueue_indirect_dma source(%arg9 : memref<128x128xf32, #tpu.memory_space<vmem>>) target(%dma_start3A_83 : memref<10112x128xf32, #tpu.memory_space<vmem_shared>>) offsets(%dma_start3A_80 : memref<128xi32, #tpu.memory_space<vmem>>) semaphore(%run_scoped3A : memref<!tpu.dma_semaphore, #tpu.memory_space<semaphore_mem>>) {add = true}
        %dma_wait3A_84 = arith.constant 0 : i32
        %dma_wait3A_85 = tpu.memref_slice %arg8[%mul3A_53, %dma_wait3A_84] : memref<40x128xi32, #tpu.memory_space<vmem>> -> memref<1x128xi32, #tpu.memory_space<vmem>>
        %dma_wait3A_86 = tpu.memref_squeeze %dma_wait3A_85 : memref<1x128xi32, #tpu.memory_space<vmem>> -> memref<128xi32, #tpu.memory_space<vmem>>
        %dma_wait3A_87 = arith.constant 0 : i32
        %dma_wait3A_88 = arith.constant 0 : i32
        %dma_wait3A_89 = tpu.memref_slice %arg11[%dma_wait3A_87, %dma_wait3A_88] : memref<10112x128xf32, #tpu.memory_space<vmem_shared>> -> memref<10112x128xf32, #tpu.memory_space<vmem_shared>>
        tpu.wait_indirect_dma semaphore(%run_scoped3A : memref<!tpu.dma_semaphore, #tpu.memory_space<semaphore_mem>>) src(%arg9 : memref<128x128xf32, #tpu.memory_space<vmem>>) dst(%dma_wait3A_89 : memref<10112x128xf32, #tpu.memory_space<vmem_shared>>)
        tpu.yield
      }) : () -> ()
      %add3A_59 = arith.constant 2 : i32
      %add3A_60 = arith.addi %mul3A_53, %add3A_59 : i32
      %lt3A = arith.constant 40 : i32
      %lt3A_61 = arith.cmpi slt, %add3A_60, %lt3A : i32
      %convert_element_type3A = arith.extui %lt3A_61 : i1 to i32
      %cond3A = arith.constant 0 : i32
      %cond3A_62 = arith.cmpi ne, %convert_element_type3A, %cond3A : i32
      scf.if %cond3A_62 {
        %add3A_78 = arith.constant 2 : i32
        %add3A_79 = arith.addi %mul3A_53, %add3A_78 : i32
        %dma_start3A_80 = arith.constant 0 : i32
        %dma_start3A_81 = tpu.memref_slice %arg7[%add3A_79, %dma_start3A_80] : memref<40x128xi32, #tpu.memory_space<vmem>> -> memref<1x128xi32, #tpu.memory_space<vmem>>
        %dma_start3A_82 = tpu.memref_squeeze %dma_start3A_81 : memref<1x128xi32, #tpu.memory_space<vmem>> -> memref<128xi32, #tpu.memory_space<vmem>>
        %dma_start3A_83 = arith.constant 0 : i32
        %dma_start3A_84 = arith.constant 0 : i32
        %dma_start3A_85 = tpu.memref_slice %arg2[%dma_start3A_83, %dma_start3A_84] : memref<20000x128xf32, #tpu.memory_space<hbm>> -> memref<20000x128xf32, #tpu.memory_space<hbm>>
        tpu.enqueue_indirect_dma source(%dma_start3A_85 : memref<20000x128xf32, #tpu.memory_space<hbm>>) target(%arg9 : memref<128x128xf32, #tpu.memory_space<vmem>>) offsets(%dma_start3A_82 : memref<128xi32, #tpu.memory_space<vmem>>) semaphore(%arg12 : memref<!tpu.dma_semaphore, #tpu.memory_space<semaphore_mem>>)
      } else {
      }
      %dma_wait3A_63 = arith.constant 0 : i32
      %dma_wait3A_64 = tpu.memref_slice %arg7[%mul3A_53, %dma_wait3A_63] : memref<40x128xi32, #tpu.memory_space<vmem>> -> memref<1x128xi32, #tpu.memory_space<vmem>>
      %dma_wait3A_65 = tpu.memref_squeeze %dma_wait3A_64 : memref<1x128xi32, #tpu.memory_space<vmem>> -> memref<128xi32, #tpu.memory_space<vmem>>
      %dma_wait3A_66 = arith.constant 0 : i32
      %dma_wait3A_67 = arith.constant 0 : i32
      %dma_wait3A_68 = tpu.memref_slice %arg2[%dma_wait3A_66, %dma_wait3A_67] : memref<20000x128xf32, #tpu.memory_space<hbm>> -> memref<20000x128xf32, #tpu.memory_space<hbm>>
      tpu.wait_indirect_dma semaphore(%arg13 : memref<!tpu.dma_semaphore, #tpu.memory_space<semaphore_mem>>) src(%dma_wait3A_68 : memref<20000x128xf32, #tpu.memory_space<hbm>>) dst(%arg10 : memref<128x128xf32, #tpu.memory_space<vmem>>)
      %add3A_69 = arith.constant 1 : i32
      %add3A_70 = arith.addi %mul3A_53, %add3A_69 : i32
      "tpu.region"() ({
        %run_scoped3A = tpu.sem_alloc : memref<!tpu.dma_semaphore, #tpu.memory_space<semaphore_mem>>
        %dma_start3A_78 = arith.constant 0 : i32
        %dma_start3A_79 = tpu.memref_slice %arg8[%add3A_70, %dma_start3A_78] : memref<40x128xi32, #tpu.memory_space<vmem>> -> memref<1x128xi32, #tpu.memory_space<vmem>>
        %dma_start3A_80 = tpu.memref_squeeze %dma_start3A_79 : memref<1x128xi32, #tpu.memory_space<vmem>> -> memref<128xi32, #tpu.memory_space<vmem>>
        %dma_start3A_81 = arith.constant 0 : i32
        %dma_start3A_82 = arith.constant 0 : i32
        %dma_start3A_83 = tpu.memref_slice %arg11[%dma_start3A_81, %dma_start3A_82] : memref<10112x128xf32, #tpu.memory_space<vmem_shared>> -> memref<10112x128xf32, #tpu.memory_space<vmem_shared>>
        tpu.enqueue_indirect_dma source(%arg10 : memref<128x128xf32, #tpu.memory_space<vmem>>) target(%dma_start3A_83 : memref<10112x128xf32, #tpu.memory_space<vmem_shared>>) offsets(%dma_start3A_80 : memref<128xi32, #tpu.memory_space<vmem>>) semaphore(%run_scoped3A : memref<!tpu.dma_semaphore, #tpu.memory_space<semaphore_mem>>) {add = true}
        %dma_wait3A_84 = arith.constant 0 : i32
        %dma_wait3A_85 = tpu.memref_slice %arg8[%add3A_70, %dma_wait3A_84] : memref<40x128xi32, #tpu.memory_space<vmem>> -> memref<1x128xi32, #tpu.memory_space<vmem>>
        %dma_wait3A_86 = tpu.memref_squeeze %dma_wait3A_85 : memref<1x128xi32, #tpu.memory_space<vmem>> -> memref<128xi32, #tpu.memory_space<vmem>>
        %dma_wait3A_87 = arith.constant 0 : i32
        %dma_wait3A_88 = arith.constant 0 : i32
        %dma_wait3A_89 = tpu.memref_slice %arg11[%dma_wait3A_87, %dma_wait3A_88] : memref<10112x128xf32, #tpu.memory_space<vmem_shared>> -> memref<10112x128xf32, #tpu.memory_space<vmem_shared>>
        tpu.wait_indirect_dma semaphore(%run_scoped3A : memref<!tpu.dma_semaphore, #tpu.memory_space<semaphore_mem>>) src(%arg10 : memref<128x128xf32, #tpu.memory_space<vmem>>) dst(%dma_wait3A_89 : memref<10112x128xf32, #tpu.memory_space<vmem_shared>>)
        tpu.yield
      }) : () -> ()
      %add3A_71 = arith.constant 3 : i32
      %add3A_72 = arith.addi %mul3A_53, %add3A_71 : i32
      %lt3A_73 = arith.constant 40 : i32
      %lt3A_74 = arith.cmpi slt, %add3A_72, %lt3A_73 : i32
      %convert_element_type3A_75 = arith.extui %lt3A_74 : i1 to i32
      %cond3A_76 = arith.constant 0 : i32
      %cond3A_77 = arith.cmpi ne, %convert_element_type3A_75, %cond3A_76 : i32
      scf.if %cond3A_77 {
        %add3A_78 = arith.constant 3 : i32
        %add3A_79 = arith.addi %mul3A_53, %add3A_78 : i32
        %dma_start3A_80 = arith.constant 0 : i32
        %dma_start3A_81 = tpu.memref_slice %arg7[%add3A_79, %dma_start3A_80] : memref<40x128xi32, #tpu.memory_space<vmem>> -> memref<1x128xi32, #tpu.memory_space<vmem>>
        %dma_start3A_82 = tpu.memref_squeeze %dma_start3A_81 : memref<1x128xi32, #tpu.memory_space<vmem>> -> memref<128xi32, #tpu.memory_space<vmem>>
        %dma_start3A_83 = arith.constant 0 : i32
        %dma_start3A_84 = arith.constant 0 : i32
        %dma_start3A_85 = tpu.memref_slice %arg2[%dma_start3A_83, %dma_start3A_84] : memref<20000x128xf32, #tpu.memory_space<hbm>> -> memref<20000x128xf32, #tpu.memory_space<hbm>>
        tpu.enqueue_indirect_dma source(%dma_start3A_85 : memref<20000x128xf32, #tpu.memory_space<hbm>>) target(%arg10 : memref<128x128xf32, #tpu.memory_space<vmem>>) offsets(%dma_start3A_82 : memref<128xi32, #tpu.memory_space<vmem>>) semaphore(%arg13 : memref<!tpu.dma_semaphore, #tpu.memory_space<semaphore_mem>>)
      } else {
      }
    }
    %scan3A_45 = arith.constant 20 : i32
    %barrier3A_46 = arith.constant 0 : index
    tpu.barrier barrier_id(%barrier3A_46)
    "tpu.region"() ({
      %run_scoped3A = tpu.sem_alloc : memref<!tpu.dma_semaphore, #tpu.memory_space<semaphore_mem>>
      %dma_start3A_47 = arith.constant 0 : i32
      %dma_start3A_48 = tpu.memref_slice %arg6[%arg0, %multiple_of3A, %dma_start3A_47] : memref<2x10112x128xf32, #tpu.memory_space<hbm>> -> memref<1x632x128xf32, #tpu.memory_space<hbm>>
      %dma_start3A_49 = tpu.memref_squeeze %dma_start3A_48 : memref<1x632x128xf32, #tpu.memory_space<hbm>> -> memref<632x128xf32, #tpu.memory_space<hbm>>
      %dma_start3A_50 = arith.constant 0 : i32
      %dma_start3A_51 = tpu.memref_slice %arg11[%multiple_of3A, %dma_start3A_50] : memref<10112x128xf32, #tpu.memory_space<vmem_shared>> -> memref<632x128xf32, #tpu.memory_space<vmem_shared>>
      tpu.enqueue_dma source(%dma_start3A_51 : memref<632x128xf32, #tpu.memory_space<vmem_shared>>) target(%dma_start3A_49 : memref<632x128xf32, #tpu.memory_space<hbm>>) target_semaphore(%run_scoped3A : memref<!tpu.dma_semaphore, #tpu.memory_space<semaphore_mem>>)
      %dma_wait3A = arith.constant 0 : i32
      %dma_wait3A_52 = tpu.memref_slice %arg6[%arg0, %multiple_of3A, %dma_wait3A] : memref<2x10112x128xf32, #tpu.memory_space<hbm>> -> memref<1x632x128xf32, #tpu.memory_space<hbm>>
      %dma_wait3A_53 = tpu.memref_squeeze %dma_wait3A_52 : memref<1x632x128xf32, #tpu.memory_space<hbm>> -> memref<632x128xf32, #tpu.memory_space<hbm>>
      %dma_wait3A_54 = arith.constant 0 : i32
      %dma_wait3A_55 = tpu.memref_slice %arg11[%multiple_of3A, %dma_wait3A_54] : memref<10112x128xf32, #tpu.memory_space<vmem_shared>> -> memref<632x128xf32, #tpu.memory_space<vmem_shared>>
      tpu.wait_dma2 semaphore(%run_scoped3A : memref<!tpu.dma_semaphore, #tpu.memory_space<semaphore_mem>>) src(%dma_wait3A_55 : memref<632x128xf32, #tpu.memory_space<vmem_shared>>) dst(%dma_wait3A_53 : memref<632x128xf32, #tpu.memory_space<hbm>>)
      tpu.yield
    }) : () -> ()
    return
  }
}

#map = affine_map<(d0, d1) -> (0, 0)>
#map1 = affine_map<(d0, d1) -> (0, 0, 0)>
module attributes {stable_mosaic.version = 14 : i64} {
  func.func @k(%arg0: i32, %arg1: i32, %arg2: memref<10000x128xf32, #tpu.memory_space<hbm>>, %arg3: memref<2x1280x128xi32, #tpu.memory_space<hbm>>, %arg4: memref<1280x128xi32, #tpu.memory_space<hbm>>, %arg5: memref<632x128xf32, #tpu.memory_space<hbm>>, %arg6: memref<2x10112x128xf32, #tpu.memory_space<hbm>>, %arg7: memref<40x128xi32, #tpu.memory_space<vmem>>, %arg8: memref<40x128xi32, #tpu.memory_space<vmem>>, %arg9: memref<128x128xf32, #tpu.memory_space<vmem>>, %arg10: memref<128x128xf32, #tpu.memory_space<vmem>>, %arg11: memref<10112x128xf32, #tpu.memory_space<vmem_shared>>, %arg12: memref<!tpu.dma_semaphore, #tpu.memory_space<semaphore_mem>>, %arg13: memref<!tpu.dma_semaphore, #tpu.memory_space<semaphore_mem>>) attributes {dimension_semantics = [#tpu.dimension_semantics<core_parallel>, #tpu.dimension_semantics<subcore_parallel>], iteration_bounds = array<i64: 2, 16>, scalar_prefetch = 0 : i64, scratch_operands = 7 : i64, tpu.core_type = #tpu.core_type<sc_vector_subcore>, window_params = [{transform_indices = #map}, {transform_indices = #map1}, {transform_indices = #map}, {transform_indices = #map}, {transform_indices = #map1}]} {
    %mul3A = arith.constant 632 : i32
    %mul3A_0 = arith.muli %arg1, %mul3A : i32
    %multiple_of3A = tpu.assume_multiple %mul3A_0, 8 : i32
    %mul3A_1 = arith.constant 2 : i32
    %mul3A_2 = arith.muli %arg1, %mul3A_1 : i32
    %add3A = arith.addi %mul3A_2, %arg0 : i32
    %mul3A_3 = arith.constant 40 : i32
    %mul3A_4 = arith.muli %add3A, %mul3A_3 : i32
    %mul3A_5 = arith.constant 0 : i32
    %mul3A_6 = arith.muli %arg0, %mul3A_5 : i32
    "tpu.region"() ({
      %run_scoped3A = tpu.sem_alloc : memref<!tpu.dma_semaphore, #tpu.memory_space<semaphore_mem>>
      %dma_start3A_29 = arith.constant 0 : i32
      %dma_start3A_30 = tpu.memref_slice %arg11[%multiple_of3A, %dma_start3A_29] : memref<10112x128xf32, #tpu.memory_space<vmem_shared>> -> memref<632x128xf32, #tpu.memory_space<vmem_shared>>
      tpu.enqueue_dma source(%arg5 : memref<632x128xf32, #tpu.memory_space<hbm>>) target(%dma_start3A_30 : memref<632x128xf32, #tpu.memory_space<vmem_shared>>) target_semaphore(%run_scoped3A : memref<!tpu.dma_semaphore, #tpu.memory_space<semaphore_mem>>)
      %dma_wait3A = arith.constant 0 : i32
      %dma_wait3A_31 = tpu.memref_slice %arg11[%multiple_of3A, %dma_wait3A] : memref<10112x128xf32, #tpu.memory_space<vmem_shared>> -> memref<632x128xf32, #tpu.memory_space<vmem_shared>>
      tpu.wait_dma2 semaphore(%run_scoped3A : memref<!tpu.dma_semaphore, #tpu.memory_space<semaphore_mem>>) src(%arg5 : memref<632x128xf32, #tpu.memory_space<hbm>>) dst(%dma_wait3A_31 : memref<632x128xf32, #tpu.memory_space<vmem_shared>>)
      tpu.yield
    }) : () -> ()
    %barrier3A = arith.constant 0 : index
    tpu.barrier barrier_id(%barrier3A)
    %add3A_7 = arith.constant 0 : i32
    %add3A_8 = arith.addi %mul3A_4, %add3A_7 : i32
    "tpu.region"() ({
      %run_scoped3A = tpu.sem_alloc : memref<!tpu.dma_semaphore, #tpu.memory_space<semaphore_mem>>
      %dma_start3A_29 = arith.constant 0 : i32
      %dma_start3A_30 = tpu.memref_slice %arg3[%mul3A_6, %add3A_8, %dma_start3A_29] : memref<2x1280x128xi32, #tpu.memory_space<hbm>> -> memref<1x40x128xi32, #tpu.memory_space<hbm>>
      %dma_start3A_31 = tpu.memref_squeeze %dma_start3A_30 : memref<1x40x128xi32, #tpu.memory_space<hbm>> -> memref<40x128xi32, #tpu.memory_space<hbm>>
      %dma_start3A_32 = arith.constant 0 : i32
      %dma_start3A_33 = tpu.memref_slice %arg3[%mul3A_6, %add3A_8, %dma_start3A_32] : memref<2x1280x128xi32, #tpu.memory_space<hbm>> -> memref<1x40x128xi32, #tpu.memory_space<hbm>>
      %dma_start3A_34 = tpu.memref_squeeze %dma_start3A_33 : memref<1x40x128xi32, #tpu.memory_space<hbm>> -> memref<40x128xi32, #tpu.memory_space<hbm>>
      tpu.enqueue_dma source(%dma_start3A_34 : memref<40x128xi32, #tpu.memory_space<hbm>>) target(%arg7 : memref<40x128xi32, #tpu.memory_space<vmem>>) target_semaphore(%run_scoped3A : memref<!tpu.dma_semaphore, #tpu.memory_space<semaphore_mem>>)
      %dma_wait3A = arith.constant 0 : i32
      %dma_wait3A_35 = tpu.memref_slice %arg3[%mul3A_6, %add3A_8, %dma_wait3A] : memref<2x1280x128xi32, #tpu.memory_space<hbm>> -> memref<1x40x128xi32, #tpu.memory_space<hbm>>
      %dma_wait3A_36 = tpu.memref_squeeze %dma_wait3A_35 : memref<1x40x128xi32, #tpu.memory_space<hbm>> -> memref<40x128xi32, #tpu.memory_space<hbm>>
      %dma_wait3A_37 = arith.constant 0 : i32
      %dma_wait3A_38 = tpu.memref_slice %arg3[%mul3A_6, %add3A_8, %dma_wait3A_37] : memref<2x1280x128xi32, #tpu.memory_space<hbm>> -> memref<1x40x128xi32, #tpu.memory_space<hbm>>
      %dma_wait3A_39 = tpu.memref_squeeze %dma_wait3A_38 : memref<1x40x128xi32, #tpu.memory_space<hbm>> -> memref<40x128xi32, #tpu.memory_space<hbm>>
      tpu.wait_dma2 semaphore(%run_scoped3A : memref<!tpu.dma_semaphore, #tpu.memory_space<semaphore_mem>>) src(%dma_wait3A_39 : memref<40x128xi32, #tpu.memory_space<hbm>>) dst(%arg7 : memref<40x128xi32, #tpu.memory_space<vmem>>)
      tpu.yield
    }) : () -> ()
    %add3A_9 = arith.constant 0 : i32
    %add3A_10 = arith.addi %mul3A_4, %add3A_9 : i32
    "tpu.region"() ({
      %run_scoped3A = tpu.sem_alloc : memref<!tpu.dma_semaphore, #tpu.memory_space<semaphore_mem>>
      %dma_start3A_29 = arith.constant 0 : i32
      %dma_start3A_30 = tpu.memref_slice %arg4[%add3A_10, %dma_start3A_29] : memref<1280x128xi32, #tpu.memory_space<hbm>> -> memref<40x128xi32, #tpu.memory_space<hbm>>
      %dma_start3A_31 = arith.constant 0 : i32
      %dma_start3A_32 = tpu.memref_slice %arg4[%add3A_10, %dma_start3A_31] : memref<1280x128xi32, #tpu.memory_space<hbm>> -> memref<40x128xi32, #tpu.memory_space<hbm>>
      tpu.enqueue_dma source(%dma_start3A_32 : memref<40x128xi32, #tpu.memory_space<hbm>>) target(%arg8 : memref<40x128xi32, #tpu.memory_space<vmem>>) target_semaphore(%run_scoped3A : memref<!tpu.dma_semaphore, #tpu.memory_space<semaphore_mem>>)
      %dma_wait3A = arith.constant 0 : i32
      %dma_wait3A_33 = tpu.memref_slice %arg4[%add3A_10, %dma_wait3A] : memref<1280x128xi32, #tpu.memory_space<hbm>> -> memref<40x128xi32, #tpu.memory_space<hbm>>
      %dma_wait3A_34 = arith.constant 0 : i32
      %dma_wait3A_35 = tpu.memref_slice %arg4[%add3A_10, %dma_wait3A_34] : memref<1280x128xi32, #tpu.memory_space<hbm>> -> memref<40x128xi32, #tpu.memory_space<hbm>>
      tpu.wait_dma2 semaphore(%run_scoped3A : memref<!tpu.dma_semaphore, #tpu.memory_space<semaphore_mem>>) src(%dma_wait3A_35 : memref<40x128xi32, #tpu.memory_space<hbm>>) dst(%arg8 : memref<40x128xi32, #tpu.memory_space<vmem>>)
      tpu.yield
    }) : () -> ()
    %dma_start3A = arith.constant 0 : i32
    %dma_start3A_11 = arith.constant 0 : i32
    %dma_start3A_12 = tpu.memref_slice %arg7[%dma_start3A, %dma_start3A_11] : memref<40x128xi32, #tpu.memory_space<vmem>> -> memref<1x128xi32, #tpu.memory_space<vmem>>
    %dma_start3A_13 = tpu.memref_squeeze %dma_start3A_12 : memref<1x128xi32, #tpu.memory_space<vmem>> -> memref<128xi32, #tpu.memory_space<vmem>>
    %dma_start3A_14 = arith.constant 0 : i32
    %dma_start3A_15 = arith.constant 0 : i32
    %dma_start3A_16 = tpu.memref_slice %arg2[%dma_start3A_14, %dma_start3A_15] : memref<10000x128xf32, #tpu.memory_space<hbm>> -> memref<10000x128xf32, #tpu.memory_space<hbm>>
    tpu.enqueue_indirect_dma source(%dma_start3A_16 : memref<10000x128xf32, #tpu.memory_space<hbm>>) target(%arg9 : memref<128x128xf32, #tpu.memory_space<vmem>>) offsets(%dma_start3A_13 : memref<128xi32, #tpu.memory_space<vmem>>) semaphore(%arg12 : memref<!tpu.dma_semaphore, #tpu.memory_space<semaphore_mem>>)
    %dma_start3A_17 = arith.constant 1 : i32
    %dma_start3A_18 = arith.constant 0 : i32
    %dma_start3A_19 = tpu.memref_slice %arg7[%dma_start3A_17, %dma_start3A_18] : memref<40x128xi32, #tpu.memory_space<vmem>> -> memref<1x128xi32, #tpu.memory_space<vmem>>
    %dma_start3A_20 = tpu.memref_squeeze %dma_start3A_19 : memref<1x128xi32, #tpu.memory_space<vmem>> -> memref<128xi32, #tpu.memory_space<vmem>>
    %dma_start3A_21 = arith.constant 0 : i32
    %dma_start3A_22 = arith.constant 0 : i32
    %dma_start3A_23 = tpu.memref_slice %arg2[%dma_start3A_21, %dma_start3A_22] : memref<10000x128xf32, #tpu.memory_space<hbm>> -> memref<10000x128xf32, #tpu.memory_space<hbm>>
    tpu.enqueue_indirect_dma source(%dma_start3A_23 : memref<10000x128xf32, #tpu.memory_space<hbm>>) target(%arg10 : memref<128x128xf32, #tpu.memory_space<vmem>>) offsets(%dma_start3A_20 : memref<128xi32, #tpu.memory_space<vmem>>) semaphore(%arg13 : memref<!tpu.dma_semaphore, #tpu.memory_space<semaphore_mem>>)
    %scan3A = arith.constant 0 : i32
    %scan3A_24 = arith.constant 20 : i32
    %scan3A_25 = arith.addi %scan3A, %scan3A_24 : i32
    %scan3A_26 = arith.constant 1 : i32
    scf.for %scan3A_29 = %scan3A to %scan3A_25 step %scan3A_26  : i32 {
      %mul3A_30 = arith.constant 1 : i32
      %mul3A_31 = arith.muli %scan3A_29, %mul3A_30 : i32
      %add3A_32 = arith.constant 0 : i32
      %add3A_33 = arith.addi %add3A_32, %mul3A_31 : i32
      %mul3A_34 = arith.constant 2 : i32
      %mul3A_35 = arith.muli %add3A_33, %mul3A_34 : i32
      %dma_wait3A = arith.constant 0 : i32
      %dma_wait3A_36 = tpu.memref_slice %arg7[%mul3A_35, %dma_wait3A] : memref<40x128xi32, #tpu.memory_space<vmem>> -> memref<1x128xi32, #tpu.memory_space<vmem>>
      %dma_wait3A_37 = tpu.memref_squeeze %dma_wait3A_36 : memref<1x128xi32, #tpu.memory_space<vmem>> -> memref<128xi32, #tpu.memory_space<vmem>>
      %dma_wait3A_38 = arith.constant 0 : i32
      %dma_wait3A_39 = arith.constant 0 : i32
      %dma_wait3A_40 = tpu.memref_slice %arg2[%dma_wait3A_38, %dma_wait3A_39] : memref<10000x128xf32, #tpu.memory_space<hbm>> -> memref<10000x128xf32, #tpu.memory_space<hbm>>
      tpu.wait_indirect_dma semaphore(%arg12 : memref<!tpu.dma_semaphore, #tpu.memory_space<semaphore_mem>>) src(%dma_wait3A_40 : memref<10000x128xf32, #tpu.memory_space<hbm>>) dst(%arg9 : memref<128x128xf32, #tpu.memory_space<vmem>>)
      "tpu.region"() ({
        %run_scoped3A = tpu.sem_alloc : memref<!tpu.dma_semaphore, #tpu.memory_space<semaphore_mem>>
        %dma_start3A_60 = arith.constant 0 : i32
        %dma_start3A_61 = tpu.memref_slice %arg8[%mul3A_35, %dma_start3A_60] : memref<40x128xi32, #tpu.memory_space<vmem>> -> memref<1x128xi32, #tpu.memory_space<vmem>>
        %dma_start3A_62 = tpu.memref_squeeze %dma_start3A_61 : memref<1x128xi32, #tpu.memory_space<vmem>> -> memref<128xi32, #tpu.memory_space<vmem>>
        %dma_start3A_63 = arith.constant 0 : i32
        %dma_start3A_64 = arith.constant 0 : i32
        %dma_start3A_65 = tpu.memref_slice %arg11[%dma_start3A_63, %dma_start3A_64] : memref<10112x128xf32, #tpu.memory_space<vmem_shared>> -> memref<10112x128xf32, #tpu.memory_space<vmem_shared>>
        tpu.enqueue_indirect_dma source(%arg9 : memref<128x128xf32, #tpu.memory_space<vmem>>) target(%dma_start3A_65 : memref<10112x128xf32, #tpu.memory_space<vmem_shared>>) offsets(%dma_start3A_62 : memref<128xi32, #tpu.memory_space<vmem>>) semaphore(%run_scoped3A : memref<!tpu.dma_semaphore, #tpu.memory_space<semaphore_mem>>) {add = true}
        %dma_wait3A_66 = arith.constant 0 : i32
        %dma_wait3A_67 = tpu.memref_slice %arg8[%mul3A_35, %dma_wait3A_66] : memref<40x128xi32, #tpu.memory_space<vmem>> -> memref<1x128xi32, #tpu.memory_space<vmem>>
        %dma_wait3A_68 = tpu.memref_squeeze %dma_wait3A_67 : memref<1x128xi32, #tpu.memory_space<vmem>> -> memref<128xi32, #tpu.memory_space<vmem>>
        %dma_wait3A_69 = arith.constant 0 : i32
        %dma_wait3A_70 = arith.constant 0 : i32
        %dma_wait3A_71 = tpu.memref_slice %arg11[%dma_wait3A_69, %dma_wait3A_70] : memref<10112x128xf32, #tpu.memory_space<vmem_shared>> -> memref<10112x128xf32, #tpu.memory_space<vmem_shared>>
        tpu.wait_indirect_dma semaphore(%run_scoped3A : memref<!tpu.dma_semaphore, #tpu.memory_space<semaphore_mem>>) src(%arg9 : memref<128x128xf32, #tpu.memory_space<vmem>>) dst(%dma_wait3A_71 : memref<10112x128xf32, #tpu.memory_space<vmem_shared>>)
        tpu.yield
      }) : () -> ()
      %add3A_41 = arith.constant 2 : i32
      %add3A_42 = arith.addi %mul3A_35, %add3A_41 : i32
      %lt3A = arith.constant 40 : i32
      %lt3A_43 = arith.cmpi slt, %add3A_42, %lt3A : i32
      %convert_element_type3A = arith.extui %lt3A_43 : i1 to i32
      %cond3A = arith.constant 0 : i32
      %cond3A_44 = arith.cmpi ne, %convert_element_type3A, %cond3A : i32
      scf.if %cond3A_44 {
        %add3A_60 = arith.constant 2 : i32
        %add3A_61 = arith.addi %mul3A_35, %add3A_60 : i32
        %dma_start3A_62 = arith.constant 0 : i32
        %dma_start3A_63 = tpu.memref_slice %arg7[%add3A_61, %dma_start3A_62] : memref<40x128xi32, #tpu.memory_space<vmem>> -> memref<1x128xi32, #tpu.memory_space<vmem>>
        %dma_start3A_64 = tpu.memref_squeeze %dma_start3A_63 : memref<1x128xi32, #tpu.memory_space<vmem>> -> memref<128xi32, #tpu.memory_space<vmem>>
        %dma_start3A_65 = arith.constant 0 : i32
        %dma_start3A_66 = arith.constant 0 : i32
        %dma_start3A_67 = tpu.memref_slice %arg2[%dma_start3A_65, %dma_start3A_66] : memref<10000x128xf32, #tpu.memory_space<hbm>> -> memref<10000x128xf32, #tpu.memory_space<hbm>>
        tpu.enqueue_indirect_dma source(%dma_start3A_67 : memref<10000x128xf32, #tpu.memory_space<hbm>>) target(%arg9 : memref<128x128xf32, #tpu.memory_space<vmem>>) offsets(%dma_start3A_64 : memref<128xi32, #tpu.memory_space<vmem>>) semaphore(%arg12 : memref<!tpu.dma_semaphore, #tpu.memory_space<semaphore_mem>>)
      } else {
      }
      %dma_wait3A_45 = arith.constant 0 : i32
      %dma_wait3A_46 = tpu.memref_slice %arg7[%mul3A_35, %dma_wait3A_45] : memref<40x128xi32, #tpu.memory_space<vmem>> -> memref<1x128xi32, #tpu.memory_space<vmem>>
      %dma_wait3A_47 = tpu.memref_squeeze %dma_wait3A_46 : memref<1x128xi32, #tpu.memory_space<vmem>> -> memref<128xi32, #tpu.memory_space<vmem>>
      %dma_wait3A_48 = arith.constant 0 : i32
      %dma_wait3A_49 = arith.constant 0 : i32
      %dma_wait3A_50 = tpu.memref_slice %arg2[%dma_wait3A_48, %dma_wait3A_49] : memref<10000x128xf32, #tpu.memory_space<hbm>> -> memref<10000x128xf32, #tpu.memory_space<hbm>>
      tpu.wait_indirect_dma semaphore(%arg13 : memref<!tpu.dma_semaphore, #tpu.memory_space<semaphore_mem>>) src(%dma_wait3A_50 : memref<10000x128xf32, #tpu.memory_space<hbm>>) dst(%arg10 : memref<128x128xf32, #tpu.memory_space<vmem>>)
      %add3A_51 = arith.constant 1 : i32
      %add3A_52 = arith.addi %mul3A_35, %add3A_51 : i32
      "tpu.region"() ({
        %run_scoped3A = tpu.sem_alloc : memref<!tpu.dma_semaphore, #tpu.memory_space<semaphore_mem>>
        %dma_start3A_60 = arith.constant 0 : i32
        %dma_start3A_61 = tpu.memref_slice %arg8[%add3A_52, %dma_start3A_60] : memref<40x128xi32, #tpu.memory_space<vmem>> -> memref<1x128xi32, #tpu.memory_space<vmem>>
        %dma_start3A_62 = tpu.memref_squeeze %dma_start3A_61 : memref<1x128xi32, #tpu.memory_space<vmem>> -> memref<128xi32, #tpu.memory_space<vmem>>
        %dma_start3A_63 = arith.constant 0 : i32
        %dma_start3A_64 = arith.constant 0 : i32
        %dma_start3A_65 = tpu.memref_slice %arg11[%dma_start3A_63, %dma_start3A_64] : memref<10112x128xf32, #tpu.memory_space<vmem_shared>> -> memref<10112x128xf32, #tpu.memory_space<vmem_shared>>
        tpu.enqueue_indirect_dma source(%arg10 : memref<128x128xf32, #tpu.memory_space<vmem>>) target(%dma_start3A_65 : memref<10112x128xf32, #tpu.memory_space<vmem_shared>>) offsets(%dma_start3A_62 : memref<128xi32, #tpu.memory_space<vmem>>) semaphore(%run_scoped3A : memref<!tpu.dma_semaphore, #tpu.memory_space<semaphore_mem>>) {add = true}
        %dma_wait3A_66 = arith.constant 0 : i32
        %dma_wait3A_67 = tpu.memref_slice %arg8[%add3A_52, %dma_wait3A_66] : memref<40x128xi32, #tpu.memory_space<vmem>> -> memref<1x128xi32, #tpu.memory_space<vmem>>
        %dma_wait3A_68 = tpu.memref_squeeze %dma_wait3A_67 : memref<1x128xi32, #tpu.memory_space<vmem>> -> memref<128xi32, #tpu.memory_space<vmem>>
        %dma_wait3A_69 = arith.constant 0 : i32
        %dma_wait3A_70 = arith.constant 0 : i32
        %dma_wait3A_71 = tpu.memref_slice %arg11[%dma_wait3A_69, %dma_wait3A_70] : memref<10112x128xf32, #tpu.memory_space<vmem_shared>> -> memref<10112x128xf32, #tpu.memory_space<vmem_shared>>
        tpu.wait_indirect_dma semaphore(%run_scoped3A : memref<!tpu.dma_semaphore, #tpu.memory_space<semaphore_mem>>) src(%arg10 : memref<128x128xf32, #tpu.memory_space<vmem>>) dst(%dma_wait3A_71 : memref<10112x128xf32, #tpu.memory_space<vmem_shared>>)
        tpu.yield
      }) : () -> ()
      %add3A_53 = arith.constant 3 : i32
      %add3A_54 = arith.addi %mul3A_35, %add3A_53 : i32
      %lt3A_55 = arith.constant 40 : i32
      %lt3A_56 = arith.cmpi slt, %add3A_54, %lt3A_55 : i32
      %convert_element_type3A_57 = arith.extui %lt3A_56 : i1 to i32
      %cond3A_58 = arith.constant 0 : i32
      %cond3A_59 = arith.cmpi ne, %convert_element_type3A_57, %cond3A_58 : i32
      scf.if %cond3A_59 {
        %add3A_60 = arith.constant 3 : i32
        %add3A_61 = arith.addi %mul3A_35, %add3A_60 : i32
        %dma_start3A_62 = arith.constant 0 : i32
        %dma_start3A_63 = tpu.memref_slice %arg7[%add3A_61, %dma_start3A_62] : memref<40x128xi32, #tpu.memory_space<vmem>> -> memref<1x128xi32, #tpu.memory_space<vmem>>
        %dma_start3A_64 = tpu.memref_squeeze %dma_start3A_63 : memref<1x128xi32, #tpu.memory_space<vmem>> -> memref<128xi32, #tpu.memory_space<vmem>>
        %dma_start3A_65 = arith.constant 0 : i32
        %dma_start3A_66 = arith.constant 0 : i32
        %dma_start3A_67 = tpu.memref_slice %arg2[%dma_start3A_65, %dma_start3A_66] : memref<10000x128xf32, #tpu.memory_space<hbm>> -> memref<10000x128xf32, #tpu.memory_space<hbm>>
        tpu.enqueue_indirect_dma source(%dma_start3A_67 : memref<10000x128xf32, #tpu.memory_space<hbm>>) target(%arg10 : memref<128x128xf32, #tpu.memory_space<vmem>>) offsets(%dma_start3A_64 : memref<128xi32, #tpu.memory_space<vmem>>) semaphore(%arg13 : memref<!tpu.dma_semaphore, #tpu.memory_space<semaphore_mem>>)
      } else {
      }
    }
    %scan3A_27 = arith.constant 20 : i32
    %barrier3A_28 = arith.constant 0 : index
    tpu.barrier barrier_id(%barrier3A_28)
    "tpu.region"() ({
      %run_scoped3A = tpu.sem_alloc : memref<!tpu.dma_semaphore, #tpu.memory_space<semaphore_mem>>
      %dma_start3A_29 = arith.constant 0 : i32
      %dma_start3A_30 = tpu.memref_slice %arg6[%arg0, %multiple_of3A, %dma_start3A_29] : memref<2x10112x128xf32, #tpu.memory_space<hbm>> -> memref<1x632x128xf32, #tpu.memory_space<hbm>>
      %dma_start3A_31 = tpu.memref_squeeze %dma_start3A_30 : memref<1x632x128xf32, #tpu.memory_space<hbm>> -> memref<632x128xf32, #tpu.memory_space<hbm>>
      %dma_start3A_32 = arith.constant 0 : i32
      %dma_start3A_33 = tpu.memref_slice %arg11[%multiple_of3A, %dma_start3A_32] : memref<10112x128xf32, #tpu.memory_space<vmem_shared>> -> memref<632x128xf32, #tpu.memory_space<vmem_shared>>
      tpu.enqueue_dma source(%dma_start3A_33 : memref<632x128xf32, #tpu.memory_space<vmem_shared>>) target(%dma_start3A_31 : memref<632x128xf32, #tpu.memory_space<hbm>>) target_semaphore(%run_scoped3A : memref<!tpu.dma_semaphore, #tpu.memory_space<semaphore_mem>>)
      %dma_wait3A = arith.constant 0 : i32
      %dma_wait3A_34 = tpu.memref_slice %arg6[%arg0, %multiple_of3A, %dma_wait3A] : memref<2x10112x128xf32, #tpu.memory_space<hbm>> -> memref<1x632x128xf32, #tpu.memory_space<hbm>>
      %dma_wait3A_35 = tpu.memref_squeeze %dma_wait3A_34 : memref<1x632x128xf32, #tpu.memory_space<hbm>> -> memref<632x128xf32, #tpu.memory_space<hbm>>
      %dma_wait3A_36 = arith.constant 0 : i32
      %dma_wait3A_37 = tpu.memref_slice %arg11[%multiple_of3A, %dma_wait3A_36] : memref<10112x128xf32, #tpu.memory_space<vmem_shared>> -> memref<632x128xf32, #tpu.memory_space<vmem_shared>>
      tpu.wait_dma2 semaphore(%run_scoped3A : memref<!tpu.dma_semaphore, #tpu.memory_space<semaphore_mem>>) src(%dma_wait3A_37 : memref<632x128xf32, #tpu.memory_space<vmem_shared>>) dst(%dma_wait3A_35 : memref<632x128xf32, #tpu.memory_space<hbm>>)
      tpu.yield
    }) : () -> ()
    return
  }
}

module attributes {stable_mosaic.version = 14 : i64} {
  func.func @body(%arg0: i32, %arg1: memref<2000x256xf32, #tpu.memory_space<vmem>>, %arg2: memref<256x256xf32, #tpu.memory_space<vmem>>, %arg3: memref<256x256xf32, #tpu.memory_space<vmem>>, %arg4: memref<256xf32, #tpu.memory_space<vmem>>, %arg5: memref<2x2000x128xf32, #tpu.memory_space<vmem>>, %arg6: memref<2000x256xf32, #tpu.memory_space<vmem>>) attributes {dimension_semantics = [#tpu.dimension_semantics<arbitrary>], iteration_bounds = array<i64: 5>, scalar_prefetch = 0 : i64, scratch_operands = 0 : i64, tpu.core_type = #tpu.core_type<tc>, window_params = [{transform_indices = @transform_0, window_bounds = array<i64: 2000, 256>}, {pipeline_mode = #tpu.pipeline_mode<synchronous>, transform_indices = @transform_1, window_bounds = array<i64: 256, 256>}, {pipeline_mode = #tpu.pipeline_mode<synchronous>, transform_indices = @transform_2, window_bounds = array<i64: 256, 256>}, {pipeline_mode = #tpu.pipeline_mode<synchronous>, transform_indices = @transform_3, window_bounds = array<i64: 256>}, {transform_indices = @transform_4, window_bounds = array<i64: 2, 2000, 128>}, {transform_indices = @transform_5, window_bounds = array<i64: 2000, 256>}]} {
    %get3A = arith.constant 0 : index
    %get3A_0 = arith.constant 0 : index
    %get3A_1 = vector.load %arg1[%get3A, %get3A_0] : memref<2000x256xf32, #tpu.memory_space<vmem>>, vector<2000x256xf32>
    %get3A_2 = arith.constant 0 : index
    %get3A_3 = arith.constant 0 : index
    %get3A_4 = vector.load %arg2[%get3A_2, %get3A_3] : memref<256x256xf32, #tpu.memory_space<vmem>>, vector<256x256xf32>
    %dot_general3A = arith.constant dense<0.000000e+00> : vector<2000x256xf32>
    %dot_general3A_5 = tpu.matmul %get3A_1, %get3A_4, %dot_general3A {dimension_numbers = #tpu.dot_dimension_numbers<[1], [0], [0], [1], [0, 0, 1, 1], [], []>, transpose_lhs_hint = false} : vector<2000x256xf32>, vector<256x256xf32>, vector<2000x256xf32> -> vector<2000x256xf32>
    %slice3A = vector.extract_strided_slice %dot_general3A_5 {offsets = [0, 0], sizes = [2000, 128], strides = [1, 1]} : vector<2000x256xf32> to vector<2000x128xf32>
    %swap3A = arith.constant 0 : index
    %swap3A_6 = arith.constant 0 : index
    %swap3A_7 = arith.constant 0 : index
    %swap3A_8 = vector.load %arg5[%swap3A, %swap3A_6, %swap3A_7] : memref<2x2000x128xf32, #tpu.memory_space<vmem>>, vector<1x2000x128xf32>
    %swap3A_9 = vector.shape_cast %swap3A_8 : vector<1x2000x128xf32> to vector<2000x128xf32>
    %swap3A_10 = vector.shape_cast %slice3A : vector<2000x128xf32> to vector<1x2000x128xf32>
    tpu.vector_store %arg5[%swap3A, %swap3A_6, %swap3A_7], %swap3A_10 {strides = array<i32>} : memref<2x2000x128xf32, #tpu.memory_space<vmem>>, vector<1x2000x128xf32>,
    %slice3A_11 = vector.extract_strided_slice %dot_general3A_5 {offsets = [0, 128], sizes = [2000, 128], strides = [1, 1]} : vector<2000x256xf32> to vector<2000x128xf32>
    %swap3A_12 = arith.constant 1 : index
    %swap3A_13 = arith.constant 0 : index
    %swap3A_14 = arith.constant 0 : index
    %swap3A_15 = vector.load %arg5[%swap3A_12, %swap3A_13, %swap3A_14] : memref<2x2000x128xf32, #tpu.memory_space<vmem>>, vector<1x2000x128xf32>
    %swap3A_16 = vector.shape_cast %swap3A_15 : vector<1x2000x128xf32> to vector<2000x128xf32>
    %swap3A_17 = vector.shape_cast %slice3A_11 : vector<2000x128xf32> to vector<1x2000x128xf32>
    tpu.vector_store %arg5[%swap3A_12, %swap3A_13, %swap3A_14], %swap3A_17 {strides = array<i32>} : memref<2x2000x128xf32, #tpu.memory_space<vmem>>, vector<1x2000x128xf32>,
    %get3A_18 = arith.constant 0 : index
    %get3A_19 = arith.constant 0 : index
    %get3A_20 = vector.load %arg3[%get3A_18, %get3A_19] : memref<256x256xf32, #tpu.memory_space<vmem>>, vector<256x256xf32>
    %dot_general3A_21 = arith.constant dense<0.000000e+00> : vector<2000x256xf32>
    %dot_general3A_22 = tpu.matmul %get3A_1, %get3A_20, %dot_general3A_21 {dimension_numbers = #tpu.dot_dimension_numbers<[1], [0], [0], [1], [0, 0, 1, 1], [], []>, transpose_lhs_hint = false} : vector<2000x256xf32>, vector<256x256xf32>, vector<2000x256xf32> -> vector<2000x256xf32>
    %get3A_23 = arith.constant 0 : index
    %get3A_24 = vector.load %arg4[%get3A_23] : memref<256xf32, #tpu.memory_space<vmem>>, vector<256xf32>
    %broadcast_in_dim3A = vector.shape_cast %get3A_24 : vector<256xf32> to vector<1x256xf32>
    %add3A = vector.broadcast %broadcast_in_dim3A : vector<1x256xf32> to vector<2000x256xf32>
    %add3A_25 = arith.addf %dot_general3A_22, %add3A : vector<2000x256xf32>
    %swap3A_26 = arith.constant 0 : index
    %swap3A_27 = arith.constant 0 : index
    %swap3A_28 = vector.load %arg6[%swap3A_26, %swap3A_27] : memref<2000x256xf32, #tpu.memory_space<vmem>>, vector<2000x256xf32>
    tpu.vector_store %arg6[%swap3A_26, %swap3A_27], %add3A_25 {strides = array<i32>} : memref<2000x256xf32, #tpu.memory_space<vmem>>, vector<2000x256xf32>,
    return
  }
  func.func @transform_0(%arg0: i32) -> (i32, i32) {
    %c0_i32 = arith.constant 0 : i32
    %c0_i32_0 = arith.constant 0 : i32
    return %arg0, %c0_i32 : i32, i32
  }
  func.func @transform_1(%arg0: i32) -> (i32, i32) {
    %c0_i32 = arith.constant 0 : i32
    %c0_i32_0 = arith.constant 0 : i32
    %c0_i32_1 = arith.constant 0 : i32
    return %c0_i32, %c0_i32_0 : i32, i32
  }
  func.func @transform_2(%arg0: i32) -> (i32, i32) {
    %c0_i32 = arith.constant 0 : i32
    %c0_i32_0 = arith.constant 0 : i32
    %c0_i32_1 = arith.constant 0 : i32
    return %c0_i32, %c0_i32_0 : i32, i32
  }
  func.func @transform_3(%arg0: i32) -> i32 {
    %c0_i32 = arith.constant 0 : i32
    %c0_i32_0 = arith.constant 0 : i32
    return %c0_i32 : i32
  }
  func.func @transform_4(%arg0: i32) -> (i32, i32, i32) {
    %c0_i32 = arith.constant 0 : i32
    %c0_i32_0 = arith.constant 0 : i32
    %c0_i32_1 = arith.constant 0 : i32
    return %c0_i32, %arg0, %c0_i32_0 : i32, i32, i32
  }
  func.func @transform_5(%arg0: i32) -> (i32, i32) {
    %c0_i32 = arith.constant 0 : i32
    %c0_i32_0 = arith.constant 0 : i32
    return %arg0, %c0_i32 : i32, i32
  }
}

module attributes {stable_mosaic.version = 14 : i64} {
  func.func @body(%arg0: memref<10000x128xf32, #tpu.memory_space<vmem>>, %arg1: memref<10000x128xf32, #tpu.memory_space<vmem>>, %arg2: memref<10000x1xf32, #tpu.memory_space<vmem>>) attributes {dimension_semantics = [], scalar_prefetch = 0 : i64, scratch_operands = 0 : i64, tpu.core_type = #tpu.core_type<tc>} {
    %get3A = arith.constant 0 : index
    %get3A_0 = arith.constant 0 : index
    %get3A_1 = vector.load %arg0[%get3A, %get3A_0] : memref<10000x128xf32, #tpu.memory_space<vmem>>, vector<10000x128xf32>
    %slice3A = vector.extract_strided_slice %get3A_1 {offsets = [0, 0], sizes = [10000, 1], strides = [1, 1]} : vector<10000x128xf32> to vector<10000x1xf32>
    %get3A_2 = arith.constant 0 : index
    %get3A_3 = arith.constant 0 : index
    %get3A_4 = vector.load %arg1[%get3A_2, %get3A_3] : memref<10000x128xf32, #tpu.memory_space<vmem>>, vector<10000x128xf32>
    %slice3A_5 = vector.extract_strided_slice %get3A_4 {offsets = [0, 0], sizes = [10000, 1], strides = [1, 1]} : vector<10000x128xf32> to vector<10000x1xf32>
    %add3A = arith.addf %slice3A, %slice3A_5 : vector<10000x1xf32>
    %max3A = arith.constant 1.000000e+00 : f32
    %max3A_6 = vector.broadcast %max3A : f32 to vector<10000x1xf32>
    %max3A_7 = arith.maximumf %add3A, %max3A_6 : vector<10000x1xf32>
    %div3A = arith.constant 1.000000e+00 : f32
    %div3A_8 = vector.broadcast %div3A : f32 to vector<10000x1xf32>
    %div3A_9 = arith.divf %div3A_8, %max3A_7 : vector<10000x1xf32>
    %swap3A = arith.constant 0 : index
    %swap3A_10 = arith.constant 0 : index
    %swap3A_11 = vector.load %arg2[%swap3A, %swap3A_10] : memref<10000x1xf32, #tpu.memory_space<vmem>>, vector<10000x1xf32>
    tpu.vector_store %arg2[%swap3A, %swap3A_10], %div3A_9 {strides = array<i32>} : memref<10000x1xf32, #tpu.memory_space<vmem>>, vector<10000x1xf32>,
    return
  }
}

module attributes {stable_mosaic.version = 14 : i64} {
  func.func @body(%arg0: i32, %arg1: memref<2000x128xf32, #tpu.memory_space<vmem>>, %arg2: memref<2000x128xf32, #tpu.memory_space<vmem>>, %arg3: memref<2000x256xf32, #tpu.memory_space<vmem>>, %arg4: memref<2000x1xf32, #tpu.memory_space<vmem>>, %arg5: memref<2000x256xf32, #tpu.memory_space<vmem>>, %arg6: memref<8x256xf32, #tpu.memory_space<vmem>>) attributes {dimension_semantics = [#tpu.dimension_semantics<arbitrary>], iteration_bounds = array<i64: 5>, scalar_prefetch = 0 : i64, scratch_operands = 0 : i64, tpu.core_type = #tpu.core_type<tc>, window_params = [{transform_indices = @transform_0, window_bounds = array<i64: 2000, 128>}, {transform_indices = @transform_1, window_bounds = array<i64: 2000, 128>}, {transform_indices = @transform_2, window_bounds = array<i64: 2000, 256>}, {transform_indices = @transform_3, window_bounds = array<i64: 2000, 1>}, {transform_indices = @transform_4, window_bounds = array<i64: 2000, 256>}, {pipeline_mode = #tpu.pipeline_mode<synchronous>, transform_indices = @transform_5, window_bounds = array<i64: 8, 256>}]} {
    %get3A = arith.constant 0 : index
    %get3A_0 = arith.constant 0 : index
    %get3A_1 = vector.load %arg1[%get3A, %get3A_0] : memref<2000x128xf32, #tpu.memory_space<vmem>>, vector<2000x128xf32>
    %get3A_2 = arith.constant 0 : index
    %get3A_3 = arith.constant 0 : index
    %get3A_4 = vector.load %arg2[%get3A_2, %get3A_3] : memref<2000x128xf32, #tpu.memory_space<vmem>>, vector<2000x128xf32>
    %concatenate3A = tpu.concatenate %get3A_1, %get3A_4 in 1 : vector<2000x128xf32>, vector<2000x128xf32> -> vector<2000x256xf32>
    %get3A_5 = arith.constant 0 : index
    %get3A_6 = arith.constant 0 : index
    %get3A_7 = vector.load %arg4[%get3A_5, %get3A_6] : memref<2000x1xf32, #tpu.memory_space<vmem>>, vector<2000x1xf32>
    %mul3A = vector.broadcast %get3A_7 : vector<2000x1xf32> to vector<2000x256xf32>
    %mul3A_8 = arith.mulf %concatenate3A, %mul3A : vector<2000x256xf32>
    %get3A_9 = arith.constant 0 : index
    %get3A_10 = arith.constant 0 : index
    %get3A_11 = vector.load %arg3[%get3A_9, %get3A_10] : memref<2000x256xf32, #tpu.memory_space<vmem>>, vector<2000x256xf32>
    %add3A = arith.addf %mul3A_8, %get3A_11 : vector<2000x256xf32>
    %mul3A_12 = arith.mulf %add3A, %add3A : vector<2000x256xf32>
    %reduce_sum3A = arith.constant dense<0.000000e+00> : vector<2000xf32>
    %reduce_sum3A_13 = vector.multi_reduction <add>, %mul3A_12, %reduce_sum3A [1] : vector<2000x256xf32> to vector<2000xf32>
    %broadcast_in_dim3A = vector.shape_cast %reduce_sum3A_13 : vector<2000xf32> to vector<2000x1xf32>
    %sqrt3A = math.sqrt %broadcast_in_dim3A : vector<2000x1xf32>
    %max3A = arith.constant 9.99999996E-13 : f32
    %max3A_14 = vector.broadcast %max3A : f32 to vector<2000x1xf32>
    %max3A_15 = arith.maximumf %sqrt3A, %max3A_14 : vector<2000x1xf32>
    %div3A = vector.broadcast %max3A_15 : vector<2000x1xf32> to vector<2000x256xf32>
    %div3A_16 = arith.divf %add3A, %div3A : vector<2000x256xf32>
    %swap3A = arith.constant 0 : index
    %swap3A_17 = arith.constant 0 : index
    %swap3A_18 = vector.load %arg5[%swap3A, %swap3A_17] : memref<2000x256xf32, #tpu.memory_space<vmem>>, vector<2000x256xf32>
    tpu.vector_store %arg5[%swap3A, %swap3A_17], %div3A_16 {strides = array<i32>} : memref<2000x256xf32, #tpu.memory_space<vmem>>, vector<2000x256xf32>,
    %reduce_sum3A_19 = arith.constant dense<0.000000e+00> : vector<256xf32>
    %reduce_sum3A_20 = vector.multi_reduction <add>, %div3A_16, %reduce_sum3A_19 [0] : vector<2000x256xf32> to vector<256xf32>
    %broadcast_in_dim3A_21 = vector.shape_cast %reduce_sum3A_20 : vector<256xf32> to vector<1x256xf32>
    %mul3A_22 = arith.mulf %div3A_16, %div3A_16 : vector<2000x256xf32>
    %reduce_sum3A_23 = arith.constant dense<0.000000e+00> : vector<256xf32>
    %reduce_sum3A_24 = vector.multi_reduction <add>, %mul3A_22, %reduce_sum3A_23 [0] : vector<2000x256xf32> to vector<256xf32>
    %broadcast_in_dim3A_25 = vector.shape_cast %reduce_sum3A_24 : vector<256xf32> to vector<1x256xf32>
    %broadcast_in_dim3A_26 = arith.constant 0.000000e+00 : f32
    %broadcast_in_dim3A_27 = vector.broadcast %broadcast_in_dim3A_26 : f32 to vector<6x256xf32>
    %concatenate3A_28 = tpu.concatenate %broadcast_in_dim3A_21, %broadcast_in_dim3A_25, %broadcast_in_dim3A_27 in 0 : vector<1x256xf32>, vector<1x256xf32>, vector<6x256xf32> -> vector<8x256xf32>
    %eq3A = arith.constant 0 : i32
    %eq3A_29 = arith.cmpi eq, %arg0, %eq3A : i32
    %convert_element_type3A = arith.extui %eq3A_29 : i1 to i32
    %cond3A = arith.constant 0 : i32
    %cond3A_30 = arith.cmpi ne, %convert_element_type3A, %cond3A : i32
    scf.if %cond3A_30 {
      %swap3A_35 = arith.constant 0 : index
      %swap3A_36 = arith.constant 0 : index
      %swap3A_37 = vector.load %arg6[%swap3A_35, %swap3A_36] : memref<8x256xf32, #tpu.memory_space<vmem>>, vector<8x256xf32>
      tpu.vector_store %arg6[%swap3A_35, %swap3A_36], %concatenate3A_28 {strides = array<i32>} : memref<8x256xf32, #tpu.memory_space<vmem>>, vector<8x256xf32>,
    } else {
    }
    %gt3A = arith.constant 0 : i32
    %gt3A_31 = arith.cmpi sgt, %arg0, %gt3A : i32
    %convert_element_type3A_32 = arith.extui %gt3A_31 : i1 to i32
    %cond3A_33 = arith.constant 0 : i32
    %cond3A_34 = arith.cmpi ne, %convert_element_type3A_32, %cond3A_33 : i32
    scf.if %cond3A_34 {
      %get3A_35 = arith.constant 0 : index
      %get3A_36 = arith.constant 0 : index
      %get3A_37 = vector.load %arg6[%get3A_35, %get3A_36] : memref<8x256xf32, #tpu.memory_space<vmem>>, vector<8x256xf32>
      %add3A_38 = arith.addf %get3A_37, %concatenate3A_28 : vector<8x256xf32>
      %swap3A_39 = arith.constant 0 : index
      %swap3A_40 = arith.constant 0 : index
      %swap3A_41 = vector.load %arg6[%swap3A_39, %swap3A_40] : memref<8x256xf32, #tpu.memory_space<vmem>>, vector<8x256xf32>
      tpu.vector_store %arg6[%swap3A_39, %swap3A_40], %add3A_38 {strides = array<i32>} : memref<8x256xf32, #tpu.memory_space<vmem>>, vector<8x256xf32>,
    } else {
    }
    return
  }
  func.func @transform_0(%arg0: i32) -> (i32, i32) {
    %c0_i32 = arith.constant 0 : i32
    %c0_i32_0 = arith.constant 0 : i32
    return %arg0, %c0_i32 : i32, i32
  }
  func.func @transform_1(%arg0: i32) -> (i32, i32) {
    %c0_i32 = arith.constant 0 : i32
    %c0_i32_0 = arith.constant 0 : i32
    return %arg0, %c0_i32 : i32, i32
  }
  func.func @transform_2(%arg0: i32) -> (i32, i32) {
    %c0_i32 = arith.constant 0 : i32
    %c0_i32_0 = arith.constant 0 : i32
    return %arg0, %c0_i32 : i32, i32
  }
  func.func @transform_3(%arg0: i32) -> (i32, i32) {
    %c0_i32 = arith.constant 0 : i32
    %c0_i32_0 = arith.constant 0 : i32
    return %arg0, %c0_i32 : i32, i32
  }
  func.func @transform_4(%arg0: i32) -> (i32, i32) {
    %c0_i32 = arith.constant 0 : i32
    %c0_i32_0 = arith.constant 0 : i32
    return %arg0, %c0_i32 : i32, i32
  }
  func.func @transform_5(%arg0: i32) -> (i32, i32) {
    %c0_i32 = arith.constant 0 : i32
    %c0_i32_0 = arith.constant 0 : i32
    %c0_i32_1 = arith.constant 0 : i32
    return %c0_i32, %c0_i32_0 : i32, i32
  }
}

module attributes {stable_mosaic.version = 14 : i64} {
  func.func @body(%arg0: i32, %arg1: memref<2000x256xf32, #tpu.memory_space<vmem>>, %arg2: memref<8x256xf32, #tpu.memory_space<vmem>>, %arg3: memref<256xf32, #tpu.memory_space<vmem>>, %arg4: memref<256xf32, #tpu.memory_space<vmem>>, %arg5: memref<2000x256xf32, #tpu.memory_space<vmem>>) attributes {dimension_semantics = [#tpu.dimension_semantics<arbitrary>], iteration_bounds = array<i64: 5>, scalar_prefetch = 0 : i64, scratch_operands = 0 : i64, tpu.core_type = #tpu.core_type<tc>, window_params = [{transform_indices = @transform_0, window_bounds = array<i64: 2000, 256>}, {pipeline_mode = #tpu.pipeline_mode<synchronous>, transform_indices = @transform_1, window_bounds = array<i64: 8, 256>}, {pipeline_mode = #tpu.pipeline_mode<synchronous>, transform_indices = @transform_2, window_bounds = array<i64: 256>}, {pipeline_mode = #tpu.pipeline_mode<synchronous>, transform_indices = @transform_3, window_bounds = array<i64: 256>}, {transform_indices = @transform_4, window_bounds = array<i64: 2000, 256>}]} {
    %get3A = arith.constant 0 : index
    %get3A_0 = arith.constant 0 : index
    %get3A_1 = vector.load %arg2[%get3A, %get3A_0] : memref<8x256xf32, #tpu.memory_space<vmem>>, vector<1x256xf32>
    %mul3A = arith.constant 9.99999974E-5 : f32
    %mul3A_2 = vector.broadcast %mul3A : f32 to vector<1x256xf32>
    %mul3A_3 = arith.mulf %get3A_1, %mul3A_2 : vector<1x256xf32>
    %get3A_4 = arith.constant 1 : index
    %get3A_5 = arith.constant 0 : index
    %get3A_6 = vector.load %arg2[%get3A_4, %get3A_5] : memref<8x256xf32, #tpu.memory_space<vmem>>, vector<1x256xf32>
    %mul3A_7 = arith.constant 9.99999974E-5 : f32
    %mul3A_8 = vector.broadcast %mul3A_7 : f32 to vector<1x256xf32>
    %mul3A_9 = arith.mulf %get3A_6, %mul3A_8 : vector<1x256xf32>
    %mul3A_10 = arith.mulf %mul3A_3, %mul3A_3 : vector<1x256xf32>
    %sub3A = arith.subf %mul3A_9, %mul3A_10 : vector<1x256xf32>
    %get3A_11 = arith.constant 0 : index
    %get3A_12 = vector.load %arg3[%get3A_11] : memref<256xf32, #tpu.memory_space<vmem>>, vector<256xf32>
    %broadcast_in_dim3A = vector.shape_cast %get3A_12 : vector<256xf32> to vector<1x256xf32>
    %add3A = arith.constant 9.99999974E-6 : f32
    %add3A_13 = vector.broadcast %add3A : f32 to vector<1x256xf32>
    %add3A_14 = arith.addf %sub3A, %add3A_13 : vector<1x256xf32>
    %rsqrt3A = math.rsqrt %add3A_14 : vector<1x256xf32>
    %mul3A_15 = arith.mulf %broadcast_in_dim3A, %rsqrt3A : vector<1x256xf32>
    %get3A_16 = arith.constant 0 : index
    %get3A_17 = arith.constant 0 : index
    %get3A_18 = vector.load %arg1[%get3A_16, %get3A_17] : memref<2000x256xf32, #tpu.memory_space<vmem>>, vector<2000x256xf32>
    %sub3A_19 = vector.broadcast %mul3A_3 : vector<1x256xf32> to vector<2000x256xf32>
    %sub3A_20 = arith.subf %get3A_18, %sub3A_19 : vector<2000x256xf32>
    %mul3A_21 = vector.broadcast %mul3A_15 : vector<1x256xf32> to vector<2000x256xf32>
    %mul3A_22 = arith.mulf %sub3A_20, %mul3A_21 : vector<2000x256xf32>
    %get3A_23 = arith.constant 0 : index
    %get3A_24 = vector.load %arg4[%get3A_23] : memref<256xf32, #tpu.memory_space<vmem>>, vector<256xf32>
    %broadcast_in_dim3A_25 = vector.shape_cast %get3A_24 : vector<256xf32> to vector<1x256xf32>
    %add3A_26 = vector.broadcast %broadcast_in_dim3A_25 : vector<1x256xf32> to vector<2000x256xf32>
    %add3A_27 = arith.addf %mul3A_22, %add3A_26 : vector<2000x256xf32>
    %max3A = arith.constant 0.000000e+00 : f32
    %max3A_28 = vector.broadcast %max3A : f32 to vector<2000x256xf32>
    %max3A_29 = arith.maximumf %add3A_27, %max3A_28 : vector<2000x256xf32>
    %swap3A = arith.constant 0 : index
    %swap3A_30 = arith.constant 0 : index
    %swap3A_31 = vector.load %arg5[%swap3A, %swap3A_30] : memref<2000x256xf32, #tpu.memory_space<vmem>>, vector<2000x256xf32>
    tpu.vector_store %arg5[%swap3A, %swap3A_30], %max3A_29 {strides = array<i32>} : memref<2000x256xf32, #tpu.memory_space<vmem>>, vector<2000x256xf32>,
    return
  }
  func.func @transform_0(%arg0: i32) -> (i32, i32) {
    %c0_i32 = arith.constant 0 : i32
    %c0_i32_0 = arith.constant 0 : i32
    return %arg0, %c0_i32 : i32, i32
  }
  func.func @transform_1(%arg0: i32) -> (i32, i32) {
    %c0_i32 = arith.constant 0 : i32
    %c0_i32_0 = arith.constant 0 : i32
    %c0_i32_1 = arith.constant 0 : i32
    return %c0_i32, %c0_i32_0 : i32, i32
  }
  func.func @transform_2(%arg0: i32) -> i32 {
    %c0_i32 = arith.constant 0 : i32
    %c0_i32_0 = arith.constant 0 : i32
    return %c0_i32 : i32
  }
  func.func @transform_3(%arg0: i32) -> i32 {
    %c0_i32 = arith.constant 0 : i32
    %c0_i32_0 = arith.constant 0 : i32
    return %c0_i32 : i32
  }
  func.func @transform_4(%arg0: i32) -> (i32, i32) {
    %c0_i32 = arith.constant 0 : i32
    %c0_i32_0 = arith.constant 0 : i32
    return %arg0, %c0_i32 : i32, i32
  }
}

module attributes {stable_mosaic.version = 14 : i64} {
  func.func @body(%arg0: i32, %arg1: memref<2000x256xf32, #tpu.memory_space<vmem>>, %arg2: memref<256x128xf32, #tpu.memory_space<vmem>>, %arg3: memref<256x128xf32, #tpu.memory_space<vmem>>, %arg4: memref<128xf32, #tpu.memory_space<vmem>>, %arg5: memref<2000x128xf32, #tpu.memory_space<vmem>>, %arg6: memref<2000x128xf32, #tpu.memory_space<vmem>>) attributes {dimension_semantics = [#tpu.dimension_semantics<arbitrary>], iteration_bounds = array<i64: 5>, scalar_prefetch = 0 : i64, scratch_operands = 0 : i64, tpu.core_type = #tpu.core_type<tc>, window_params = [{transform_indices = @transform_0, window_bounds = array<i64: 2000, 256>}, {pipeline_mode = #tpu.pipeline_mode<synchronous>, transform_indices = @transform_1, window_bounds = array<i64: 256, 128>}, {pipeline_mode = #tpu.pipeline_mode<synchronous>, transform_indices = @transform_2, window_bounds = array<i64: 256, 128>}, {pipeline_mode = #tpu.pipeline_mode<synchronous>, transform_indices = @transform_3, window_bounds = array<i64: 128>}, {transform_indices = @transform_4, window_bounds = array<i64: 2000, 128>}, {transform_indices = @transform_5, window_bounds = array<i64: 2000, 128>}]} {
    %get3A = arith.constant 0 : index
    %get3A_0 = arith.constant 0 : index
    %get3A_1 = vector.load %arg1[%get3A, %get3A_0] : memref<2000x256xf32, #tpu.memory_space<vmem>>, vector<2000x256xf32>
    %get3A_2 = arith.constant 0 : index
    %get3A_3 = arith.constant 0 : index
    %get3A_4 = vector.load %arg2[%get3A_2, %get3A_3] : memref<256x128xf32, #tpu.memory_space<vmem>>, vector<256x128xf32>
    %dot_general3A = arith.constant dense<0.000000e+00> : vector<2000x128xf32>
    %dot_general3A_5 = tpu.matmul %get3A_1, %get3A_4, %dot_general3A {dimension_numbers = #tpu.dot_dimension_numbers<[1], [0], [0], [1], [0, 0, 1, 1], [], []>, transpose_lhs_hint = false} : vector<2000x256xf32>, vector<256x128xf32>, vector<2000x128xf32> -> vector<2000x128xf32>
    %swap3A = arith.constant 0 : index
    %swap3A_6 = arith.constant 0 : index
    %swap3A_7 = vector.load %arg5[%swap3A, %swap3A_6] : memref<2000x128xf32, #tpu.memory_space<vmem>>, vector<2000x128xf32>
    tpu.vector_store %arg5[%swap3A, %swap3A_6], %dot_general3A_5 {strides = array<i32>} : memref<2000x128xf32, #tpu.memory_space<vmem>>, vector<2000x128xf32>,
    %get3A_8 = arith.constant 0 : index
    %get3A_9 = arith.constant 0 : index
    %get3A_10 = vector.load %arg3[%get3A_8, %get3A_9] : memref<256x128xf32, #tpu.memory_space<vmem>>, vector<256x128xf32>
    %dot_general3A_11 = arith.constant dense<0.000000e+00> : vector<2000x128xf32>
    %dot_general3A_12 = tpu.matmul %get3A_1, %get3A_10, %dot_general3A_11 {dimension_numbers = #tpu.dot_dimension_numbers<[1], [0], [0], [1], [0, 0, 1, 1], [], []>, transpose_lhs_hint = false} : vector<2000x256xf32>, vector<256x128xf32>, vector<2000x128xf32> -> vector<2000x128xf32>
    %get3A_13 = arith.constant 0 : index
    %get3A_14 = vector.load %arg4[%get3A_13] : memref<128xf32, #tpu.memory_space<vmem>>, vector<128xf32>
    %broadcast_in_dim3A = vector.shape_cast %get3A_14 : vector<128xf32> to vector<1x128xf32>
    %add3A = vector.broadcast %broadcast_in_dim3A : vector<1x128xf32> to vector<2000x128xf32>
    %add3A_15 = arith.addf %dot_general3A_12, %add3A : vector<2000x128xf32>
    %swap3A_16 = arith.constant 0 : index
    %swap3A_17 = arith.constant 0 : index
    %swap3A_18 = vector.load %arg6[%swap3A_16, %swap3A_17] : memref<2000x128xf32, #tpu.memory_space<vmem>>, vector<2000x128xf32>
    tpu.vector_store %arg6[%swap3A_16, %swap3A_17], %add3A_15 {strides = array<i32>} : memref<2000x128xf32, #tpu.memory_space<vmem>>, vector<2000x128xf32>,
    return
  }
  func.func @transform_0(%arg0: i32) -> (i32, i32) {
    %c0_i32 = arith.constant 0 : i32
    %c0_i32_0 = arith.constant 0 : i32
    return %arg0, %c0_i32 : i32, i32
  }
  func.func @transform_1(%arg0: i32) -> (i32, i32) {
    %c0_i32 = arith.constant 0 : i32
    %c0_i32_0 = arith.constant 0 : i32
    %c0_i32_1 = arith.constant 0 : i32
    return %c0_i32, %c0_i32_0 : i32, i32
  }
  func.func @transform_2(%arg0: i32) -> (i32, i32) {
    %c0_i32 = arith.constant 0 : i32
    %c0_i32_0 = arith.constant 0 : i32
    %c0_i32_1 = arith.constant 0 : i32
    return %c0_i32, %c0_i32_0 : i32, i32
  }
  func.func @transform_3(%arg0: i32) -> i32 {
    %c0_i32 = arith.constant 0 : i32
    %c0_i32_0 = arith.constant 0 : i32
    return %c0_i32 : i32
  }
  func.func @transform_4(%arg0: i32) -> (i32, i32) {
    %c0_i32 = arith.constant 0 : i32
    %c0_i32_0 = arith.constant 0 : i32
    return %arg0, %c0_i32 : i32, i32
  }
  func.func @transform_5(%arg0: i32) -> (i32, i32) {
    %c0_i32 = arith.constant 0 : i32
    %c0_i32_0 = arith.constant 0 : i32
    return %arg0, %c0_i32 : i32, i32
  }
}

module attributes {stable_mosaic.version = 14 : i64} {
  func.func @body(%arg0: i32, %arg1: memref<2000x128xf32, #tpu.memory_space<vmem>>, %arg2: memref<2000x128xf32, #tpu.memory_space<vmem>>, %arg3: memref<2000x128xf32, #tpu.memory_space<vmem>>, %arg4: memref<2000x1xf32, #tpu.memory_space<vmem>>, %arg5: memref<2000x128xf32, #tpu.memory_space<vmem>>, %arg6: memref<8x128xf32, #tpu.memory_space<vmem>>) attributes {dimension_semantics = [#tpu.dimension_semantics<arbitrary>], iteration_bounds = array<i64: 5>, scalar_prefetch = 0 : i64, scratch_operands = 0 : i64, tpu.core_type = #tpu.core_type<tc>, window_params = [{transform_indices = @transform_0, window_bounds = array<i64: 2000, 128>}, {transform_indices = @transform_1, window_bounds = array<i64: 2000, 128>}, {transform_indices = @transform_2, window_bounds = array<i64: 2000, 128>}, {transform_indices = @transform_3, window_bounds = array<i64: 2000, 1>}, {transform_indices = @transform_4, window_bounds = array<i64: 2000, 128>}, {pipeline_mode = #tpu.pipeline_mode<synchronous>, transform_indices = @transform_5, window_bounds = array<i64: 8, 128>}]} {
    %get3A = arith.constant 0 : index
    %get3A_0 = arith.constant 0 : index
    %get3A_1 = vector.load %arg1[%get3A, %get3A_0] : memref<2000x128xf32, #tpu.memory_space<vmem>>, vector<2000x128xf32>
    %get3A_2 = arith.constant 0 : index
    %get3A_3 = arith.constant 0 : index
    %get3A_4 = vector.load %arg2[%get3A_2, %get3A_3] : memref<2000x128xf32, #tpu.memory_space<vmem>>, vector<2000x128xf32>
    %add3A = arith.addf %get3A_1, %get3A_4 : vector<2000x128xf32>
    %get3A_5 = arith.constant 0 : index
    %get3A_6 = arith.constant 0 : index
    %get3A_7 = vector.load %arg4[%get3A_5, %get3A_6] : memref<2000x1xf32, #tpu.memory_space<vmem>>, vector<2000x1xf32>
    %mul3A = vector.broadcast %get3A_7 : vector<2000x1xf32> to vector<2000x128xf32>
    %mul3A_8 = arith.mulf %add3A, %mul3A : vector<2000x128xf32>
    %get3A_9 = arith.constant 0 : index
    %get3A_10 = arith.constant 0 : index
    %get3A_11 = vector.load %arg3[%get3A_9, %get3A_10] : memref<2000x128xf32, #tpu.memory_space<vmem>>, vector<2000x128xf32>
    %add3A_12 = arith.addf %mul3A_8, %get3A_11 : vector<2000x128xf32>
    %mul3A_13 = arith.mulf %add3A_12, %add3A_12 : vector<2000x128xf32>
    %reduce_sum3A = arith.constant dense<0.000000e+00> : vector<2000xf32>
    %reduce_sum3A_14 = vector.multi_reduction <add>, %mul3A_13, %reduce_sum3A [1] : vector<2000x128xf32> to vector<2000xf32>
    %broadcast_in_dim3A = vector.shape_cast %reduce_sum3A_14 : vector<2000xf32> to vector<2000x1xf32>
    %sqrt3A = math.sqrt %broadcast_in_dim3A : vector<2000x1xf32>
    %max3A = arith.constant 9.99999996E-13 : f32
    %max3A_15 = vector.broadcast %max3A : f32 to vector<2000x1xf32>
    %max3A_16 = arith.maximumf %sqrt3A, %max3A_15 : vector<2000x1xf32>
    %div3A = vector.broadcast %max3A_16 : vector<2000x1xf32> to vector<2000x128xf32>
    %div3A_17 = arith.divf %add3A_12, %div3A : vector<2000x128xf32>
    %swap3A = arith.constant 0 : index
    %swap3A_18 = arith.constant 0 : index
    %swap3A_19 = vector.load %arg5[%swap3A, %swap3A_18] : memref<2000x128xf32, #tpu.memory_space<vmem>>, vector<2000x128xf32>
    tpu.vector_store %arg5[%swap3A, %swap3A_18], %div3A_17 {strides = array<i32>} : memref<2000x128xf32, #tpu.memory_space<vmem>>, vector<2000x128xf32>,
    %reduce_sum3A_20 = arith.constant dense<0.000000e+00> : vector<128xf32>
    %reduce_sum3A_21 = vector.multi_reduction <add>, %div3A_17, %reduce_sum3A_20 [0] : vector<2000x128xf32> to vector<128xf32>
    %broadcast_in_dim3A_22 = vector.shape_cast %reduce_sum3A_21 : vector<128xf32> to vector<1x128xf32>
    %mul3A_23 = arith.mulf %div3A_17, %div3A_17 : vector<2000x128xf32>
    %reduce_sum3A_24 = arith.constant dense<0.000000e+00> : vector<128xf32>
    %reduce_sum3A_25 = vector.multi_reduction <add>, %mul3A_23, %reduce_sum3A_24 [0] : vector<2000x128xf32> to vector<128xf32>
    %broadcast_in_dim3A_26 = vector.shape_cast %reduce_sum3A_25 : vector<128xf32> to vector<1x128xf32>
    %broadcast_in_dim3A_27 = arith.constant 0.000000e+00 : f32
    %broadcast_in_dim3A_28 = vector.broadcast %broadcast_in_dim3A_27 : f32 to vector<6x128xf32>
    %concatenate3A = tpu.concatenate %broadcast_in_dim3A_22, %broadcast_in_dim3A_26, %broadcast_in_dim3A_28 in 0 : vector<1x128xf32>, vector<1x128xf32>, vector<6x128xf32> -> vector<8x128xf32>
    %eq3A = arith.constant 0 : i32
    %eq3A_29 = arith.cmpi eq, %arg0, %eq3A : i32
    %convert_element_type3A = arith.extui %eq3A_29 : i1 to i32
    %cond3A = arith.constant 0 : i32
    %cond3A_30 = arith.cmpi ne, %convert_element_type3A, %cond3A : i32
    scf.if %cond3A_30 {
      %swap3A_35 = arith.constant 0 : index
      %swap3A_36 = arith.constant 0 : index
      %swap3A_37 = vector.load %arg6[%swap3A_35, %swap3A_36] : memref<8x128xf32, #tpu.memory_space<vmem>>, vector<8x128xf32>
      tpu.vector_store %arg6[%swap3A_35, %swap3A_36], %concatenate3A {strides = array<i32>} : memref<8x128xf32, #tpu.memory_space<vmem>>, vector<8x128xf32>,
    } else {
    }
    %gt3A = arith.constant 0 : i32
    %gt3A_31 = arith.cmpi sgt, %arg0, %gt3A : i32
    %convert_element_type3A_32 = arith.extui %gt3A_31 : i1 to i32
    %cond3A_33 = arith.constant 0 : i32
    %cond3A_34 = arith.cmpi ne, %convert_element_type3A_32, %cond3A_33 : i32
    scf.if %cond3A_34 {
      %get3A_35 = arith.constant 0 : index
      %get3A_36 = arith.constant 0 : index
      %get3A_37 = vector.load %arg6[%get3A_35, %get3A_36] : memref<8x128xf32, #tpu.memory_space<vmem>>, vector<8x128xf32>
      %add3A_38 = arith.addf %get3A_37, %concatenate3A : vector<8x128xf32>
      %swap3A_39 = arith.constant 0 : index
      %swap3A_40 = arith.constant 0 : index
      %swap3A_41 = vector.load %arg6[%swap3A_39, %swap3A_40] : memref<8x128xf32, #tpu.memory_space<vmem>>, vector<8x128xf32>
      tpu.vector_store %arg6[%swap3A_39, %swap3A_40], %add3A_38 {strides = array<i32>} : memref<8x128xf32, #tpu.memory_space<vmem>>, vector<8x128xf32>,
    } else {
    }
    return
  }
  func.func @transform_0(%arg0: i32) -> (i32, i32) {
    %c0_i32 = arith.constant 0 : i32
    %c0_i32_0 = arith.constant 0 : i32
    return %arg0, %c0_i32 : i32, i32
  }
  func.func @transform_1(%arg0: i32) -> (i32, i32) {
    %c0_i32 = arith.constant 0 : i32
    %c0_i32_0 = arith.constant 0 : i32
    return %arg0, %c0_i32 : i32, i32
  }
  func.func @transform_2(%arg0: i32) -> (i32, i32) {
    %c0_i32 = arith.constant 0 : i32
    %c0_i32_0 = arith.constant 0 : i32
    return %arg0, %c0_i32 : i32, i32
  }
  func.func @transform_3(%arg0: i32) -> (i32, i32) {
    %c0_i32 = arith.constant 0 : i32
    %c0_i32_0 = arith.constant 0 : i32
    return %arg0, %c0_i32 : i32, i32
  }
  func.func @transform_4(%arg0: i32) -> (i32, i32) {
    %c0_i32 = arith.constant 0 : i32
    %c0_i32_0 = arith.constant 0 : i32
    return %arg0, %c0_i32 : i32, i32
  }
  func.func @transform_5(%arg0: i32) -> (i32, i32) {
    %c0_i32 = arith.constant 0 : i32
    %c0_i32_0 = arith.constant 0 : i32
    %c0_i32_1 = arith.constant 0 : i32
    return %c0_i32, %c0_i32_0 : i32, i32
  }
}

module attributes {stable_mosaic.version = 14 : i64} {
  func.func @body(%arg0: i32, %arg1: memref<1000x128xf32, #tpu.memory_space<vmem>>, %arg2: memref<8x128xf32, #tpu.memory_space<vmem>>, %arg3: memref<128xf32, #tpu.memory_space<vmem>>, %arg4: memref<128xf32, #tpu.memory_space<vmem>>, %arg5: memref<128x1536xf32, #tpu.memory_space<vmem>>, %arg6: memref<1536xf32, #tpu.memory_space<vmem>>, %arg7: memref<1536xf32, #tpu.memory_space<vmem>>, %arg8: memref<3xf32, #tpu.memory_space<vmem>>, %arg9: memref<1000x3xf32, #tpu.memory_space<vmem>>) attributes {dimension_semantics = [#tpu.dimension_semantics<arbitrary>], iteration_bounds = array<i64: 10>, scalar_prefetch = 0 : i64, scratch_operands = 0 : i64, tpu.core_type = #tpu.core_type<tc>, window_params = [{transform_indices = @transform_0, window_bounds = array<i64: 1000, 128>}, {pipeline_mode = #tpu.pipeline_mode<synchronous>, transform_indices = @transform_1, window_bounds = array<i64: 8, 128>}, {pipeline_mode = #tpu.pipeline_mode<synchronous>, transform_indices = @transform_2, window_bounds = array<i64: 128>}, {pipeline_mode = #tpu.pipeline_mode<synchronous>, transform_indices = @transform_3, window_bounds = array<i64: 128>}, {pipeline_mode = #tpu.pipeline_mode<synchronous>, transform_indices = @transform_4, window_bounds = array<i64: 128, 1536>}, {pipeline_mode = #tpu.pipeline_mode<synchronous>, transform_indices = @transform_5, window_bounds = array<i64: 1536>}, {pipeline_mode = #tpu.pipeline_mode<synchronous>, transform_indices = @transform_6, window_bounds = array<i64: 1536>}, {pipeline_mode = #tpu.pipeline_mode<synchronous>, transform_indices = @transform_7, window_bounds = array<i64: 3>}, {transform_indices = @transform_8, window_bounds = array<i64: 1000, 3>}]} {
    %get3A = arith.constant 0 : index
    %get3A_0 = arith.constant 0 : index
    %get3A_1 = vector.load %arg2[%get3A, %get3A_0] : memref<8x128xf32, #tpu.memory_space<vmem>>, vector<1x128xf32>
    %mul3A = arith.constant 9.99999974E-5 : f32
    %mul3A_2 = vector.broadcast %mul3A : f32 to vector<1x128xf32>
    %mul3A_3 = arith.mulf %get3A_1, %mul3A_2 : vector<1x128xf32>
    %get3A_4 = arith.constant 1 : index
    %get3A_5 = arith.constant 0 : index
    %get3A_6 = vector.load %arg2[%get3A_4, %get3A_5] : memref<8x128xf32, #tpu.memory_space<vmem>>, vector<1x128xf32>
    %mul3A_7 = arith.constant 9.99999974E-5 : f32
    %mul3A_8 = vector.broadcast %mul3A_7 : f32 to vector<1x128xf32>
    %mul3A_9 = arith.mulf %get3A_6, %mul3A_8 : vector<1x128xf32>
    %mul3A_10 = arith.mulf %mul3A_3, %mul3A_3 : vector<1x128xf32>
    %sub3A = arith.subf %mul3A_9, %mul3A_10 : vector<1x128xf32>
    %get3A_11 = arith.constant 0 : index
    %get3A_12 = vector.load %arg3[%get3A_11] : memref<128xf32, #tpu.memory_space<vmem>>, vector<128xf32>
    %broadcast_in_dim3A = vector.shape_cast %get3A_12 : vector<128xf32> to vector<1x128xf32>
    %add3A = arith.constant 9.99999974E-6 : f32
    %add3A_13 = vector.broadcast %add3A : f32 to vector<1x128xf32>
    %add3A_14 = arith.addf %sub3A, %add3A_13 : vector<1x128xf32>
    %rsqrt3A = math.rsqrt %add3A_14 : vector<1x128xf32>
    %mul3A_15 = arith.mulf %broadcast_in_dim3A, %rsqrt3A : vector<1x128xf32>
    %get3A_16 = arith.constant 0 : index
    %get3A_17 = arith.constant 0 : index
    %get3A_18 = vector.load %arg1[%get3A_16, %get3A_17] : memref<1000x128xf32, #tpu.memory_space<vmem>>, vector<1000x128xf32>
    %sub3A_19 = vector.broadcast %mul3A_3 : vector<1x128xf32> to vector<1000x128xf32>
    %sub3A_20 = arith.subf %get3A_18, %sub3A_19 : vector<1000x128xf32>
    %mul3A_21 = vector.broadcast %mul3A_15 : vector<1x128xf32> to vector<1000x128xf32>
    %mul3A_22 = arith.mulf %sub3A_20, %mul3A_21 : vector<1000x128xf32>
    %get3A_23 = arith.constant 0 : index
    %get3A_24 = vector.load %arg4[%get3A_23] : memref<128xf32, #tpu.memory_space<vmem>>, vector<128xf32>
    %broadcast_in_dim3A_25 = vector.shape_cast %get3A_24 : vector<128xf32> to vector<1x128xf32>
    %add3A_26 = vector.broadcast %broadcast_in_dim3A_25 : vector<1x128xf32> to vector<1000x128xf32>
    %add3A_27 = arith.addf %mul3A_22, %add3A_26 : vector<1000x128xf32>
    %get3A_28 = arith.constant 0 : index
    %get3A_29 = arith.constant 0 : index
    %get3A_30 = vector.load %arg5[%get3A_28, %get3A_29] : memref<128x1536xf32, #tpu.memory_space<vmem>>, vector<128x1536xf32>
    %dot_general3A = arith.constant dense<0.000000e+00> : vector<1000x1536xf32>
    %dot_general3A_31 = tpu.matmul %add3A_27, %get3A_30, %dot_general3A {dimension_numbers = #tpu.dot_dimension_numbers<[1], [0], [0], [1], [0, 0, 1, 1], [], []>, transpose_lhs_hint = false} : vector<1000x128xf32>, vector<128x1536xf32>, vector<1000x1536xf32> -> vector<1000x1536xf32>
    %get3A_32 = arith.constant 0 : index
    %get3A_33 = vector.load %arg6[%get3A_32] : memref<1536xf32, #tpu.memory_space<vmem>>, vector<1536xf32>
    %broadcast_in_dim3A_34 = vector.shape_cast %get3A_33 : vector<1536xf32> to vector<1x1536xf32>
    %add3A_35 = vector.broadcast %broadcast_in_dim3A_34 : vector<1x1536xf32> to vector<1000x1536xf32>
    %add3A_36 = arith.addf %dot_general3A_31, %add3A_35 : vector<1000x1536xf32>
    %max3A = arith.constant 0.000000e+00 : f32
    %max3A_37 = vector.broadcast %max3A : f32 to vector<1000x1536xf32>
    %max3A_38 = arith.maximumf %add3A_36, %max3A_37 : vector<1000x1536xf32>
    %get3A_39 = arith.constant 0 : index
    %get3A_40 = vector.load %arg7[%get3A_39] : memref<1536xf32, #tpu.memory_space<vmem>>, vector<1536xf32>
    %broadcast_in_dim3A_41 = vector.shape_cast %get3A_40 : vector<1536xf32> to vector<1x1536xf32>
    %mul3A_42 = vector.broadcast %broadcast_in_dim3A_41 : vector<1x1536xf32> to vector<1000x1536xf32>
    %mul3A_43 = arith.mulf %max3A_38, %mul3A_42 : vector<1000x1536xf32>
    %slice3A = vector.extract_strided_slice %mul3A_43 {offsets = [0, 0], sizes = [1000, 512], strides = [1, 1]} : vector<1000x1536xf32> to vector<1000x512xf32>
    %reduce_sum3A = arith.constant dense<0.000000e+00> : vector<1000xf32>
    %reduce_sum3A_44 = vector.multi_reduction <add>, %slice3A, %reduce_sum3A [1] : vector<1000x512xf32> to vector<1000xf32>
    %broadcast_in_dim3A_45 = vector.shape_cast %reduce_sum3A_44 : vector<1000xf32> to vector<1000x1xf32>
    %slice3A_46 = vector.extract_strided_slice %mul3A_43 {offsets = [0, 512], sizes = [1000, 512], strides = [1, 1]} : vector<1000x1536xf32> to vector<1000x512xf32>
    %reduce_sum3A_47 = arith.constant dense<0.000000e+00> : vector<1000xf32>
    %reduce_sum3A_48 = vector.multi_reduction <add>, %slice3A_46, %reduce_sum3A_47 [1] : vector<1000x512xf32> to vector<1000xf32>
    %broadcast_in_dim3A_49 = vector.shape_cast %reduce_sum3A_48 : vector<1000xf32> to vector<1000x1xf32>
    %slice3A_50 = vector.extract_strided_slice %mul3A_43 {offsets = [0, 1024], sizes = [1000, 512], strides = [1, 1]} : vector<1000x1536xf32> to vector<1000x512xf32>
    %reduce_sum3A_51 = arith.constant dense<0.000000e+00> : vector<1000xf32>
    %reduce_sum3A_52 = vector.multi_reduction <add>, %slice3A_50, %reduce_sum3A_51 [1] : vector<1000x512xf32> to vector<1000xf32>
    %broadcast_in_dim3A_53 = vector.shape_cast %reduce_sum3A_52 : vector<1000xf32> to vector<1000x1xf32>
    %concatenate3A = tpu.concatenate %broadcast_in_dim3A_45, %broadcast_in_dim3A_49, %broadcast_in_dim3A_53 in 1 : vector<1000x1xf32>, vector<1000x1xf32>, vector<1000x1xf32> -> vector<1000x3xf32>
    %get3A_54 = arith.constant 0 : index
    %get3A_55 = vector.load %arg8[%get3A_54] : memref<3xf32, #tpu.memory_space<vmem>>, vector<3xf32>
    %broadcast_in_dim3A_56 = vector.shape_cast %get3A_55 : vector<3xf32> to vector<1x3xf32>
    %add3A_57 = vector.broadcast %broadcast_in_dim3A_56 : vector<1x3xf32> to vector<1000x3xf32>
    %add3A_58 = arith.addf %concatenate3A, %add3A_57 : vector<1000x3xf32>
    %swap3A = arith.constant 0 : index
    %swap3A_59 = arith.constant 0 : index
    %swap3A_60 = vector.load %arg9[%swap3A, %swap3A_59] : memref<1000x3xf32, #tpu.memory_space<vmem>>, vector<1000x3xf32>
    tpu.vector_store %arg9[%swap3A, %swap3A_59], %add3A_58 {strides = array<i32>} : memref<1000x3xf32, #tpu.memory_space<vmem>>, vector<1000x3xf32>,
    return
  }
  func.func @transform_0(%arg0: i32) -> (i32, i32) {
    %c0_i32 = arith.constant 0 : i32
    %c0_i32_0 = arith.constant 0 : i32
    return %arg0, %c0_i32 : i32, i32
  }
  func.func @transform_1(%arg0: i32) -> (i32, i32) {
    %c0_i32 = arith.constant 0 : i32
    %c0_i32_0 = arith.constant 0 : i32
    %c0_i32_1 = arith.constant 0 : i32
    return %c0_i32, %c0_i32_0 : i32, i32
  }
  func.func @transform_2(%arg0: i32) -> i32 {
    %c0_i32 = arith.constant 0 : i32
    %c0_i32_0 = arith.constant 0 : i32
    return %c0_i32 : i32
  }
  func.func @transform_3(%arg0: i32) -> i32 {
    %c0_i32 = arith.constant 0 : i32
    %c0_i32_0 = arith.constant 0 : i32
    return %c0_i32 : i32
  }
  func.func @transform_4(%arg0: i32) -> (i32, i32) {
    %c0_i32 = arith.constant 0 : i32
    %c0_i32_0 = arith.constant 0 : i32
    %c0_i32_1 = arith.constant 0 : i32
    return %c0_i32, %c0_i32_0 : i32, i32
  }
  func.func @transform_5(%arg0: i32) -> i32 {
    %c0_i32 = arith.constant 0 : i32
    %c0_i32_0 = arith.constant 0 : i32
    return %c0_i32 : i32
  }
  func.func @transform_6(%arg0: i32) -> i32 {
    %c0_i32 = arith.constant 0 : i32
    %c0_i32_0 = arith.constant 0 : i32
    return %c0_i32 : i32
  }
  func.func @transform_7(%arg0: i32) -> i32 {
    %c0_i32 = arith.constant 0 : i32
    %c0_i32_0 = arith.constant 0 : i32
    return %c0_i32 : i32
  }
  func.func @transform_8(%arg0: i32) -> (i32, i32) {
    %c0_i32 = arith.constant 0 : i32
    %c0_i32_0 = arith.constant 0 : i32
    return %arg0, %c0_i32 : i32, i32
  }
}

</mosaic_0001>

<sc_bundles>
// kernel: kernel.20.cloned.1.call-start
scs
__scs_entry_jumppad:
0x0: {  	(pc) =	sbr.rel $0x88, $3  }
0x1: {  	(tag) =	ssettag $0x0;
	lr =	simm.s32 $0x1  }
0x2: {  	[smem:$0x3F7F] =	sst lr;
	_ =	strace $0xD0000000  }
0x3: {  	_ = 	snop  }
0x4: {  	_ = 	snop  }
0x5: {  	_ = 	snop  }
0x6: {  	_ = 	snop  }
0x7: {  	_ = 	snop  }
__scs_overlays_trampoline_lowered:
0x8: {  	[smem:$0x3F8E] =	sst s0  }
0x9: {  	[smem:$0x3F8F] =	sst s1  }
0xa: {  	[smem:$0x3F90] =	sst s2  }
0xb: {  	[smem:$0x3F91] =	sst s3  }
0xc: {  	[smem:$0x3F92] =	sst s4  }
0xd: {  	[smem:$0x3F93] =	sst s5  }
0xe: {  	[smem:$0x3F94] =	sst s6  }
0xf: {  	[smem:$0x3F95] =	sst s7  }
0x10: {  	[smem:$0x3F96] =	sst s8  }
0x11: {  	[smem:$0x3F97] =	sst s9;
	s0 =	simm.s32 @!p0 $0x0  }
0x12: {  	s1 =	sld [smem:$0x3F7D];
	s0 =	simm.s32 @p0 $0x1  }
0x13: {  	[smem:$0x3F98] =	sst s0;
	s0 =	simm.s32 @!p1 $0x0  }
0x14: {  	s2 =	sld [smem:$0x3F7C];
	s0 =	simm.s32 @p1 $0x1  }
0x15: {  	[smem:$0x3F99] =	sst s0;
	s0 =	simm.s32 @!p2 $0x0  }
0x16: {  	s3 =	sld [smem:$0x3FDB];
	s0 =	simm.s32 @p2 $0x1  }
0x17: {  	s4 =	simm.s32 $0x1BF5;
	[smem:$0x3F9B] =	sst s0  }
0x18: {  	s0 =	sld [smem:$0x3F7E];
	_ =	swait.ge [sflag:s4], $0x0  }
0x19: {  	s7 =	sld [smem:$0x3F7F]  }
0x1a: {  	s8 =	sadd.s32 $0xFFFFE003, lr  }
0x1b: {  	s9 =	sadd.s32 $0xFFFFFEF7, lr;
	s5 =	simm.s32 $0xFFFFFFFF;
	p2 =	slt.u32 s8, $0xFFFFF086  }
0x1c: {  	p1 =	slt.u32 s9, $0xF7A;
	s5 =	simm.s32 @!p2 $0x0  }
0x1d: {  	s5 =	simm.s32 @p1 $0x1;
	p0 =	seq.s32 s7, s2  }
0x1e: {  	s7 =	smul.u32 @!p0 $0xF7A, s2;
	p2 =	seq.s32 @!p0 s5, $0x0  }
0x1f: {  	s9 =	smul.u32 $0xF7A, s1;
	s8 =	simm.s32 @!p0 $0x1BF5;
	p2 =	por !p2, p0  }
0x20: {  	[sflag:s8] =	ssyncset.s32 @!p0 $0xFFFFF086;
	s6 =	sadd.s32 @!p0 s3, s7;
	s7 =	simm.s32 @!p0 $0x108  }
0x21: {  	s3 =	sadd.s32 s3, s9;
	s6 =	sadd.s32 @!p0 $0x88, s6;
	s7 =	simm.s32 @p2 $0x1082  }
0x22: {  	[simem:s7], [sflag:s8] =	dma.local @!p0 [hbm:s6], $0xF7A  }
0x23: {  	s9 =	sor.u32 $0xD0000000, s2;
	s6 =	simm.s32 $0x108;
	_ =	swait.ge @!p0 [sflag:s8], $0x0  }
0x24: {  	s3 =	sadd.s32 $0x88, s3;
	s6 =	simm.s32 @!p1 $0x1082;
	[sflag:s4] =	ssyncset.s32 $0xFFFFF086  }
0x25: {  	[simem:s6], [sflag:s4] =	dma.local [hbm:s3], $0xF7A  }
0x26: {  	[smem:$0x3F7F] =	sst s1;
	(tag) =	ssettag s2;
	_ =	strace s9  }
0x27: {  	s1 =	sld [smem:$0x3F8F]  }
0x28: {  	s2 =	sld [smem:$0x3F90]  }
0x29: {  	s4 =	sld [smem:$0x3F92]  }
0x2a: {  	p0 =	seq.s32 s5, $0x0;
	s5 =	sld [smem:$0x3F93]  }
0x2b: {  	s6 =	sld [smem:$0x3F94]  }
0x2c: {  	s7 =	sld [smem:$0x3F95]  }
0x2d: {  	s3 =	simm.s32 $0x108;
	s8 =	sld [smem:$0x3F96]  }
0x2e: {  	s3 =	simm.s32 @!p0 $0x1082;
	s9 =	sld [smem:$0x3F97]  }
0x2f: {  	lr =	sadd.s32 s0, s3;
	s0 =	sld [smem:$0x3F8E]  }
0x30: {  	s3 =	sld [smem:$0x3F91]  }
0x31: {  	[smem:$0x3F9A] =	sst s10  }
0x32: {  	s10 =	sld [smem:$0x3F98];
	_ =	sdelay $0x3  }
0x33: {  	p0 =	seq.s32 s10, $0x1;
	s10 =	sld [smem:$0x3F9A];
	_ =	sdelay $0x3  }
0x34: {  	[smem:$0x3F9A] =	sst s10  }
0x35: {  	s10 =	sld [smem:$0x3F99];
	_ =	sdelay $0x3  }
0x36: {  	p1 =	seq.s32 s10, $0x1;
	s10 =	sld [smem:$0x3F9A];
	_ =	sdelay $0x3  }
0x37: {  	[smem:$0x3F9A] =	sst s10  }
0x38: {  	s10 =	sld [smem:$0x3F9B]  }
0x39: {  	_ = 	snop;
	(pc) =	sbr.ind lr, $3  }
0x3a: {  	_ = 	snop  }
0x3b: {  	_ = 	snop  }
0x3c: {  	p2 =	seq.s32 s10, $0x1;
	s10 =	sld [smem:$0x3F9A]  }
0x3d: {  	_ =	shalt  }
0x3e: {  	_ =	shalt  }
0x3f: {  	_ =	shalt  }
0x40: {  	_ =	shalt  }
0x41: {  	_ =	shalt  }
0x42: {  	_ =	shalt  }
0x43: {  	_ =	shalt  }
0x44: {  	_ =	shalt  }
0x45: {  	_ =	shalt  }
0x46: {  	_ =	shalt  }
0x47: {  	_ =	shalt  }
0x48: {  	_ =	shalt  }
0x49: {  	_ =	shalt  }
0x4a: {  	_ =	shalt  }
0x4b: {  	_ =	shalt  }
0x4c: {  	_ =	shalt  }
0x4d: {  	_ =	shalt  }
0x4e: {  	_ =	shalt  }
0x4f: {  	_ =	shalt  }
0x50: {  	_ =	shalt  }
0x51: {  	_ =	shalt  }
0x52: {  	_ =	shalt  }
0x53: {  	_ =	shalt  }
0x54: {  	_ =	shalt  }
0x55: {  	_ =	shalt  }
0x56: {  	_ =	shalt  }
0x57: {  	_ =	shalt  }
0x58: {  	_ =	shalt  }
0x59: {  	_ =	shalt  }
0x5a: {  	_ =	shalt  }
0x5b: {  	_ =	shalt  }
0x5c: {  	_ =	shalt  }
0x5d: {  	_ =	shalt  }
0x5e: {  	_ =	shalt  }
0x5f: {  	_ =	shalt  }
0x60: {  	_ =	shalt  }
0x61: {  	_ =	shalt  }
0x62: {  	_ =	shalt  }
0x63: {  	_ =	shalt  }
0x64: {  	_ =	shalt  }
0x65: {  	_ =	shalt  }
0x66: {  	_ =	shalt  }
0x67: {  	_ =	shalt  }
0x68: {  	_ =	shalt  }
0x69: {  	_ =	shalt  }
0x6a: {  	_ =	shalt  }
0x6b: {  	_ =	shalt  }
0x6c: {  	_ =	shalt  }
0x6d: {  	_ =	shalt  }
0x6e: {  	_ =	shalt  }
0x6f: {  	_ =	shalt  }
0x70: {  	_ =	shalt  }
0x71: {  	_ =	shalt  }
0x72: {  	_ =	shalt  }
0x73: {  	_ =	shalt  }
0x74: {  	_ =	shalt  }
0x75: {  	_ =	shalt  }
0x76: {  	_ =	shalt  }
0x77: {  	_ =	shalt  }
0x78: {  	_ =	shalt  }
0x79: {  	_ =	shalt  }
0x7a: {  	_ =	shalt  }
0x7b: {  	_ =	shalt  }
0x7c: {  	_ =	shalt  }
0x7d: {  	_ =	shalt  }
0x7e: {  	_ =	shalt  }
0x7f: {  	_ =	shalt  }
0x80: {  	_ =	shalt  }
0x81: {  	_ =	shalt  }
0x82: {  	_ =	shalt  }
0x83: {  	_ =	shalt  }
0x84: {  	_ =	shalt  }
0x85: {  	_ =	shalt  }
0x86: {  	_ =	shalt  }
0x87: {  	_ =	shalt  }
.Lfunc_end0:
.L_simem_size_0:
called_computation_lowered:
.L_overlay_start_0:
0x88: {  	s2 =	sld [smem:$0x3FD9]  }
0x89: {  	s3 =	sld [smem:$0x3FFE];
	_ =	sdelay $0x1  }
0x8a: {  	s1 =	srdreg.scid  }
0x8b: {  	s0 =	sand.u32 $0x1, s1  }
0x8c: {  	s17 =	sshll.u32 s0, $0xA;
	s2 =	sadd.s32 s3, s2  }
0x8d: {  	s2 =	sadd.s32 s2, s17  }
0x8e: {  	[smem:$0x3FA6] =	sst s2  }
0x8f: {  	_ = 	snop  }
0x90: {  	s2 =	sld [smem:$0x3FD0];
	(tm) =	ssettm $0x1  }
0x91: {  	s18 =	sld [smem:$0x3FFB];
	_ =	sdelay $0x3  }
0x92: {  	_ =	strace s18  }
0x93: {  	s3 =	sld [smem:$0x3FFC];
	_ =	sdelay $0x3  }
0x94: {  	_ =	strace s3  }
0x95: {  	s3 =	sld [smem:$0x3FFD];
	_ =	sdelay $0x3  }
0x96: {  	_ =	strace s3  }
0x97: {  	_ =	strace $0x8FFFFFFF  }
0x98: {  	s19 =	sld [smem:$0x3FDB];
	_ =	sdelay $0x1  }
0x99: {  	s4 =	simm.s32 $_scs_section_size  }
0x9a: {  	s5 =	simm.s32 $_size__tile_overlayer_lowered;
	s6 =	simm.s32 $_tile_overlayer_lowered  }
0x9b: {  	s22 =	simm.s32 $0x1BFF;
	s21 =	sshll.u32 s6, $0x1;
	s3 =	sadd.s32 s4, s19  }
0x9c: {  	s7 =	simm.s32 $0x0;
	s20 =	sshll.u32 s5, $0x1;
	s5 =	sadd.s32 s21, s3  }
0x9d: {  	[timem:s7], [sflag:s22] =	dma.local [hbm:s5], s20  }
0x9e: {  	_ =	swait.ge [sflag:s22], s20  }
0x9f: {  	s4 =	ssub.s32 $0x0, s20;
	[sflag:s22] =	ssyncset.done $0x0  }
0xa0: {  	[sflag:s22] =	ssyncadd.s32 s4;
	_ =	sdelay $0x1  }
0xa1: {  	s23 =	simm.s32 $0x1B8B  }
0xa2: {  	_ =	swait.ge [sflag:s23], $0x1  }
0xa3: {  	[sflag:s23] =	ssyncset.done $0x0  }
0xa4: {  	s25 =	simm.s32 $0x1B8E;
	s24 =	sld [smem:$0x3FFE];
	[sflag:s23] =	ssyncadd.s32 $0xFFFFFFFF  }
0xa5: {  	s26 =	simm.s32 $execute0_lowered;
	[smem:$0x3FD2] =	sst s25  }
0xa6: {  	s5 =	sshll.u32 s26, $0x1;
	_ =	strace $0x80000046;
	[dreg:$0x1] =	wrdreg $0xFFFFFFFF  }
0xa7: {  	s28 =	simm.s32 $_size_execute0_lowered;
	s3 =	sadd.s32 s3, s5;
	[dreg:$0x0] =	wrdreg $0x0  }
0xa8: {  	s5 =	sshll.u32 s28, $0x1;
	[dreg:$0x2] =	wrdreg s3  }
0xa9: {  	[dreg:$0x3] =	wrdreg s5  }
0xaa: {  	[dreg:$0x4] =	wrdreg $0xC0  }
0xab: {  	_ =	task [dreg:s7], $0x5FFFF  }
0xac: {  	[dreg:$0x1] =	wrdreg $0xFFFFFFFF  }
0xad: {  	[dreg:$0x0] =	wrdreg $0x60  }
0xae: {  	[dreg:$0x2] =	wrdreg s24  }
0xaf: {  	[dreg:$0x3] =	wrdreg s2  }
0xb0: {  	[dreg:$0x4] =	wrdreg $0x54000  }
0xb1: {  	[dreg:$0x5] =	wrdreg $0x9  }
0xb2: {  	_ =	task.clear_ibuf [dreg:s7], $0x6FFFF;
	_ =	strace $0x90000046  }
0xb3: {  	s29 =	simm.s32 $0x9;
	_ =	strace $0x80000048  }
0xb4: {  	_ =	swait.ge [sflag:s29], $0x1  }
0xb5: {  	[sflag:s29] =	ssyncadd.s32 $0xFFFFFFFF  }
0xb6: {  	_ =	strace $0x90000048  }
0xb7: {  	_ =	sfence  }
0xb8: {  	s30 =	sld [smem:$0x0];
	_ =	sdelay $0x2  }
0xb9: {  	s31 =	sshll.u32 s1, $0xD;
	s1 =	sshrl.u32 s1, $0x2  }
0xba: {  	s3 =	sand.u32 $0x4000, s31;
	s1 =	sadd.s32 s1, s30  }
0xbb: {  	s0 =	sor.u32 s3, s0;
	s1 =	sshll.u32 s1, $0x11  }
0xbc: {  	s0 =	sor.u32 s1, s0  }
0xbd: {  	s0 =	sadd.s32 $0x8F2B, s0  }
0xbe: {  	[sflag:s0] =	ssyncadd.remote.s32 $0x1  }
0xbf: {  	_ =	sfence.sel $0xFFFF  }
0xc0: {  	[dreg:$0x0] =	wrdreg $0xFFFFFFFF;
	(pc) =	sbr.abs _section_cstart, $3  }
0xc1: {  	[dreg:$0x1] =	wrdreg $0xFFFFFFFF  }
0xc2: {  	_ =	task.clear_ibuf [dreg:s7], $0x2FFFF;
	_ =	strace $0x9FFFFFFF  }
0xc3: {  	(tm) =	ssettm $0x7FFFFFFF  }
tec
execute0_lowered:
.L_overlay_start_1:
0x0: {  	(tag) =	ssettag $0x1  }
0x1: {  	s7 =	rddreg [dreg:$0x0]  }
0x2: {  	s0 =	srdreg.scid;
	s2 =	rddreg [dreg:$0x1]  }
0x3: {  	s3 =	rddreg [dreg:$0x2];
	s4 =	simm.s32 $0x0;
	s6 =	sand.u32 $0x1, s0  }
0x4: {  	s12 =	simm.s32 $0x1400;
	s0 =	stileid.u32;
	s8 =	smul.u32 $0x13C000, s6  }
0x5: {  	s13 =	simm.s32 $0x80;
	s14 =	simm.s32 $0x0;
	s9 =	smul.u32 $0x13C00, s0  }
0x6: {  	[smem:$0x7FF] =	sst s4;
	s1 =	sshll.u32 s6, $0x4;
	s29 =	smul.u32 $0x4F000, s0  }
0x7: {  	s6 =	ssub.s32 $0x2, s6;
	s31 =	sshll.u32 s0, $0x6;
	s1 =	sor.u32 s0, s1  }
0x8: {  	s30 =	sshrl.u32 s6, $0x1;
	s5 =	smul.u32 $0x280, s1;
	s1 =	rddreg [dreg:$0x3]  }
0x9: {  	_ =	strace $0x80000047;
	s8 =	sadd.s32 s9, s8;
	s9 =	sshrl.u32 s29, $0x2  }
0xa: {  	s8 =	sshrl.u32 s8, $0x3;
	s11 =	sadd.s32 s9, s3;
	s9 =	simm.s32 $0x1  }
0xb: {  	s10 =	sadd.s32 s5, s7;
	s5 =	sadd.s32 $0xD800, s7;
	s7 =	sadd.s32 s8, s7  }
0xc: {  	s8 =	ssub.s32 s6, s30;
	s11 =	sshrl.u32 s11, $0x3;
	s6 =	sadd.s32 $0x8800, s10  }
0xd: {  	s7 =	sadd.s32 $0x10000, s7;
	s8 =	smax.u32 s8, $0x1;
	s10 =	sor.u32 $0x1C01, s31  }
.LBB2_1:
0xe: {  	[tilespmem:s4], [sflag:$0x1] =	stream.linear.gather [hbm4b:s6+s4], $0x1400, $0x38;
	[tilespmem:$0x19000] =	vst v63  }
0xf: {  	_ =	swait.ge [sflag:s9], $0x1400  }
0x10: {  	[sflag:s9] =	ssyncset.done $0x0  }
0x11: {  	[sflag:s9] =	ssyncadd.s32 $0xFFFFEC00  }
0x12: {  	[spmem:s11], [sflag:s10] =	dma.local [hbm:s5], $0x2780  }
0x13: {  	_ =	swait.ge [sflag:s9], $0x2780  }
0x14: {  	[sflag:s9] =	ssyncset.done $0x0  }
0x15: {  	[sflag:s9] =	ssyncadd.s32 $0xFFFFD880  }
0x16: {  	[tilespmem:s12], [sflag:$0x1] =	stream.linear.gather [hbm4b:s2+s4], $0x4000, $0x38;
	[tilespmem:$0x19000] =	vst v63  }
0x17: {  	_ =	swait.ge [sflag:s9], $0x4000  }
0x18: {  	[sflag:s9] =	ssyncset.done $0x0  }
0x19: {  	[sflag:s9] =	ssyncadd.s32 $0xFFFFC000  }
0x1a: {  	s15 =	simm.s32 $0x0;
	[bflag:$0x0] =	sbarrier.arrive $0xFFFF  }
0x1b: {  	[spmem:s3] =	stream.indirect.scatter.add.f32 [tilespmem:s12], [sflag:$0x1], $0x80, s15, s13, $0xb8;
	[tilespmem:$0x19000] =	vst v63  }
0x1c: {  	_ =	swait.ge [sflag:s9], $0x4000  }
0x1d: {  	s15 =	simm.s32 $0x200;
	[sflag:s9] =	ssyncset.done $0x0  }
.LBB2_2:
0x1e: {  	s16 =	sshra.s32 s15, $0x2;
	[sflag:s9] =	ssyncadd.s32 $0xFFFFC000;
	p0 =	sne.s32 s15, $0x4E00  }
0x1f: {  	[spmem:s3] =	stream.indirect.scatter.add.f32 [tilespmem:s12], [sflag:$0x1], $0x80, s16, s13, $0xb8;
	[tilespmem:$0x19000] =	vst v63  }
.Ltmp0:
0x20: {  	_ = 	snop;
	(pc) =	sbr.rel @p0 .LBB2_2-.Ltmp0, $4  }
0x21: {  	_ = 	snop  }
0x22: {  	s15 =	sadd.s32 $0x200, s15  }
0x23: {  	_ =	swait.ge [sflag:s9], $0x4000  }
0x24: {  	[sflag:s9] =	ssyncset.done $0x0  }
0x25: {  	s14 =	sadd.s32 $0x1, s14  }
0x26: {  	[sflag:s9] =	ssyncadd.s32 $0xFFFFC000;
	p0 =	sne.s32 s14, s8  }
.Ltmp1:
0x27: {  	[bflag:$0x0] =	sbarrier.arrive $0xFFFF;
	(pc) =	sbr.rel @p0 .LBB2_1-.Ltmp1, $4  }
0x28: {  	[hbm:s7], [sflag:s10] =	dma.local [spmem:s11], $0x2780  }
0x29: {  	_ =	swait.ge [sflag:s9], $0x2780  }
0x2a: {  	[sflag:s9] =	ssyncset.done $0x0  }
0x2b: {  	[sflag:s9] =	ssyncadd.s32 $0xFFFFD880  }
0x2c: {  	_ =	sfence.sel $0x180000  }
0x2d: {  	[bflag:$0x0] =	sbarrier.arrive $0xFFFF  }
0x2e: {  	p0 =	sne.s32 s0, $0x0;
	_ =	strace $0x90000047  }
0x2f: {  	s0 =	sadd.s32 @!p0 $0x100000, s1;
	[bflag:$0x2] =	sbarrier.arrive $0xFFFF  }
0x30: {  	[sflag:s0] =	ssyncadd.tile.s32 @!p0 $0x1;
	_ =	shalt  }
.Lfunc_end2:
_tile_overlayer_lowered:
.L_overlay_start_2:
0x31: {  	(tag) =	ssettag $0x2  }
0x32: {  	s0 =	rddreg [dreg:$0x0];
	s2 =	stileid.u32  }
0x33: {  	s1 =	rddreg [dreg:$0x1];
	p0 =	sne.s32 s2, $0x0  }
0x34: {  	s3 =	rddreg [dreg:$0x2];
	[bflag:$0x3] =	sbarrier.arrive $0xFFFF;
	s2 =	simm.s32 @!p0 $0x1C01  }
0x35: {  	[timem:s3], [sflag:s2] =	dma.local @!p0 [hbm:s0], s1  }
0x36: {  	s0 =	simm.s32 @!p0 $0x1  }
0x37: {  	_ =	swait.ge @!p0 [sflag:s0], s1  }
0x38: {  	s1 =	ssub.s32 @!p0 $0x0, s1;
	[sflag:s0] =	ssyncset.done @!p0 $0x0  }
0x39: {  	[sflag:s0] =	ssyncadd.s32 @!p0 s1  }
0x3a: {  	[bflag:$0x3] =	sbarrier.arrive $0xFFFF  }
0x3b: {  	_ =	shalt  }

// kernel: kernel.23.cloned.1.call-start
scs
__scs_entry_jumppad:
0x0: {  	(pc) =	sbr.rel $0x88, $3  }
0x1: {  	(tag) =	ssettag $0x0;
	lr =	simm.s32 $0x1  }
0x2: {  	[smem:$0x3F7F] =	sst lr;
	_ =	strace $0xD0000000  }
0x3: {  	_ = 	snop  }
0x4: {  	_ = 	snop  }
0x5: {  	_ = 	snop  }
0x6: {  	_ = 	snop  }
0x7: {  	_ = 	snop  }
__scs_overlays_trampoline_lowered:
0x8: {  	[smem:$0x3F8E] =	sst s0  }
0x9: {  	[smem:$0x3F8F] =	sst s1  }
0xa: {  	[smem:$0x3F90] =	sst s2  }
0xb: {  	[smem:$0x3F91] =	sst s3  }
0xc: {  	[smem:$0x3F92] =	sst s4  }
0xd: {  	[smem:$0x3F93] =	sst s5  }
0xe: {  	[smem:$0x3F94] =	sst s6  }
0xf: {  	[smem:$0x3F95] =	sst s7  }
0x10: {  	[smem:$0x3F96] =	sst s8  }
0x11: {  	[smem:$0x3F97] =	sst s9;
	s0 =	simm.s32 @!p0 $0x0  }
0x12: {  	s1 =	sld [smem:$0x3F7D];
	s0 =	simm.s32 @p0 $0x1  }
0x13: {  	[smem:$0x3F98] =	sst s0;
	s0 =	simm.s32 @!p1 $0x0  }
0x14: {  	s2 =	sld [smem:$0x3F7C];
	s0 =	simm.s32 @p1 $0x1  }
0x15: {  	[smem:$0x3F99] =	sst s0;
	s0 =	simm.s32 @!p2 $0x0  }
0x16: {  	s3 =	sld [smem:$0x3FDB];
	s0 =	simm.s32 @p2 $0x1  }
0x17: {  	s4 =	simm.s32 $0x1BF5;
	[smem:$0x3F9B] =	sst s0  }
0x18: {  	s0 =	sld [smem:$0x3F7E];
	_ =	swait.ge [sflag:s4], $0x0  }
0x19: {  	s7 =	sld [smem:$0x3F7F]  }
0x1a: {  	s8 =	sadd.s32 $0xFFFFE003, lr  }
0x1b: {  	s9 =	sadd.s32 $0xFFFFFEF7, lr;
	s5 =	simm.s32 $0xFFFFFFFF;
	p2 =	slt.u32 s8, $0xFFFFF086  }
0x1c: {  	p1 =	slt.u32 s9, $0xF7A;
	s5 =	simm.s32 @!p2 $0x0  }
0x1d: {  	s5 =	simm.s32 @p1 $0x1;
	p0 =	seq.s32 s7, s2  }
0x1e: {  	s7 =	smul.u32 @!p0 $0xF7A, s2;
	p2 =	seq.s32 @!p0 s5, $0x0  }
0x1f: {  	s9 =	smul.u32 $0xF7A, s1;
	s8 =	simm.s32 @!p0 $0x1BF5;
	p2 =	por !p2, p0  }
0x20: {  	[sflag:s8] =	ssyncset.s32 @!p0 $0xFFFFF086;
	s6 =	sadd.s32 @!p0 s3, s7;
	s7 =	simm.s32 @!p0 $0x108  }
0x21: {  	s3 =	sadd.s32 s3, s9;
	s6 =	sadd.s32 @!p0 $0x88, s6;
	s7 =	simm.s32 @p2 $0x1082  }
0x22: {  	[simem:s7], [sflag:s8] =	dma.local @!p0 [hbm:s6], $0xF7A  }
0x23: {  	s9 =	sor.u32 $0xD0000000, s2;
	s6 =	simm.s32 $0x108;
	_ =	swait.ge @!p0 [sflag:s8], $0x0  }
0x24: {  	s3 =	sadd.s32 $0x88, s3;
	s6 =	simm.s32 @!p1 $0x1082;
	[sflag:s4] =	ssyncset.s32 $0xFFFFF086  }
0x25: {  	[simem:s6], [sflag:s4] =	dma.local [hbm:s3], $0xF7A  }
0x26: {  	[smem:$0x3F7F] =	sst s1;
	(tag) =	ssettag s2;
	_ =	strace s9  }
0x27: {  	s1 =	sld [smem:$0x3F8F]  }
0x28: {  	s2 =	sld [smem:$0x3F90]  }
0x29: {  	s4 =	sld [smem:$0x3F92]  }
0x2a: {  	p0 =	seq.s32 s5, $0x0;
	s5 =	sld [smem:$0x3F93]  }
0x2b: {  	s6 =	sld [smem:$0x3F94]  }
0x2c: {  	s7 =	sld [smem:$0x3F95]  }
0x2d: {  	s3 =	simm.s32 $0x108;
	s8 =	sld [smem:$0x3F96]  }
0x2e: {  	s3 =	simm.s32 @!p0 $0x1082;
	s9 =	sld [smem:$0x3F97]  }
0x2f: {  	lr =	sadd.s32 s0, s3;
	s0 =	sld [smem:$0x3F8E]  }
0x30: {  	s3 =	sld [smem:$0x3F91]  }
0x31: {  	[smem:$0x3F9A] =	sst s10  }
0x32: {  	s10 =	sld [smem:$0x3F98];
	_ =	sdelay $0x3  }
0x33: {  	p0 =	seq.s32 s10, $0x1;
	s10 =	sld [smem:$0x3F9A];
	_ =	sdelay $0x3  }
0x34: {  	[smem:$0x3F9A] =	sst s10  }
0x35: {  	s10 =	sld [smem:$0x3F99];
	_ =	sdelay $0x3  }
0x36: {  	p1 =	seq.s32 s10, $0x1;
	s10 =	sld [smem:$0x3F9A];
	_ =	sdelay $0x3  }
0x37: {  	[smem:$0x3F9A] =	sst s10  }
0x38: {  	s10 =	sld [smem:$0x3F9B]  }
0x39: {  	_ = 	snop;
	(pc) =	sbr.ind lr, $3  }
0x3a: {  	_ = 	snop  }
0x3b: {  	_ = 	snop  }
0x3c: {  	p2 =	seq.s32 s10, $0x1;
	s10 =	sld [smem:$0x3F9A]  }
0x3d: {  	_ =	shalt  }
0x3e: {  	_ =	shalt  }
0x3f: {  	_ =	shalt  }
0x40: {  	_ =	shalt  }
0x41: {  	_ =	shalt  }
0x42: {  	_ =	shalt  }
0x43: {  	_ =	shalt  }
0x44: {  	_ =	shalt  }
0x45: {  	_ =	shalt  }
0x46: {  	_ =	shalt  }
0x47: {  	_ =	shalt  }
0x48: {  	_ =	shalt  }
0x49: {  	_ =	shalt  }
0x4a: {  	_ =	shalt  }
0x4b: {  	_ =	shalt  }
0x4c: {  	_ =	shalt  }
0x4d: {  	_ =	shalt  }
0x4e: {  	_ =	shalt  }
0x4f: {  	_ =	shalt  }
0x50: {  	_ =	shalt  }
0x51: {  	_ =	shalt  }
0x52: {  	_ =	shalt  }
0x53: {  	_ =	shalt  }
0x54: {  	_ =	shalt  }
0x55: {  	_ =	shalt  }
0x56: {  	_ =	shalt  }
0x57: {  	_ =	shalt  }
0x58: {  	_ =	shalt  }
0x59: {  	_ =	shalt  }
0x5a: {  	_ =	shalt  }
0x5b: {  	_ =	shalt  }
0x5c: {  	_ =	shalt  }
0x5d: {  	_ =	shalt  }
0x5e: {  	_ =	shalt  }
0x5f: {  	_ =	shalt  }
0x60: {  	_ =	shalt  }
0x61: {  	_ =	shalt  }
0x62: {  	_ =	shalt  }
0x63: {  	_ =	shalt  }
0x64: {  	_ =	shalt  }
0x65: {  	_ =	shalt  }
0x66: {  	_ =	shalt  }
0x67: {  	_ =	shalt  }
0x68: {  	_ =	shalt  }
0x69: {  	_ =	shalt  }
0x6a: {  	_ =	shalt  }
0x6b: {  	_ =	shalt  }
0x6c: {  	_ =	shalt  }
0x6d: {  	_ =	shalt  }
0x6e: {  	_ =	shalt  }
0x6f: {  	_ =	shalt  }
0x70: {  	_ =	shalt  }
0x71: {  	_ =	shalt  }
0x72: {  	_ =	shalt  }
0x73: {  	_ =	shalt  }
0x74: {  	_ =	shalt  }
0x75: {  	_ =	shalt  }
0x76: {  	_ =	shalt  }
0x77: {  	_ =	shalt  }
0x78: {  	_ =	shalt  }
0x79: {  	_ =	shalt  }
0x7a: {  	_ =	shalt  }
0x7b: {  	_ =	shalt  }
0x7c: {  	_ =	shalt  }
0x7d: {  	_ =	shalt  }
0x7e: {  	_ =	shalt  }
0x7f: {  	_ =	shalt  }
0x80: {  	_ =	shalt  }
0x81: {  	_ =	shalt  }
0x82: {  	_ =	shalt  }
0x83: {  	_ =	shalt  }
0x84: {  	_ =	shalt  }
0x85: {  	_ =	shalt  }
0x86: {  	_ =	shalt  }
0x87: {  	_ =	shalt  }
.Lfunc_end0:
.L_simem_size_0:
called_computation.1_lowered:
.L_overlay_start_0:
0x88: {  	s2 =	sld [smem:$0x3FD9]  }
0x89: {  	s3 =	sld [smem:$0x3FFE];
	_ =	sdelay $0x1  }
0x8a: {  	s1 =	srdreg.scid  }
0x8b: {  	s0 =	sand.u32 $0x1, s1  }
0x8c: {  	s17 =	sshll.u32 s0, $0xA;
	s2 =	sadd.s32 s3, s2  }
0x8d: {  	s2 =	sadd.s32 s2, s17  }
0x8e: {  	[smem:$0x3FA6] =	sst s2  }
0x8f: {  	_ = 	snop  }
0x90: {  	(tm) =	ssettm $0x1  }
0x91: {  	s18 =	sld [smem:$0x3FFB];
	_ =	sdelay $0x3  }
0x92: {  	_ =	strace s18  }
0x93: {  	s2 =	sld [smem:$0x3FFC];
	_ =	sdelay $0x3  }
0x94: {  	_ =	strace s2  }
0x95: {  	s2 =	sld [smem:$0x3FFD];
	_ =	sdelay $0x3  }
0x96: {  	_ =	strace s2  }
0x97: {  	_ =	strace $0x8FFFFFFF  }
0x98: {  	s19 =	sld [smem:$0x3FDB];
	_ =	sdelay $0x1  }
0x99: {  	s20 =	simm.s32 $_scs_section_size  }
0x9a: {  	s4 =	simm.s32 $_size__tile_overlayer_lowered;
	s5 =	simm.s32 $_tile_overlayer_lowered  }
0x9b: {  	s6 =	simm.s32 $0x1BFF;
	s21 =	sshll.u32 s5, $0x1;
	s3 =	sadd.s32 s20, s19  }
0x9c: {  	s22 =	simm.s32 $0x0;
	s4 =	sshll.u32 s4, $0x1;
	s5 =	sadd.s32 s21, s3  }
0x9d: {  	[timem:s22], [sflag:s6] =	dma.local [hbm:s5], s4  }
0x9e: {  	_ =	swait.ge [sflag:s6], s4  }
0x9f: {  	s4 =	ssub.s32 $0x0, s4;
	[sflag:s6] =	ssyncset.done $0x0  }
0xa0: {  	[sflag:s6] =	ssyncadd.s32 s4;
	_ =	sdelay $0x1  }
0xa1: {  	s23 =	simm.s32 $0x1B8B  }
0xa2: {  	_ =	swait.ge [sflag:s23], $0x1  }
0xa3: {  	[sflag:s23] =	ssyncset.done $0x0  }
0xa4: {  	[sflag:s23] =	ssyncadd.s32 $0xFFFFFFFF  }
0xa5: {  	s4 =	sld [smem:$0x0]  }
0xa6: {  	s5 =	sand.u32 $0xFFFFFFFE, s1  }
0xa7: {  	p0 =	sne.s32 s1, s5  }
0xa8: {  	s5 =	sshll.u32 @p0 s5, $0xE  }
0xa9: {  	s5 =	sadd.s32 @p0 $0x11B8D, s5;
	s6 =	sshll.u32 @p0 s4, $0x11  }
0xaa: {  	s5 =	sor.u32 @p0 s6, s5  }
0xab: {  	[sflag:s5] =	ssyncadd.remote.s32 @p0 $0x1;
	_ =	sdelay $0x1  }
0xac: {  	s5 =	simm.s32 @p0 $0x1B8D  }
0xad: {  	_ =	swait.eq @p0 [sflag:s5], $0x1  }
0xae: {  	[sflag:s5] =	ssyncadd.s32 @p0 $0xFFFFFFFF  }
0xaf: {  	s6 =	sshll.u32 @!p0 s1, $0xE  }
0xb0: {  	s6 =	sor.u32 @!p0 $0x4000, s6;
	s5 =	simm.s32 @!p0 $0x1B8D  }
0xb1: {  	s4 =	sshll.u32 @!p0 s4, $0x11;
	s6 =	sadd.s32 @!p0 $0x11B8D, s6;
	_ =	swait.eq @!p0 [sflag:s5], $0x1  }
0xb2: {  	s4 =	sor.u32 @!p0 s4, s6;
	[sflag:s5] =	ssyncadd.s32 @!p0 $0xFFFFFFFF  }
0xb3: {  	s25 =	simm.s32 $0x1B8E;
	s24 =	sld [smem:$0x3FFE];
	[sflag:s4] =	ssyncadd.remote.s32 @!p0 $0x1  }
0xb4: {  	s26 =	simm.s32 $execute0_lowered;
	[smem:$0x3FD2] =	sst s25  }
0xb5: {  	s5 =	sshll.u32 s26, $0x1;
	_ =	strace $0x80000049;
	[dreg:$0x1] =	wrdreg $0xFFFFFFFF  }
0xb6: {  	s28 =	simm.s32 $_size_execute0_lowered;
	s3 =	sadd.s32 s3, s5;
	[dreg:$0x0] =	wrdreg $0x0  }
0xb7: {  	s5 =	sshll.u32 s28, $0x1;
	[dreg:$0x2] =	wrdreg s3  }
0xb8: {  	[dreg:$0x3] =	wrdreg s5  }
0xb9: {  	[dreg:$0x4] =	wrdreg $0xC0  }
0xba: {  	_ =	task [dreg:s22], $0x5FFFF  }
0xbb: {  	[dreg:$0x1] =	wrdreg $0xFFFFFFFF  }
0xbc: {  	[dreg:$0x0] =	wrdreg $0x60  }
0xbd: {  	[dreg:$0x2] =	wrdreg s24  }
0xbe: {  	[dreg:$0x3] =	wrdreg $0xA8000  }
0xbf: {  	[dreg:$0x4] =	wrdreg $0xA  }
0xc0: {  	_ =	task.clear_ibuf [dreg:s22], $0x5FFFF;
	_ =	strace $0x90000049  }
0xc1: {  	s29 =	simm.s32 $0xA;
	_ =	strace $0x8000004B  }
0xc2: {  	_ =	swait.ge [sflag:s29], $0x1  }
0xc3: {  	[sflag:s29] =	ssyncadd.s32 $0xFFFFFFFF  }
0xc4: {  	_ =	strace $0x9000004B  }
0xc5: {  	_ =	sfence  }
0xc6: {  	s30 =	sld [smem:$0x0];
	_ =	sdelay $0x2  }
0xc7: {  	s31 =	sshll.u32 s1, $0xD;
	s1 =	sshrl.u32 s1, $0x2  }
0xc8: {  	s4 =	sand.u32 $0x4000, s31;
	s1 =	sadd.s32 s1, s30  }
0xc9: {  	s0 =	sor.u32 s4, s0;
	s1 =	sshll.u32 s1, $0x11  }
0xca: {  	s0 =	sor.u32 s1, s0  }
0xcb: {  	s0 =	sadd.s32 $0x8F2B, s0  }
0xcc: {  	[sflag:s0] =	ssyncadd.remote.s32 $0x1  }
0xcd: {  	_ =	sfence.sel $0xFFFF  }
0xce: {  	[dreg:$0x0] =	wrdreg $0xFFFFFFFF;
	(pc) =	sbr.abs _section_cstart, $3  }
0xcf: {  	[dreg:$0x1] =	wrdreg $0xFFFFFFFF  }
0xd0: {  	_ =	task.clear_ibuf [dreg:s22], $0x2FFFF;
	_ =	strace $0x9FFFFFFF  }
0xd1: {  	(tm) =	ssettm $0x7FFFFFFF  }
tec
execute0_lowered:
.L_overlay_start_1:
0x0: {  	(tag) =	ssettag $0x1  }
0x1: {  	s6 =	rddreg [dreg:$0x0]  }
0x2: {  	s1 =	rddreg [dreg:$0x1]  }
0x3: {  	s0 =	rddreg [dreg:$0x2];
	s2 =	simm.s32 $0x0  }
0x4: {  	s3 =	srdreg.scid;
	s18 =	simm.s32 $0x6800;
	s19 =	simm.s32 $0x1  }
0x5: {  	s20 =	simm.s32 $0x2;
	[smem:$0x7FF] =	sst s2;
	s7 =	sand.u32 $0x1, s3  }
0x6: {  	s21 =	simm.s32 $0x2700;
	s3 =	stileid.u32;
	s8 =	smul.u32 $0x13C000, s7  }
0x7: {  	s4 =	sadd.s32 $0x5F000, s6;
	s9 =	sadd.s32 $0xFB400, s6;
	s10 =	smul.u32 $0x13C00, s3  }
0x8: {  	s11 =	sadd.s32 $0x8800, s6;
	s5 =	sadd.s32 $0xD800, s6;
	s12 =	smul.u32 $0x4F000, s3  }
0x9: {  	_ =	strace $0x8000004A;
	s22 =	ssub.s32 $0x2, s7;
	s13 =	smul.u32 $0x28000, s7  }
0xa: {  	s14 =	smul.u32 $0x2800, s3;
	s26 =	sshll.u32 s3, $0x6;
	s24 =	sshrl.u32 s22, $0x1  }
0xb: {  	s8 =	sadd.s32 s10, s8;
	s16 =	ssub.s32 s22, s24;
	s25 =	sshrl.u32 s12, $0x2  }
0xc: {  	s28 =	sadd.s32 s14, s13;
	s29 =	sadd.s32 $0x1400, s14;
	s30 =	sshrl.u32 s14, $0x3  }
0xd: {  	s14 =	simm.s32 $0x3;
	s22 =	simm.s32 $0x2780;
	s23 =	sshrl.u32 s8, $0x3  }
0xe: {  	s17 =	sadd.s32 s25, s1;
	s7 =	sshrl.u32 s28, $0x3;
	s31 =	sadd.s32 s13, s29  }
0xf: {  	s8 =	sadd.s32 s11, s30;
	s10 =	sshrl.u32 s29, $0x3;
	s15 =	sadd.s32 s23, s6  }
0x10: {  	s6 =	sor.u32 $0x1C03, s26;
	s7 =	sadd.s32 s9, s7;
	s12 =	sshrl.u32 s31, $0x3  }
0x11: {  	s10 =	sadd.s32 s11, s10;
	s13 =	sshrl.u32 s17, $0x3;
	s17 =	simm.s32 $0x2800  }
0x12: {  	s23 =	simm.s32 $0x0;
	s9 =	sadd.s32 s9, s12;
	s11 =	sadd.s32 $0x105400, s15  }
0x13: {  	s12 =	smax.u32 s16, $0x1;
	s15 =	simm.s32 $0x1400;
	s16 =	simm.s32 $0x80  }
.LBB2_1:
0x14: {  	[spmem:s13], [sflag:s6] =	dma.local [hbm:s5], $0x2780  }
0x15: {  	_ =	swait.ge [sflag:s14], $0x2780  }
0x16: {  	[sflag:s14] =	ssyncset.done $0x0  }
0x17: {  	[sflag:s14] =	ssyncadd.s32 $0xFFFFD880  }
0x18: {  	[bflag:$0x0] =	sbarrier.arrive $0xFFFF  }
0x19: {  	[tilespmem:s2], [sflag:$0x3] =	stream.linear.gather [hbm4b:s7+s2], $0x1400, $0x38;
	[tilespmem:$0x1E400] =	vst v63  }
0x1a: {  	_ =	swait.ge [sflag:s14], $0x1400  }
0x1b: {  	[sflag:s14] =	ssyncset.done $0x0  }
0x1c: {  	[sflag:s14] =	ssyncadd.s32 $0xFFFFEC00  }
0x1d: {  	[tilespmem:s15], [sflag:$0x3] =	stream.linear.gather [hbm4b:s8+s2], $0x1400, $0x38;
	[tilespmem:$0x1E400] =	vst v63  }
0x1e: {  	_ =	swait.ge [sflag:s14], $0x1400  }
0x1f: {  	[sflag:s14] =	ssyncset.done $0x0  }
0x20: {  	[sflag:s14] =	ssyncadd.s32 $0xFFFFEC00  }
0x21: {  	[tilespmem:s17], [sflag:$0x1] =	stream.indirect.gather [hbm4b:s4+s16], $0x80, s2, s16, $0xb8;
	[tilespmem:$0x1E400] =	vst v63  }
0x22: {  	_ = 	snop  }
0x23: {  	[tilespmem:s18], [sflag:$0x2] =	stream.indirect.gather [hbm4b:s4+s16], $0x80, s16, s16, $0xb8;
	[tilespmem:$0x1E400] =	vst v63  }
0x24: {  	_ =	swait.ge [sflag:s19], $0x4000  }
0x25: {  	[sflag:s19] =	ssyncset.done $0x0  }
0x26: {  	s24 =	simm.s32 $0x1400;
	[sflag:s19] =	ssyncadd.s32 $0xFFFFC000  }
0x27: {  	[spmem:s1] =	stream.indirect.scatter.add.f32 [tilespmem:s17], [sflag:$0x3], $0x80, s24, s16, $0xb8;
	[tilespmem:$0x1E400] =	vst v63  }
0x28: {  	_ =	swait.ge [sflag:s14], $0x4000  }
0x29: {  	[sflag:s14] =	ssyncset.done $0x0  }
0x2a: {  	s30 =	simm.s32 $0x100;
	[sflag:s14] =	ssyncadd.s32 $0xFFFFC000  }
0x2b: {  	[tilespmem:s17], [sflag:$0x1] =	stream.indirect.gather [hbm4b:s4+s16], $0x80, s30, s16, $0xb8;
	[tilespmem:$0x1E400] =	vst v63  }
0x2c: {  	_ =	swait.ge [sflag:s20], $0x4000  }
0x2d: {  	[sflag:s20] =	ssyncset.done $0x0  }
0x2e: {  	s31 =	simm.s32 $0x1480;
	[sflag:s20] =	ssyncadd.s32 $0xFFFFC000  }
0x2f: {  	[spmem:s1] =	stream.indirect.scatter.add.f32 [tilespmem:s18], [sflag:$0x3], $0x80, s31, s16, $0xb8;
	[tilespmem:$0x1E400] =	vst v63  }
0x30: {  	_ =	swait.ge [sflag:s14], $0x4000  }
0x31: {  	[sflag:s14] =	ssyncset.done $0x0  }
0x32: {  	s25 =	simm.s32 $0x180;
	s24 =	simm.s32 $0x400;
	[sflag:s14] =	ssyncadd.s32 $0xFFFFC000  }
.LBB2_2:
0x33: {  	[tilespmem:s18], [sflag:$0x2] =	stream.indirect.gather [hbm4b:s4+s16], $0x80, s25, s16, $0xb8;
	[tilespmem:$0x1E400] =	vst v63  }
0x34: {  	s25 =	smov.u32 s24  }
0x35: {  	p0 =	sne.s32 s24, $0x4800;
	s24 =	sadd.s32 $0x400, s24;
	_ =	swait.ge [sflag:s19], $0x4000  }
0x36: {  	s25 =	sshra.s32 s25, $0x2;
	[sflag:s19] =	ssyncset.done $0x0  }
0x37: {  	s26 =	sadd.s32 $0x1400, s25;
	[sflag:s19] =	ssyncadd.s32 $0xFFFFC000  }
0x38: {  	[spmem:s1] =	stream.indirect.scatter.add.f32 [tilespmem:s17], [sflag:$0x3], $0x80, s26, s16, $0xb8;
	[tilespmem:$0x1E400] =	vst v63  }
0x39: {  	_ =	swait.ge [sflag:s14], $0x4000  }
0x3a: {  	[sflag:s14] =	ssyncset.done $0x0  }
0x3b: {  	s26 =	sadd.s32 $0x100, s25;
	[sflag:s14] =	ssyncadd.s32 $0xFFFFC000  }
0x3c: {  	[tilespmem:s17], [sflag:$0x1] =	stream.indirect.gather [hbm4b:s4+s16], $0x80, s26, s16, $0xb8;
	[tilespmem:$0x1E400] =	vst v63  }
0x3d: {  	_ =	swait.ge [sflag:s20], $0x4000  }
0x3e: {  	[sflag:s20] =	ssyncset.done $0x0  }
.Ltmp0:
0x3f: {  	s26 =	sadd.s32 $0x1480, s25;
	[sflag:s20] =	ssyncadd.s32 $0xFFFFC000;
	(pc) =	sbr.rel @p0 .LBB2_2-.Ltmp0, $4  }
0x40: {  	[spmem:s1] =	stream.indirect.scatter.add.f32 [tilespmem:s18], [sflag:$0x3], $0x80, s26, s16, $0xb8;
	[tilespmem:$0x1E400] =	vst v63  }
0x41: {  	_ =	swait.ge [sflag:s14], $0x4000  }
0x42: {  	[sflag:s14] =	ssyncset.done $0x0  }
0x43: {  	s25 =	sadd.s32 $0x180, s25;
	[sflag:s14] =	ssyncadd.s32 $0xFFFFC000  }
0x44: {  	[tilespmem:s18], [sflag:$0x2] =	stream.indirect.gather [hbm4b:s4+s16], $0x80, s25, s16, $0xb8;
	[tilespmem:$0x1E400] =	vst v63  }
0x45: {  	_ =	swait.ge [sflag:s19], $0x4000  }
0x46: {  	[sflag:s19] =	ssyncset.done $0x0  }
0x47: {  	[sflag:s19] =	ssyncadd.s32 $0xFFFFC000  }
0x48: {  	[spmem:s1] =	stream.indirect.scatter.add.f32 [tilespmem:s17], [sflag:$0x3], $0x80, s21, s16, $0xb8;
	[tilespmem:$0x1E400] =	vst v63  }
0x49: {  	_ =	swait.ge [sflag:s14], $0x4000  }
0x4a: {  	[sflag:s14] =	ssyncset.done $0x0  }
0x4b: {  	[sflag:s14] =	ssyncadd.s32 $0xFFFFC000  }
0x4c: {  	_ =	swait.ge [sflag:s20], $0x4000  }
0x4d: {  	[sflag:s20] =	ssyncset.done $0x0  }
0x4e: {  	[sflag:s20] =	ssyncadd.s32 $0xFFFFC000  }
0x4f: {  	[spmem:s1] =	stream.indirect.scatter.add.f32 [tilespmem:s18], [sflag:$0x3], $0x80, s22, s16, $0xb8;
	[tilespmem:$0x1E400] =	vst v63  }
0x50: {  	_ =	swait.ge [sflag:s14], $0x4000  }
0x51: {  	[sflag:s14] =	ssyncset.done $0x0  }
0x52: {  	s24 =	simm.s32 $0x0;
	[sflag:s14] =	ssyncadd.s32 $0xFFFFC000  }
0x53: {  	[tilespmem:s24], [sflag:$0x3] =	stream.linear.gather [hbm4b:s9+s24], $0x1400, $0x38;
	[tilespmem:$0x1E400] =	vst v63  }
0x54: {  	_ =	swait.ge [sflag:s14], $0x1400  }
0x55: {  	[sflag:s14] =	ssyncset.done $0x0  }
0x56: {  	[sflag:s14] =	ssyncadd.s32 $0xFFFFEC00  }
0x57: {  	[tilespmem:s15], [sflag:$0x3] =	stream.linear.gather [hbm4b:s10+s24], $0x1400, $0x38;
	[tilespmem:$0x1E400] =	vst v63  }
0x58: {  	_ =	swait.ge [sflag:s14], $0x1400  }
0x59: {  	[sflag:s14] =	ssyncset.done $0x0  }
0x5a: {  	[sflag:s14] =	ssyncadd.s32 $0xFFFFEC00  }
0x5b: {  	[tilespmem:s17], [sflag:$0x1] =	stream.indirect.gather [hbm4b:s4+s16], $0x80, s24, s16, $0xb8;
	[tilespmem:$0x1E400] =	vst v63  }
0x5c: {  	_ = 	snop  }
0x5d: {  	[tilespmem:s18], [sflag:$0x2] =	stream.indirect.gather [hbm4b:s4+s16], $0x80, s16, s16, $0xb8;
	[tilespmem:$0x1E400] =	vst v63  }
0x5e: {  	_ =	swait.ge [sflag:s19], $0x4000  }
0x5f: {  	[sflag:s19] =	ssyncset.done $0x0  }
0x60: {  	s29 =	simm.s32 $0x1400;
	[sflag:s19] =	ssyncadd.s32 $0xFFFFC000  }
0x61: {  	[spmem:s1] =	stream.indirect.scatter.add.f32 [tilespmem:s17], [sflag:$0x3], $0x80, s29, s16, $0xb8;
	[tilespmem:$0x1E400] =	vst v63  }
0x62: {  	_ =	swait.ge [sflag:s14], $0x4000  }
0x63: {  	[sflag:s14] =	ssyncset.done $0x0  }
0x64: {  	s30 =	simm.s32 $0x100;
	[sflag:s14] =	ssyncadd.s32 $0xFFFFC000  }
0x65: {  	[tilespmem:s17], [sflag:$0x1] =	stream.indirect.gather [hbm4b:s4+s16], $0x80, s30, s16, $0xb8;
	[tilespmem:$0x1E400] =	vst v63  }
0x66: {  	_ =	swait.ge [sflag:s20], $0x4000  }
0x67: {  	[sflag:s20] =	ssyncset.done $0x0  }
0x68: {  	s31 =	simm.s32 $0x1480;
	[sflag:s20] =	ssyncadd.s32 $0xFFFFC000  }
0x69: {  	[spmem:s1] =	stream.indirect.scatter.add.f32 [tilespmem:s18], [sflag:$0x3], $0x80, s31, s16, $0xb8;
	[tilespmem:$0x1E400] =	vst v63  }
0x6a: {  	_ =	swait.ge [sflag:s14], $0x4000  }
0x6b: {  	[sflag:s14] =	ssyncset.done $0x0  }
0x6c: {  	s25 =	simm.s32 $0x180;
	s24 =	simm.s32 $0x400;
	[sflag:s14] =	ssyncadd.s32 $0xFFFFC000  }
.LBB2_4:
0x6d: {  	[tilespmem:s18], [sflag:$0x2] =	stream.indirect.gather [hbm4b:s4+s16], $0x80, s25, s16, $0xb8;
	[tilespmem:$0x1E400] =	vst v63  }
0x6e: {  	s25 =	smov.u32 s24  }
0x6f: {  	p0 =	sne.s32 s24, $0x4800;
	s24 =	sadd.s32 $0x400, s24;
	_ =	swait.ge [sflag:s19], $0x4000  }
0x70: {  	s25 =	sshra.s32 s25, $0x2;
	[sflag:s19] =	ssyncset.done $0x0  }
0x71: {  	s26 =	sadd.s32 $0x1400, s25;
	[sflag:s19] =	ssyncadd.s32 $0xFFFFC000  }
0x72: {  	[spmem:s1] =	stream.indirect.scatter.add.f32 [tilespmem:s17], [sflag:$0x3], $0x80, s26, s16, $0xb8;
	[tilespmem:$0x1E400] =	vst v63  }
0x73: {  	_ =	swait.ge [sflag:s14], $0x4000  }
0x74: {  	[sflag:s14] =	ssyncset.done $0x0  }
0x75: {  	s26 =	sadd.s32 $0x100, s25;
	[sflag:s14] =	ssyncadd.s32 $0xFFFFC000  }
0x76: {  	[tilespmem:s17], [sflag:$0x1] =	stream.indirect.gather [hbm4b:s4+s16], $0x80, s26, s16, $0xb8;
	[tilespmem:$0x1E400] =	vst v63  }
0x77: {  	_ =	swait.ge [sflag:s20], $0x4000  }
0x78: {  	[sflag:s20] =	ssyncset.done $0x0  }
.Ltmp1:
0x79: {  	s26 =	sadd.s32 $0x1480, s25;
	[sflag:s20] =	ssyncadd.s32 $0xFFFFC000;
	(pc) =	sbr.rel @p0 .LBB2_4-.Ltmp1, $4  }
0x7a: {  	[spmem:s1] =	stream.indirect.scatter.add.f32 [tilespmem:s18], [sflag:$0x3], $0x80, s26, s16, $0xb8;
	[tilespmem:$0x1E400] =	vst v63  }
0x7b: {  	_ =	swait.ge [sflag:s14], $0x4000  }
0x7c: {  	[sflag:s14] =	ssyncset.done $0x0  }
0x7d: {  	s25 =	sadd.s32 $0x180, s25;
	[sflag:s14] =	ssyncadd.s32 $0xFFFFC000  }
0x7e: {  	[tilespmem:s18], [sflag:$0x2] =	stream.indirect.gather [hbm4b:s4+s16], $0x80, s25, s16, $0xb8;
	[tilespmem:$0x1E400] =	vst v63  }
0x7f: {  	_ =	swait.ge [sflag:s19], $0x4000  }
0x80: {  	[sflag:s19] =	ssyncset.done $0x0  }
0x81: {  	[sflag:s19] =	ssyncadd.s32 $0xFFFFC000  }
0x82: {  	[spmem:s1] =	stream.indirect.scatter.add.f32 [tilespmem:s17], [sflag:$0x3], $0x80, s21, s16, $0xb8;
	[tilespmem:$0x1E400] =	vst v63  }
0x83: {  	_ =	swait.ge [sflag:s14], $0x4000  }
0x84: {  	[sflag:s14] =	ssyncset.done $0x0  }
0x85: {  	[sflag:s14] =	ssyncadd.s32 $0xFFFFC000  }
0x86: {  	_ =	swait.ge [sflag:s20], $0x4000  }
0x87: {  	[sflag:s20] =	ssyncset.done $0x0  }
0x88: {  	[sflag:s20] =	ssyncadd.s32 $0xFFFFC000  }
0x89: {  	[spmem:s1] =	stream.indirect.scatter.add.f32 [tilespmem:s18], [sflag:$0x3], $0x80, s22, s16, $0xb8;
	[tilespmem:$0x1E400] =	vst v63  }
0x8a: {  	_ =	swait.ge [sflag:s14], $0x4000  }
0x8b: {  	s23 =	sadd.s32 $0x1, s23;
	[sflag:s14] =	ssyncset.done $0x0  }
0x8c: {  	p0 =	sne.s32 s23, s12;
	[sflag:s14] =	ssyncadd.s32 $0xFFFFC000  }
.Ltmp2:
0x8d: {  	[bflag:$0x0] =	sbarrier.arrive $0xFFFF;
	(pc) =	sbr.rel @p0 .LBB2_1-.Ltmp2, $4  }
0x8e: {  	[hbm:s11], [sflag:s6] =	dma.local [spmem:s13], $0x2780  }
0x8f: {  	_ =	swait.ge [sflag:s14], $0x2780  }
0x90: {  	[sflag:s14] =	ssyncset.done $0x0  }
0x91: {  	[sflag:s14] =	ssyncadd.s32 $0xFFFFD880  }
0x92: {  	_ =	sfence.sel $0x180000  }
0x93: {  	[bflag:$0x0] =	sbarrier.arrive $0xFFFF  }
0x94: {  	p0 =	sne.s32 s3, $0x0;
	_ =	strace $0x9000004A  }
0x95: {  	s0 =	sadd.s32 @!p0 $0x100000, s0;
	[bflag:$0x2] =	sbarrier.arrive $0xFFFF  }
0x96: {  	[sflag:s0] =	ssyncadd.tile.s32 @!p0 $0x1;
	_ =	shalt  }
.Lfunc_end2:
_tile_overlayer_lowered:
.L_overlay_start_2:
0x97: {  	(tag) =	ssettag $0x2  }
0x98: {  	s0 =	rddreg [dreg:$0x0];
	s2 =	stileid.u32  }
0x99: {  	s1 =	rddreg [dreg:$0x1];
	p0 =	sne.s32 s2, $0x0  }
0x9a: {  	s3 =	rddreg [dreg:$0x2];
	[bflag:$0x3] =	sbarrier.arrive $0xFFFF;
	s2 =	simm.s32 @!p0 $0x1C03  }
0x9b: {  	[timem:s3], [sflag:s2] =	dma.local @!p0 [hbm:s0], s1  }
0x9c: {  	s0 =	simm.s32 @!p0 $0x3  }
0x9d: {  	_ =	swait.ge @!p0 [sflag:s0], s1  }
0x9e: {  	s1 =	ssub.s32 @!p0 $0x0, s1;
	[sflag:s0] =	ssyncset.done @!p0 $0x0  }
0x9f: {  	[sflag:s0] =	ssyncadd.s32 @!p0 s1  }
0xa0: {  	[bflag:$0x3] =	sbarrier.arrive $0xFFFF  }
0xa1: {  	_ =	shalt  }

// kernel: kernel.26.cloned.1.call-start
scs
__scs_entry_jumppad:
0x0: {  	(pc) =	sbr.rel $0x88, $3  }
0x1: {  	(tag) =	ssettag $0x0;
	lr =	simm.s32 $0x1  }
0x2: {  	[smem:$0x3F7F] =	sst lr;
	_ =	strace $0xD0000000  }
0x3: {  	_ = 	snop  }
0x4: {  	_ = 	snop  }
0x5: {  	_ = 	snop  }
0x6: {  	_ = 	snop  }
0x7: {  	_ = 	snop  }
__scs_overlays_trampoline_lowered:
0x8: {  	[smem:$0x3F8E] =	sst s0  }
0x9: {  	[smem:$0x3F8F] =	sst s1  }
0xa: {  	[smem:$0x3F90] =	sst s2  }
0xb: {  	[smem:$0x3F91] =	sst s3  }
0xc: {  	[smem:$0x3F92] =	sst s4  }
0xd: {  	[smem:$0x3F93] =	sst s5  }
0xe: {  	[smem:$0x3F94] =	sst s6  }
0xf: {  	[smem:$0x3F95] =	sst s7  }
0x10: {  	[smem:$0x3F96] =	sst s8  }
0x11: {  	[smem:$0x3F97] =	sst s9;
	s0 =	simm.s32 @!p0 $0x0  }
0x12: {  	s1 =	sld [smem:$0x3F7D];
	s0 =	simm.s32 @p0 $0x1  }
0x13: {  	[smem:$0x3F98] =	sst s0;
	s0 =	simm.s32 @!p1 $0x0  }
0x14: {  	s2 =	sld [smem:$0x3F7C];
	s0 =	simm.s32 @p1 $0x1  }
0x15: {  	[smem:$0x3F99] =	sst s0;
	s0 =	simm.s32 @!p2 $0x0  }
0x16: {  	s3 =	sld [smem:$0x3FDB];
	s0 =	simm.s32 @p2 $0x1  }
0x17: {  	s4 =	simm.s32 $0x1BF5;
	[smem:$0x3F9B] =	sst s0  }
0x18: {  	s0 =	sld [smem:$0x3F7E];
	_ =	swait.ge [sflag:s4], $0x0  }
0x19: {  	s7 =	sld [smem:$0x3F7F]  }
0x1a: {  	s8 =	sadd.s32 $0xFFFFE003, lr  }
0x1b: {  	s9 =	sadd.s32 $0xFFFFFEF7, lr;
	s5 =	simm.s32 $0xFFFFFFFF;
	p2 =	slt.u32 s8, $0xFFFFF086  }
0x1c: {  	p1 =	slt.u32 s9, $0xF7A;
	s5 =	simm.s32 @!p2 $0x0  }
0x1d: {  	s5 =	simm.s32 @p1 $0x1;
	p0 =	seq.s32 s7, s2  }
0x1e: {  	s7 =	smul.u32 @!p0 $0xF7A, s2;
	p2 =	seq.s32 @!p0 s5, $0x0  }
0x1f: {  	s9 =	smul.u32 $0xF7A, s1;
	s8 =	simm.s32 @!p0 $0x1BF5;
	p2 =	por !p2, p0  }
0x20: {  	[sflag:s8] =	ssyncset.s32 @!p0 $0xFFFFF086;
	s6 =	sadd.s32 @!p0 s3, s7;
	s7 =	simm.s32 @!p0 $0x108  }
0x21: {  	s3 =	sadd.s32 s3, s9;
	s6 =	sadd.s32 @!p0 $0x88, s6;
	s7 =	simm.s32 @p2 $0x1082  }
0x22: {  	[simem:s7], [sflag:s8] =	dma.local @!p0 [hbm:s6], $0xF7A  }
0x23: {  	s9 =	sor.u32 $0xD0000000, s2;
	s6 =	simm.s32 $0x108;
	_ =	swait.ge @!p0 [sflag:s8], $0x0  }
0x24: {  	s3 =	sadd.s32 $0x88, s3;
	s6 =	simm.s32 @!p1 $0x1082;
	[sflag:s4] =	ssyncset.s32 $0xFFFFF086  }
0x25: {  	[simem:s6], [sflag:s4] =	dma.local [hbm:s3], $0xF7A  }
0x26: {  	[smem:$0x3F7F] =	sst s1;
	(tag) =	ssettag s2;
	_ =	strace s9  }
0x27: {  	s1 =	sld [smem:$0x3F8F]  }
0x28: {  	s2 =	sld [smem:$0x3F90]  }
0x29: {  	s4 =	sld [smem:$0x3F92]  }
0x2a: {  	p0 =	seq.s32 s5, $0x0;
	s5 =	sld [smem:$0x3F93]  }
0x2b: {  	s6 =	sld [smem:$0x3F94]  }
0x2c: {  	s7 =	sld [smem:$0x3F95]  }
0x2d: {  	s3 =	simm.s32 $0x108;
	s8 =	sld [smem:$0x3F96]  }
0x2e: {  	s3 =	simm.s32 @!p0 $0x1082;
	s9 =	sld [smem:$0x3F97]  }
0x2f: {  	lr =	sadd.s32 s0, s3;
	s0 =	sld [smem:$0x3F8E]  }
0x30: {  	s3 =	sld [smem:$0x3F91]  }
0x31: {  	[smem:$0x3F9A] =	sst s10  }
0x32: {  	s10 =	sld [smem:$0x3F98];
	_ =	sdelay $0x3  }
0x33: {  	p0 =	seq.s32 s10, $0x1;
	s10 =	sld [smem:$0x3F9A];
	_ =	sdelay $0x3  }
0x34: {  	[smem:$0x3F9A] =	sst s10  }
0x35: {  	s10 =	sld [smem:$0x3F99];
	_ =	sdelay $0x3  }
0x36: {  	p1 =	seq.s32 s10, $0x1;
	s10 =	sld [smem:$0x3F9A];
	_ =	sdelay $0x3  }
0x37: {  	[smem:$0x3F9A] =	sst s10  }
0x38: {  	s10 =	sld [smem:$0x3F9B]  }
0x39: {  	_ = 	snop;
	(pc) =	sbr.ind lr, $3  }
0x3a: {  	_ = 	snop  }
0x3b: {  	_ = 	snop  }
0x3c: {  	p2 =	seq.s32 s10, $0x1;
	s10 =	sld [smem:$0x3F9A]  }
0x3d: {  	_ =	shalt  }
0x3e: {  	_ =	shalt  }
0x3f: {  	_ =	shalt  }
0x40: {  	_ =	shalt  }
0x41: {  	_ =	shalt  }
0x42: {  	_ =	shalt  }
0x43: {  	_ =	shalt  }
0x44: {  	_ =	shalt  }
0x45: {  	_ =	shalt  }
0x46: {  	_ =	shalt  }
0x47: {  	_ =	shalt  }
0x48: {  	_ =	shalt  }
0x49: {  	_ =	shalt  }
0x4a: {  	_ =	shalt  }
0x4b: {  	_ =	shalt  }
0x4c: {  	_ =	shalt  }
0x4d: {  	_ =	shalt  }
0x4e: {  	_ =	shalt  }
0x4f: {  	_ =	shalt  }
0x50: {  	_ =	shalt  }
0x51: {  	_ =	shalt  }
0x52: {  	_ =	shalt  }
0x53: {  	_ =	shalt  }
0x54: {  	_ =	shalt  }
0x55: {  	_ =	shalt  }
0x56: {  	_ =	shalt  }
0x57: {  	_ =	shalt  }
0x58: {  	_ =	shalt  }
0x59: {  	_ =	shalt  }
0x5a: {  	_ =	shalt  }
0x5b: {  	_ =	shalt  }
0x5c: {  	_ =	shalt  }
0x5d: {  	_ =	shalt  }
0x5e: {  	_ =	shalt  }
0x5f: {  	_ =	shalt  }
0x60: {  	_ =	shalt  }
0x61: {  	_ =	shalt  }
0x62: {  	_ =	shalt  }
0x63: {  	_ =	shalt  }
0x64: {  	_ =	shalt  }
0x65: {  	_ =	shalt  }
0x66: {  	_ =	shalt  }
0x67: {  	_ =	shalt  }
0x68: {  	_ =	shalt  }
0x69: {  	_ =	shalt  }
0x6a: {  	_ =	shalt  }
0x6b: {  	_ =	shalt  }
0x6c: {  	_ =	shalt  }
0x6d: {  	_ =	shalt  }
0x6e: {  	_ =	shalt  }
0x6f: {  	_ =	shalt  }
0x70: {  	_ =	shalt  }
0x71: {  	_ =	shalt  }
0x72: {  	_ =	shalt  }
0x73: {  	_ =	shalt  }
0x74: {  	_ =	shalt  }
0x75: {  	_ =	shalt  }
0x76: {  	_ =	shalt  }
0x77: {  	_ =	shalt  }
0x78: {  	_ =	shalt  }
0x79: {  	_ =	shalt  }
0x7a: {  	_ =	shalt  }
0x7b: {  	_ =	shalt  }
0x7c: {  	_ =	shalt  }
0x7d: {  	_ =	shalt  }
0x7e: {  	_ =	shalt  }
0x7f: {  	_ =	shalt  }
0x80: {  	_ =	shalt  }
0x81: {  	_ =	shalt  }
0x82: {  	_ =	shalt  }
0x83: {  	_ =	shalt  }
0x84: {  	_ =	shalt  }
0x85: {  	_ =	shalt  }
0x86: {  	_ =	shalt  }
0x87: {  	_ =	shalt  }
.Lfunc_end0:
.L_simem_size_0:
called_computation.2_lowered:
.L_overlay_start_0:
0x88: {  	s2 =	sld [smem:$0x3FD9]  }
0x89: {  	s3 =	sld [smem:$0x3FFE];
	_ =	sdelay $0x1  }
0x8a: {  	s1 =	srdreg.scid  }
0x8b: {  	s0 =	sand.u32 $0x1, s1  }
0x8c: {  	s16 =	sshll.u32 s0, $0xA;
	s2 =	sadd.s32 s3, s2  }
0x8d: {  	s2 =	sadd.s32 s2, s16  }
0x8e: {  	[smem:$0x3FA6] =	sst s2  }
0x8f: {  	_ = 	snop  }
0x90: {  	(tm) =	ssettm $0x1  }
0x91: {  	s17 =	sld [smem:$0x3FFB];
	_ =	sdelay $0x3  }
0x92: {  	_ =	strace s17  }
0x93: {  	s2 =	sld [smem:$0x3FFC];
	_ =	sdelay $0x3  }
0x94: {  	_ =	strace s2  }
0x95: {  	s2 =	sld [smem:$0x3FFD];
	_ =	sdelay $0x3  }
0x96: {  	_ =	strace s2  }
0x97: {  	_ =	strace $0x8FFFFFFF  }
0x98: {  	s18 =	sld [smem:$0x3FDB];
	_ =	sdelay $0x1  }
0x99: {  	s19 =	simm.s32 $_scs_section_size  }
0x9a: {  	s4 =	simm.s32 $_size__tile_overlayer_lowered;
	s5 =	simm.s32 $_tile_overlayer_lowered  }
0x9b: {  	s22 =	simm.s32 $0x1BFF;
	s21 =	sshll.u32 s5, $0x1;
	s2 =	sadd.s32 s19, s18  }
0x9c: {  	s6 =	simm.s32 $0x0;
	s20 =	sshll.u32 s4, $0x1;
	s4 =	sadd.s32 s21, s2  }
0x9d: {  	[timem:s6], [sflag:s22] =	dma.local [hbm:s4], s20  }
0x9e: {  	_ =	swait.ge [sflag:s22], s20  }
0x9f: {  	s3 =	ssub.s32 $0x0, s20;
	[sflag:s22] =	ssyncset.done $0x0  }
0xa0: {  	[sflag:s22] =	ssyncadd.s32 s3;
	_ =	sdelay $0x1  }
0xa1: {  	s23 =	simm.s32 $0x1B8B  }
0xa2: {  	_ =	swait.ge [sflag:s23], $0x1  }
0xa3: {  	[sflag:s23] =	ssyncset.done $0x0  }
0xa4: {  	s25 =	simm.s32 $0x1B8E;
	s24 =	sld [smem:$0x3FFE];
	[sflag:s23] =	ssyncadd.s32 $0xFFFFFFFF  }
0xa5: {  	s26 =	simm.s32 $execute0_lowered;
	[smem:$0x3FD2] =	sst s25  }
0xa6: {  	s4 =	sshll.u32 s26, $0x1;
	_ =	strace $0x8000004C;
	[dreg:$0x1] =	wrdreg $0xFFFFFFFF  }
0xa7: {  	s28 =	simm.s32 $_size_execute0_lowered;
	s2 =	sadd.s32 s2, s4;
	[dreg:$0x0] =	wrdreg $0x0  }
0xa8: {  	s4 =	sshll.u32 s28, $0x1;
	[dreg:$0x2] =	wrdreg s2  }
0xa9: {  	[dreg:$0x3] =	wrdreg s4  }
0xaa: {  	[dreg:$0x4] =	wrdreg $0xC0  }
0xab: {  	_ =	task [dreg:s6], $0x5FFFF  }
0xac: {  	[dreg:$0x1] =	wrdreg $0xFFFFFFFF  }
0xad: {  	[dreg:$0x0] =	wrdreg $0x60  }
0xae: {  	[dreg:$0x2] =	wrdreg s24  }
0xaf: {  	[dreg:$0x3] =	wrdreg $0xA8000  }
0xb0: {  	[dreg:$0x4] =	wrdreg $0x9  }
0xb1: {  	_ =	task.clear_ibuf [dreg:s6], $0x5FFFF;
	_ =	strace $0x9000004C  }
0xb2: {  	s29 =	simm.s32 $0x9;
	_ =	strace $0x8000004E  }
0xb3: {  	_ =	swait.ge [sflag:s29], $0x1  }
0xb4: {  	[sflag:s29] =	ssyncadd.s32 $0xFFFFFFFF  }
0xb5: {  	_ =	strace $0x9000004E  }
0xb6: {  	_ =	sfence  }
0xb7: {  	s30 =	sld [smem:$0x0];
	_ =	sdelay $0x2  }
0xb8: {  	s31 =	sshll.u32 s1, $0xD;
	s1 =	sshrl.u32 s1, $0x2  }
0xb9: {  	s3 =	sand.u32 $0x4000, s31;
	s1 =	sadd.s32 s1, s30  }
0xba: {  	s0 =	sor.u32 s3, s0;
	s1 =	sshll.u32 s1, $0x11  }
0xbb: {  	s0 =	sor.u32 s1, s0  }
0xbc: {  	s0 =	sadd.s32 $0x8F2B, s0  }
0xbd: {  	[sflag:s0] =	ssyncadd.remote.s32 $0x1  }
0xbe: {  	_ =	sfence.sel $0xFFFF  }
0xbf: {  	[dreg:$0x0] =	wrdreg $0xFFFFFFFF;
	(pc) =	sbr.abs _section_cstart, $3  }
0xc0: {  	[dreg:$0x1] =	wrdreg $0xFFFFFFFF  }
0xc1: {  	_ =	task.clear_ibuf [dreg:s6], $0x2FFFF;
	_ =	strace $0x9FFFFFFF  }
0xc2: {  	(tm) =	ssettm $0x7FFFFFFF  }
0xc3: {  	_ =	shalt  }
tec
execute0_lowered:
.L_overlay_start_1:
0x0: {  	(tag) =	ssettag $0x1  }
0x1: {  	s6 =	rddreg [dreg:$0x0]  }
0x2: {  	s1 =	rddreg [dreg:$0x1]  }
0x3: {  	s0 =	rddreg [dreg:$0x2];
	s2 =	simm.s32 $0x0  }
0x4: {  	s3 =	srdreg.scid;
	s18 =	simm.s32 $0x6800;
	s19 =	simm.s32 $0x1  }
0x5: {  	s20 =	simm.s32 $0x2;
	[smem:$0x7FF] =	sst s2;
	s7 =	sand.u32 $0x1, s3  }
0x6: {  	s21 =	simm.s32 $0x2700;
	s3 =	stileid.u32;
	s8 =	smul.u32 $0x13C000, s7  }
0x7: {  	s4 =	sadd.s32 $0x37200, s6;
	s9 =	sadd.s32 $0xFB400, s6;
	s10 =	smul.u32 $0x13C00, s3  }
0x8: {  	s11 =	sadd.s32 $0x8800, s6;
	s5 =	sadd.s32 $0xD800, s6;
	s12 =	smul.u32 $0x4F000, s3  }
0x9: {  	_ =	strace $0x8000004D;
	s22 =	ssub.s32 $0x2, s7;
	s13 =	smul.u32 $0x28000, s7  }
0xa: {  	s14 =	smul.u32 $0x2800, s3;
	s26 =	sshll.u32 s3, $0x6;
	s24 =	sshrl.u32 s22, $0x1  }
0xb: {  	s8 =	sadd.s32 s10, s8;
	s16 =	ssub.s32 s22, s24;
	s25 =	sshrl.u32 s12, $0x2  }
0xc: {  	s28 =	sadd.s32 s14, s13;
	s29 =	sadd.s32 $0x1400, s14;
	s30 =	sshrl.u32 s14, $0x3  }
0xd: {  	s14 =	simm.s32 $0x3;
	s22 =	simm.s32 $0x2780;
	s23 =	sshrl.u32 s8, $0x3  }
0xe: {  	s17 =	sadd.s32 s25, s1;
	s7 =	sshrl.u32 s28, $0x3;
	s31 =	sadd.s32 s13, s29  }
0xf: {  	s8 =	sadd.s32 s11, s30;
	s10 =	sshrl.u32 s29, $0x3;
	s15 =	sadd.s32 s23, s6  }
0x10: {  	s6 =	sor.u32 $0x1C03, s26;
	s7 =	sadd.s32 s9, s7;
	s12 =	sshrl.u32 s31, $0x3  }
0x11: {  	s10 =	sadd.s32 s11, s10;
	s13 =	sshrl.u32 s17, $0x3;
	s17 =	simm.s32 $0x2800  }
0x12: {  	s23 =	simm.s32 $0x0;
	s9 =	sadd.s32 s9, s12;
	s11 =	sadd.s32 $0x105400, s15  }
0x13: {  	s12 =	smax.u32 s16, $0x1;
	s15 =	simm.s32 $0x1400;
	s16 =	simm.s32 $0x80  }
.LBB2_1:
0x14: {  	[spmem:s13], [sflag:s6] =	dma.local [hbm:s5], $0x2780  }
0x15: {  	_ =	swait.ge [sflag:s14], $0x2780  }
0x16: {  	[sflag:s14] =	ssyncset.done $0x0  }
0x17: {  	[sflag:s14] =	ssyncadd.s32 $0xFFFFD880  }
0x18: {  	[bflag:$0x0] =	sbarrier.arrive $0xFFFF  }
0x19: {  	[tilespmem:s2], [sflag:$0x3] =	stream.linear.gather [hbm4b:s7+s2], $0x1400, $0x38;
	[tilespmem:$0x1E400] =	vst v63  }
0x1a: {  	_ =	swait.ge [sflag:s14], $0x1400  }
0x1b: {  	[sflag:s14] =	ssyncset.done $0x0  }
0x1c: {  	[sflag:s14] =	ssyncadd.s32 $0xFFFFEC00  }
0x1d: {  	[tilespmem:s15], [sflag:$0x3] =	stream.linear.gather [hbm4b:s8+s2], $0x1400, $0x38;
	[tilespmem:$0x1E400] =	vst v63  }
0x1e: {  	_ =	swait.ge [sflag:s14], $0x1400  }
0x1f: {  	[sflag:s14] =	ssyncset.done $0x0  }
0x20: {  	[sflag:s14] =	ssyncadd.s32 $0xFFFFEC00  }
0x21: {  	[tilespmem:s17], [sflag:$0x1] =	stream.indirect.gather [hbm4b:s4+s16], $0x80, s2, s16, $0xb8;
	[tilespmem:$0x1E400] =	vst v63  }
0x22: {  	_ = 	snop  }
0x23: {  	[tilespmem:s18], [sflag:$0x2] =	stream.indirect.gather [hbm4b:s4+s16], $0x80, s16, s16, $0xb8;
	[tilespmem:$0x1E400] =	vst v63  }
0x24: {  	_ =	swait.ge [sflag:s19], $0x4000  }
0x25: {  	[sflag:s19] =	ssyncset.done $0x0  }
0x26: {  	s24 =	simm.s32 $0x1400;
	[sflag:s19] =	ssyncadd.s32 $0xFFFFC000  }
0x27: {  	[spmem:s1] =	stream.indirect.scatter.add.f32 [tilespmem:s17], [sflag:$0x3], $0x80, s24, s16, $0xb8;
	[tilespmem:$0x1E400] =	vst v63  }
0x28: {  	_ =	swait.ge [sflag:s14], $0x4000  }
0x29: {  	[sflag:s14] =	ssyncset.done $0x0  }
0x2a: {  	s30 =	simm.s32 $0x100;
	[sflag:s14] =	ssyncadd.s32 $0xFFFFC000  }
0x2b: {  	[tilespmem:s17], [sflag:$0x1] =	stream.indirect.gather [hbm4b:s4+s16], $0x80, s30, s16, $0xb8;
	[tilespmem:$0x1E400] =	vst v63  }
0x2c: {  	_ =	swait.ge [sflag:s20], $0x4000  }
0x2d: {  	[sflag:s20] =	ssyncset.done $0x0  }
0x2e: {  	s31 =	simm.s32 $0x1480;
	[sflag:s20] =	ssyncadd.s32 $0xFFFFC000  }
0x2f: {  	[spmem:s1] =	stream.indirect.scatter.add.f32 [tilespmem:s18], [sflag:$0x3], $0x80, s31, s16, $0xb8;
	[tilespmem:$0x1E400] =	vst v63  }
0x30: {  	_ =	swait.ge [sflag:s14], $0x4000  }
0x31: {  	[sflag:s14] =	ssyncset.done $0x0  }
0x32: {  	s25 =	simm.s32 $0x180;
	s24 =	simm.s32 $0x400;
	[sflag:s14] =	ssyncadd.s32 $0xFFFFC000  }
.LBB2_2:
0x33: {  	[tilespmem:s18], [sflag:$0x2] =	stream.indirect.gather [hbm4b:s4+s16], $0x80, s25, s16, $0xb8;
	[tilespmem:$0x1E400] =	vst v63  }
0x34: {  	s25 =	smov.u32 s24  }
0x35: {  	p0 =	sne.s32 s24, $0x4800;
	s24 =	sadd.s32 $0x400, s24;
	_ =	swait.ge [sflag:s19], $0x4000  }
0x36: {  	s25 =	sshra.s32 s25, $0x2;
	[sflag:s19] =	ssyncset.done $0x0  }
0x37: {  	s26 =	sadd.s32 $0x1400, s25;
	[sflag:s19] =	ssyncadd.s32 $0xFFFFC000  }
0x38: {  	[spmem:s1] =	stream.indirect.scatter.add.f32 [tilespmem:s17], [sflag:$0x3], $0x80, s26, s16, $0xb8;
	[tilespmem:$0x1E400] =	vst v63  }
0x39: {  	_ =	swait.ge [sflag:s14], $0x4000  }
0x3a: {  	[sflag:s14] =	ssyncset.done $0x0  }
0x3b: {  	s26 =	sadd.s32 $0x100, s25;
	[sflag:s14] =	ssyncadd.s32 $0xFFFFC000  }
0x3c: {  	[tilespmem:s17], [sflag:$0x1] =	stream.indirect.gather [hbm4b:s4+s16], $0x80, s26, s16, $0xb8;
	[tilespmem:$0x1E400] =	vst v63  }
0x3d: {  	_ =	swait.ge [sflag:s20], $0x4000  }
0x3e: {  	[sflag:s20] =	ssyncset.done $0x0  }
.Ltmp0:
0x3f: {  	s26 =	sadd.s32 $0x1480, s25;
	[sflag:s20] =	ssyncadd.s32 $0xFFFFC000;
	(pc) =	sbr.rel @p0 .LBB2_2-.Ltmp0, $4  }
0x40: {  	[spmem:s1] =	stream.indirect.scatter.add.f32 [tilespmem:s18], [sflag:$0x3], $0x80, s26, s16, $0xb8;
	[tilespmem:$0x1E400] =	vst v63  }
0x41: {  	_ =	swait.ge [sflag:s14], $0x4000  }
0x42: {  	[sflag:s14] =	ssyncset.done $0x0  }
0x43: {  	s25 =	sadd.s32 $0x180, s25;
	[sflag:s14] =	ssyncadd.s32 $0xFFFFC000  }
0x44: {  	[tilespmem:s18], [sflag:$0x2] =	stream.indirect.gather [hbm4b:s4+s16], $0x80, s25, s16, $0xb8;
	[tilespmem:$0x1E400] =	vst v63  }
0x45: {  	_ =	swait.ge [sflag:s19], $0x4000  }
0x46: {  	[sflag:s19] =	ssyncset.done $0x0  }
0x47: {  	[sflag:s19] =	ssyncadd.s32 $0xFFFFC000  }
0x48: {  	[spmem:s1] =	stream.indirect.scatter.add.f32 [tilespmem:s17], [sflag:$0x3], $0x80, s21, s16, $0xb8;
	[tilespmem:$0x1E400] =	vst v63  }
0x49: {  	_ =	swait.ge [sflag:s14], $0x4000  }
0x4a: {  	[sflag:s14] =	ssyncset.done $0x0  }
0x4b: {  	[sflag:s14] =	ssyncadd.s32 $0xFFFFC000  }
0x4c: {  	_ =	swait.ge [sflag:s20], $0x4000  }
0x4d: {  	[sflag:s20] =	ssyncset.done $0x0  }
0x4e: {  	[sflag:s20] =	ssyncadd.s32 $0xFFFFC000  }
0x4f: {  	[spmem:s1] =	stream.indirect.scatter.add.f32 [tilespmem:s18], [sflag:$0x3], $0x80, s22, s16, $0xb8;
	[tilespmem:$0x1E400] =	vst v63  }
0x50: {  	_ =	swait.ge [sflag:s14], $0x4000  }
0x51: {  	[sflag:s14] =	ssyncset.done $0x0  }
0x52: {  	s24 =	simm.s32 $0x0;
	[sflag:s14] =	ssyncadd.s32 $0xFFFFC000  }
0x53: {  	[tilespmem:s24], [sflag:$0x3] =	stream.linear.gather [hbm4b:s9+s24], $0x1400, $0x38;
	[tilespmem:$0x1E400] =	vst v63  }
0x54: {  	_ =	swait.ge [sflag:s14], $0x1400  }
0x55: {  	[sflag:s14] =	ssyncset.done $0x0  }
0x56: {  	[sflag:s14] =	ssyncadd.s32 $0xFFFFEC00  }
0x57: {  	[tilespmem:s15], [sflag:$0x3] =	stream.linear.gather [hbm4b:s10+s24], $0x1400, $0x38;
	[tilespmem:$0x1E400] =	vst v63  }
0x58: {  	_ =	swait.ge [sflag:s14], $0x1400  }
0x59: {  	[sflag:s14] =	ssyncset.done $0x0  }
0x5a: {  	[sflag:s14] =	ssyncadd.s32 $0xFFFFEC00  }
0x5b: {  	[tilespmem:s17], [sflag:$0x1] =	stream.indirect.gather [hbm4b:s4+s16], $0x80, s24, s16, $0xb8;
	[tilespmem:$0x1E400] =	vst v63  }
0x5c: {  	_ = 	snop  }
0x5d: {  	[tilespmem:s18], [sflag:$0x2] =	stream.indirect.gather [hbm4b:s4+s16], $0x80, s16, s16, $0xb8;
	[tilespmem:$0x1E400] =	vst v63  }
0x5e: {  	_ =	swait.ge [sflag:s19], $0x4000  }
0x5f: {  	[sflag:s19] =	ssyncset.done $0x0  }
0x60: {  	s29 =	simm.s32 $0x1400;
	[sflag:s19] =	ssyncadd.s32 $0xFFFFC000  }
0x61: {  	[spmem:s1] =	stream.indirect.scatter.add.f32 [tilespmem:s17], [sflag:$0x3], $0x80, s29, s16, $0xb8;
	[tilespmem:$0x1E400] =	vst v63  }
0x62: {  	_ =	swait.ge [sflag:s14], $0x4000  }
0x63: {  	[sflag:s14] =	ssyncset.done $0x0  }
0x64: {  	s30 =	simm.s32 $0x100;
	[sflag:s14] =	ssyncadd.s32 $0xFFFFC000  }
0x65: {  	[tilespmem:s17], [sflag:$0x1] =	stream.indirect.gather [hbm4b:s4+s16], $0x80, s30, s16, $0xb8;
	[tilespmem:$0x1E400] =	vst v63  }
0x66: {  	_ =	swait.ge [sflag:s20], $0x4000  }
0x67: {  	[sflag:s20] =	ssyncset.done $0x0  }
0x68: {  	s31 =	simm.s32 $0x1480;
	[sflag:s20] =	ssyncadd.s32 $0xFFFFC000  }
0x69: {  	[spmem:s1] =	stream.indirect.scatter.add.f32 [tilespmem:s18], [sflag:$0x3], $0x80, s31, s16, $0xb8;
	[tilespmem:$0x1E400] =	vst v63  }
0x6a: {  	_ =	swait.ge [sflag:s14], $0x4000  }
0x6b: {  	[sflag:s14] =	ssyncset.done $0x0  }
0x6c: {  	s25 =	simm.s32 $0x180;
	s24 =	simm.s32 $0x400;
	[sflag:s14] =	ssyncadd.s32 $0xFFFFC000  }
.LBB2_4:
0x6d: {  	[tilespmem:s18], [sflag:$0x2] =	stream.indirect.gather [hbm4b:s4+s16], $0x80, s25, s16, $0xb8;
	[tilespmem:$0x1E400] =	vst v63  }
0x6e: {  	s25 =	smov.u32 s24  }
0x6f: {  	p0 =	sne.s32 s24, $0x4800;
	s24 =	sadd.s32 $0x400, s24;
	_ =	swait.ge [sflag:s19], $0x4000  }
0x70: {  	s25 =	sshra.s32 s25, $0x2;
	[sflag:s19] =	ssyncset.done $0x0  }
0x71: {  	s26 =	sadd.s32 $0x1400, s25;
	[sflag:s19] =	ssyncadd.s32 $0xFFFFC000  }
0x72: {  	[spmem:s1] =	stream.indirect.scatter.add.f32 [tilespmem:s17], [sflag:$0x3], $0x80, s26, s16, $0xb8;
	[tilespmem:$0x1E400] =	vst v63  }
0x73: {  	_ =	swait.ge [sflag:s14], $0x4000  }
0x74: {  	[sflag:s14] =	ssyncset.done $0x0  }
0x75: {  	s26 =	sadd.s32 $0x100, s25;
	[sflag:s14] =	ssyncadd.s32 $0xFFFFC000  }
0x76: {  	[tilespmem:s17], [sflag:$0x1] =	stream.indirect.gather [hbm4b:s4+s16], $0x80, s26, s16, $0xb8;
	[tilespmem:$0x1E400] =	vst v63  }
0x77: {  	_ =	swait.ge [sflag:s20], $0x4000  }
0x78: {  	[sflag:s20] =	ssyncset.done $0x0  }
.Ltmp1:
0x79: {  	s26 =	sadd.s32 $0x1480, s25;
	[sflag:s20] =	ssyncadd.s32 $0xFFFFC000;
	(pc) =	sbr.rel @p0 .LBB2_4-.Ltmp1, $4  }
0x7a: {  	[spmem:s1] =	stream.indirect.scatter.add.f32 [tilespmem:s18], [sflag:$0x3], $0x80, s26, s16, $0xb8;
	[tilespmem:$0x1E400] =	vst v63  }
0x7b: {  	_ =	swait.ge [sflag:s14], $0x4000  }
0x7c: {  	[sflag:s14] =	ssyncset.done $0x0  }
0x7d: {  	s25 =	sadd.s32 $0x180, s25;
	[sflag:s14] =	ssyncadd.s32 $0xFFFFC000  }
0x7e: {  	[tilespmem:s18], [sflag:$0x2] =	stream.indirect.gather [hbm4b:s4+s16], $0x80, s25, s16, $0xb8;
	[tilespmem:$0x1E400] =	vst v63  }
0x7f: {  	_ =	swait.ge [sflag:s19], $0x4000  }
0x80: {  	[sflag:s19] =	ssyncset.done $0x0  }
0x81: {  	[sflag:s19] =	ssyncadd.s32 $0xFFFFC000  }
0x82: {  	[spmem:s1] =	stream.indirect.scatter.add.f32 [tilespmem:s17], [sflag:$0x3], $0x80, s21, s16, $0xb8;
	[tilespmem:$0x1E400] =	vst v63  }
0x83: {  	_ =	swait.ge [sflag:s14], $0x4000  }
0x84: {  	[sflag:s14] =	ssyncset.done $0x0  }
0x85: {  	[sflag:s14] =	ssyncadd.s32 $0xFFFFC000  }
0x86: {  	_ =	swait.ge [sflag:s20], $0x4000  }
0x87: {  	[sflag:s20] =	ssyncset.done $0x0  }
0x88: {  	[sflag:s20] =	ssyncadd.s32 $0xFFFFC000  }
0x89: {  	[spmem:s1] =	stream.indirect.scatter.add.f32 [tilespmem:s18], [sflag:$0x3], $0x80, s22, s16, $0xb8;
	[tilespmem:$0x1E400] =	vst v63  }
0x8a: {  	_ =	swait.ge [sflag:s14], $0x4000  }
0x8b: {  	s23 =	sadd.s32 $0x1, s23;
	[sflag:s14] =	ssyncset.done $0x0  }
0x8c: {  	p0 =	sne.s32 s23, s12;
	[sflag:s14] =	ssyncadd.s32 $0xFFFFC000  }
.Ltmp2:
0x8d: {  	[bflag:$0x0] =	sbarrier.arrive $0xFFFF;
	(pc) =	sbr.rel @p0 .LBB2_1-.Ltmp2, $4  }
0x8e: {  	[hbm:s11], [sflag:s6] =	dma.local [spmem:s13], $0x2780  }
0x8f: {  	_ =	swait.ge [sflag:s14], $0x2780  }
0x90: {  	[sflag:s14] =	ssyncset.done $0x0  }
0x91: {  	[sflag:s14] =	ssyncadd.s32 $0xFFFFD880  }
0x92: {  	_ =	sfence.sel $0x180000  }
0x93: {  	[bflag:$0x0] =	sbarrier.arrive $0xFFFF  }
0x94: {  	p0 =	sne.s32 s3, $0x0;
	_ =	strace $0x9000004D  }
0x95: {  	s0 =	sadd.s32 @!p0 $0x100000, s0;
	[bflag:$0x2] =	sbarrier.arrive $0xFFFF  }
0x96: {  	[sflag:s0] =	ssyncadd.tile.s32 @!p0 $0x1;
	_ =	shalt  }
.Lfunc_end2:
_tile_overlayer_lowered:
.L_overlay_start_2:
0x97: {  	(tag) =	ssettag $0x2  }
0x98: {  	s0 =	rddreg [dreg:$0x0];
	s2 =	stileid.u32  }
0x99: {  	s1 =	rddreg [dreg:$0x1];
	p0 =	sne.s32 s2, $0x0  }
0x9a: {  	s3 =	rddreg [dreg:$0x2];
	[bflag:$0x3] =	sbarrier.arrive $0xFFFF;
	s2 =	simm.s32 @!p0 $0x1C03  }
0x9b: {  	[timem:s3], [sflag:s2] =	dma.local @!p0 [hbm:s0], s1  }
0x9c: {  	s0 =	simm.s32 @!p0 $0x3  }
0x9d: {  	_ =	swait.ge @!p0 [sflag:s0], s1  }
0x9e: {  	s1 =	ssub.s32 @!p0 $0x0, s1;
	[sflag:s0] =	ssyncset.done @!p0 $0x0  }
0x9f: {  	[sflag:s0] =	ssyncadd.s32 @!p0 s1  }
0xa0: {  	[bflag:$0x3] =	sbarrier.arrive $0xFFFF  }
0xa1: {  	_ =	shalt  }

// kernel: kernel.29.cloned.1.call-start
scs
__scs_entry_jumppad:
0x0: {  	(pc) =	sbr.rel $0x88, $3  }
0x1: {  	(tag) =	ssettag $0x0;
	lr =	simm.s32 $0x1  }
0x2: {  	[smem:$0x3F7F] =	sst lr;
	_ =	strace $0xD0000000  }
0x3: {  	_ = 	snop  }
0x4: {  	_ = 	snop  }
0x5: {  	_ = 	snop  }
0x6: {  	_ = 	snop  }
0x7: {  	_ = 	snop  }
__scs_overlays_trampoline_lowered:
0x8: {  	[smem:$0x3F8E] =	sst s0  }
0x9: {  	[smem:$0x3F8F] =	sst s1  }
0xa: {  	[smem:$0x3F90] =	sst s2  }
0xb: {  	[smem:$0x3F91] =	sst s3  }
0xc: {  	[smem:$0x3F92] =	sst s4  }
0xd: {  	[smem:$0x3F93] =	sst s5  }
0xe: {  	[smem:$0x3F94] =	sst s6  }
0xf: {  	[smem:$0x3F95] =	sst s7  }
0x10: {  	[smem:$0x3F96] =	sst s8  }
0x11: {  	[smem:$0x3F97] =	sst s9;
	s0 =	simm.s32 @!p0 $0x0  }
0x12: {  	s1 =	sld [smem:$0x3F7D];
	s0 =	simm.s32 @p0 $0x1  }
0x13: {  	[smem:$0x3F98] =	sst s0;
	s0 =	simm.s32 @!p1 $0x0  }
0x14: {  	s2 =	sld [smem:$0x3F7C];
	s0 =	simm.s32 @p1 $0x1  }
0x15: {  	[smem:$0x3F99] =	sst s0;
	s0 =	simm.s32 @!p2 $0x0  }
0x16: {  	s3 =	sld [smem:$0x3FDB];
	s0 =	simm.s32 @p2 $0x1  }
0x17: {  	s4 =	simm.s32 $0x1BF5;
	[smem:$0x3F9B] =	sst s0  }
0x18: {  	s0 =	sld [smem:$0x3F7E];
	_ =	swait.ge [sflag:s4], $0x0  }
0x19: {  	s7 =	sld [smem:$0x3F7F]  }
0x1a: {  	s8 =	sadd.s32 $0xFFFFE003, lr  }
0x1b: {  	s9 =	sadd.s32 $0xFFFFFEF7, lr;
	s5 =	simm.s32 $0xFFFFFFFF;
	p2 =	slt.u32 s8, $0xFFFFF086  }
0x1c: {  	p1 =	slt.u32 s9, $0xF7A;
	s5 =	simm.s32 @!p2 $0x0  }
0x1d: {  	s5 =	simm.s32 @p1 $0x1;
	p0 =	seq.s32 s7, s2  }
0x1e: {  	s7 =	smul.u32 @!p0 $0xF7A, s2;
	p2 =	seq.s32 @!p0 s5, $0x0  }
0x1f: {  	s9 =	smul.u32 $0xF7A, s1;
	s8 =	simm.s32 @!p0 $0x1BF5;
	p2 =	por !p2, p0  }
0x20: {  	[sflag:s8] =	ssyncset.s32 @!p0 $0xFFFFF086;
	s6 =	sadd.s32 @!p0 s3, s7;
	s7 =	simm.s32 @!p0 $0x108  }
0x21: {  	s3 =	sadd.s32 s3, s9;
	s6 =	sadd.s32 @!p0 $0x88, s6;
	s7 =	simm.s32 @p2 $0x1082  }
0x22: {  	[simem:s7], [sflag:s8] =	dma.local @!p0 [hbm:s6], $0xF7A  }
0x23: {  	s9 =	sor.u32 $0xD0000000, s2;
	s6 =	simm.s32 $0x108;
	_ =	swait.ge @!p0 [sflag:s8], $0x0  }
0x24: {  	s3 =	sadd.s32 $0x88, s3;
	s6 =	simm.s32 @!p1 $0x1082;
	[sflag:s4] =	ssyncset.s32 $0xFFFFF086  }
0x25: {  	[simem:s6], [sflag:s4] =	dma.local [hbm:s3], $0xF7A  }
0x26: {  	[smem:$0x3F7F] =	sst s1;
	(tag) =	ssettag s2;
	_ =	strace s9  }
0x27: {  	s1 =	sld [smem:$0x3F8F]  }
0x28: {  	s2 =	sld [smem:$0x3F90]  }
0x29: {  	s4 =	sld [smem:$0x3F92]  }
0x2a: {  	p0 =	seq.s32 s5, $0x0;
	s5 =	sld [smem:$0x3F93]  }
0x2b: {  	s6 =	sld [smem:$0x3F94]  }
0x2c: {  	s7 =	sld [smem:$0x3F95]  }
0x2d: {  	s3 =	simm.s32 $0x108;
	s8 =	sld [smem:$0x3F96]  }
0x2e: {  	s3 =	simm.s32 @!p0 $0x1082;
	s9 =	sld [smem:$0x3F97]  }
0x2f: {  	lr =	sadd.s32 s0, s3;
	s0 =	sld [smem:$0x3F8E]  }
0x30: {  	s3 =	sld [smem:$0x3F91]  }
0x31: {  	[smem:$0x3F9A] =	sst s10  }
0x32: {  	s10 =	sld [smem:$0x3F98];
	_ =	sdelay $0x3  }
0x33: {  	p0 =	seq.s32 s10, $0x1;
	s10 =	sld [smem:$0x3F9A];
	_ =	sdelay $0x3  }
0x34: {  	[smem:$0x3F9A] =	sst s10  }
0x35: {  	s10 =	sld [smem:$0x3F99];
	_ =	sdelay $0x3  }
0x36: {  	p1 =	seq.s32 s10, $0x1;
	s10 =	sld [smem:$0x3F9A];
	_ =	sdelay $0x3  }
0x37: {  	[smem:$0x3F9A] =	sst s10  }
0x38: {  	s10 =	sld [smem:$0x3F9B]  }
0x39: {  	_ = 	snop;
	(pc) =	sbr.ind lr, $3  }
0x3a: {  	_ = 	snop  }
0x3b: {  	_ = 	snop  }
0x3c: {  	p2 =	seq.s32 s10, $0x1;
	s10 =	sld [smem:$0x3F9A]  }
0x3d: {  	_ =	shalt  }
0x3e: {  	_ =	shalt  }
0x3f: {  	_ =	shalt  }
0x40: {  	_ =	shalt  }
0x41: {  	_ =	shalt  }
0x42: {  	_ =	shalt  }
0x43: {  	_ =	shalt  }
0x44: {  	_ =	shalt  }
0x45: {  	_ =	shalt  }
0x46: {  	_ =	shalt  }
0x47: {  	_ =	shalt  }
0x48: {  	_ =	shalt  }
0x49: {  	_ =	shalt  }
0x4a: {  	_ =	shalt  }
0x4b: {  	_ =	shalt  }
0x4c: {  	_ =	shalt  }
0x4d: {  	_ =	shalt  }
0x4e: {  	_ =	shalt  }
0x4f: {  	_ =	shalt  }
0x50: {  	_ =	shalt  }
0x51: {  	_ =	shalt  }
0x52: {  	_ =	shalt  }
0x53: {  	_ =	shalt  }
0x54: {  	_ =	shalt  }
0x55: {  	_ =	shalt  }
0x56: {  	_ =	shalt  }
0x57: {  	_ =	shalt  }
0x58: {  	_ =	shalt  }
0x59: {  	_ =	shalt  }
0x5a: {  	_ =	shalt  }
0x5b: {  	_ =	shalt  }
0x5c: {  	_ =	shalt  }
0x5d: {  	_ =	shalt  }
0x5e: {  	_ =	shalt  }
0x5f: {  	_ =	shalt  }
0x60: {  	_ =	shalt  }
0x61: {  	_ =	shalt  }
0x62: {  	_ =	shalt  }
0x63: {  	_ =	shalt  }
0x64: {  	_ =	shalt  }
0x65: {  	_ =	shalt  }
0x66: {  	_ =	shalt  }
0x67: {  	_ =	shalt  }
0x68: {  	_ =	shalt  }
0x69: {  	_ =	shalt  }
0x6a: {  	_ =	shalt  }
0x6b: {  	_ =	shalt  }
0x6c: {  	_ =	shalt  }
0x6d: {  	_ =	shalt  }
0x6e: {  	_ =	shalt  }
0x6f: {  	_ =	shalt  }
0x70: {  	_ =	shalt  }
0x71: {  	_ =	shalt  }
0x72: {  	_ =	shalt  }
0x73: {  	_ =	shalt  }
0x74: {  	_ =	shalt  }
0x75: {  	_ =	shalt  }
0x76: {  	_ =	shalt  }
0x77: {  	_ =	shalt  }
0x78: {  	_ =	shalt  }
0x79: {  	_ =	shalt  }
0x7a: {  	_ =	shalt  }
0x7b: {  	_ =	shalt  }
0x7c: {  	_ =	shalt  }
0x7d: {  	_ =	shalt  }
0x7e: {  	_ =	shalt  }
0x7f: {  	_ =	shalt  }
0x80: {  	_ =	shalt  }
0x81: {  	_ =	shalt  }
0x82: {  	_ =	shalt  }
0x83: {  	_ =	shalt  }
0x84: {  	_ =	shalt  }
0x85: {  	_ =	shalt  }
0x86: {  	_ =	shalt  }
0x87: {  	_ =	shalt  }
.Lfunc_end0:
.L_simem_size_0:
called_computation.3_lowered:
.L_overlay_start_0:
0x88: {  	s2 =	sld [smem:$0x3FD9]  }
0x89: {  	s3 =	sld [smem:$0x3FFE];
	_ =	sdelay $0x1  }
0x8a: {  	s1 =	srdreg.scid  }
0x8b: {  	s0 =	sand.u32 $0x1, s1  }
0x8c: {  	s16 =	sshll.u32 s0, $0xA;
	s2 =	sadd.s32 s3, s2  }
0x8d: {  	s2 =	sadd.s32 s2, s16  }
0x8e: {  	[smem:$0x3FA6] =	sst s2  }
0x8f: {  	_ = 	snop  }
0x90: {  	(tm) =	ssettm $0x1  }
0x91: {  	s17 =	sld [smem:$0x3FFB];
	_ =	sdelay $0x3  }
0x92: {  	_ =	strace s17  }
0x93: {  	s2 =	sld [smem:$0x3FFC];
	_ =	sdelay $0x3  }
0x94: {  	_ =	strace s2  }
0x95: {  	s2 =	sld [smem:$0x3FFD];
	_ =	sdelay $0x3  }
0x96: {  	_ =	strace s2  }
0x97: {  	_ =	strace $0x8FFFFFFF  }
0x98: {  	s18 =	sld [smem:$0x3FDB];
	_ =	sdelay $0x1  }
0x99: {  	s19 =	simm.s32 $_scs_section_size  }
0x9a: {  	s4 =	simm.s32 $_size__tile_overlayer_lowered;
	s5 =	simm.s32 $_tile_overlayer_lowered  }
0x9b: {  	s22 =	simm.s32 $0x1BFF;
	s21 =	sshll.u32 s5, $0x1;
	s2 =	sadd.s32 s19, s18  }
0x9c: {  	s6 =	simm.s32 $0x0;
	s20 =	sshll.u32 s4, $0x1;
	s4 =	sadd.s32 s21, s2  }
0x9d: {  	[timem:s6], [sflag:s22] =	dma.local [hbm:s4], s20  }
0x9e: {  	_ =	swait.ge [sflag:s22], s20  }
0x9f: {  	s3 =	ssub.s32 $0x0, s20;
	[sflag:s22] =	ssyncset.done $0x0  }
0xa0: {  	[sflag:s22] =	ssyncadd.s32 s3;
	_ =	sdelay $0x1  }
0xa1: {  	s23 =	simm.s32 $0x1B8B  }
0xa2: {  	_ =	swait.ge [sflag:s23], $0x1  }
0xa3: {  	[sflag:s23] =	ssyncset.done $0x0  }
0xa4: {  	s25 =	simm.s32 $0x1B8E;
	s24 =	sld [smem:$0x3FFE];
	[sflag:s23] =	ssyncadd.s32 $0xFFFFFFFF  }
0xa5: {  	s26 =	simm.s32 $execute0_lowered;
	[smem:$0x3FD2] =	sst s25  }
0xa6: {  	s4 =	sshll.u32 s26, $0x1;
	_ =	strace $0x8000004F;
	[dreg:$0x1] =	wrdreg $0xFFFFFFFF  }
0xa7: {  	s28 =	simm.s32 $_size_execute0_lowered;
	s2 =	sadd.s32 s2, s4;
	[dreg:$0x0] =	wrdreg $0x0  }
0xa8: {  	s4 =	sshll.u32 s28, $0x1;
	[dreg:$0x2] =	wrdreg s2  }
0xa9: {  	[dreg:$0x3] =	wrdreg s4  }
0xaa: {  	[dreg:$0x4] =	wrdreg $0xC0  }
0xab: {  	_ =	task [dreg:s6], $0x5FFFF  }
0xac: {  	[dreg:$0x1] =	wrdreg $0xFFFFFFFF  }
0xad: {  	[dreg:$0x0] =	wrdreg $0x60  }
0xae: {  	[dreg:$0x2] =	wrdreg s24  }
0xaf: {  	[dreg:$0x3] =	wrdreg $0xA8000  }
0xb0: {  	[dreg:$0x4] =	wrdreg $0x9  }
0xb1: {  	_ =	task.clear_ibuf [dreg:s6], $0x5FFFF;
	_ =	strace $0x9000004F  }
0xb2: {  	s29 =	simm.s32 $0x9;
	_ =	strace $0x80000051  }
0xb3: {  	_ =	swait.ge [sflag:s29], $0x1  }
0xb4: {  	[sflag:s29] =	ssyncadd.s32 $0xFFFFFFFF  }
0xb5: {  	_ =	strace $0x90000051  }
0xb6: {  	_ =	sfence  }
0xb7: {  	s30 =	sld [smem:$0x0];
	_ =	sdelay $0x2  }
0xb8: {  	s31 =	sshll.u32 s1, $0xD;
	s1 =	sshrl.u32 s1, $0x2  }
0xb9: {  	s3 =	sand.u32 $0x4000, s31;
	s1 =	sadd.s32 s1, s30  }
0xba: {  	s0 =	sor.u32 s3, s0;
	s1 =	sshll.u32 s1, $0x11  }
0xbb: {  	s0 =	sor.u32 s1, s0  }
0xbc: {  	s0 =	sadd.s32 $0x8F2B, s0  }
0xbd: {  	[sflag:s0] =	ssyncadd.remote.s32 $0x1  }
0xbe: {  	_ =	sfence.sel $0xFFFF  }
0xbf: {  	[dreg:$0x0] =	wrdreg $0xFFFFFFFF;
	(pc) =	sbr.abs _section_cstart, $3  }
0xc0: {  	[dreg:$0x1] =	wrdreg $0xFFFFFFFF  }
0xc1: {  	_ =	task.clear_ibuf [dreg:s6], $0x2FFFF;
	_ =	strace $0x9FFFFFFF  }
0xc2: {  	(tm) =	ssettm $0x7FFFFFFF  }
0xc3: {  	_ =	shalt  }
tec
execute0_lowered:
.L_overlay_start_1:
0x0: {  	(tag) =	ssettag $0x1  }
0x1: {  	s6 =	rddreg [dreg:$0x0]  }
0x2: {  	s1 =	rddreg [dreg:$0x1]  }
0x3: {  	s0 =	rddreg [dreg:$0x2];
	s2 =	simm.s32 $0x0  }
0x4: {  	s3 =	srdreg.scid;
	s18 =	simm.s32 $0x6800;
	s19 =	simm.s32 $0x1  }
0x5: {  	s20 =	simm.s32 $0x2;
	[smem:$0x7FF] =	sst s2;
	s7 =	sand.u32 $0x1, s3  }
0x6: {  	s21 =	simm.s32 $0x2700;
	s3 =	stileid.u32;
	s8 =	smul.u32 $0x13C000, s7  }
0x7: {  	s4 =	sadd.s32 $0x37200, s6;
	s9 =	sadd.s32 $0xFB400, s6;
	s10 =	smul.u32 $0x13C00, s3  }
0x8: {  	s11 =	sadd.s32 $0x8800, s6;
	s5 =	sadd.s32 $0xD800, s6;
	s12 =	smul.u32 $0x4F000, s3  }
0x9: {  	_ =	strace $0x80000050;
	s22 =	ssub.s32 $0x2, s7;
	s13 =	smul.u32 $0x28000, s7  }
0xa: {  	s14 =	smul.u32 $0x2800, s3;
	s26 =	sshll.u32 s3, $0x6;
	s24 =	sshrl.u32 s22, $0x1  }
0xb: {  	s8 =	sadd.s32 s10, s8;
	s16 =	ssub.s32 s22, s24;
	s25 =	sshrl.u32 s12, $0x2  }
0xc: {  	s28 =	sadd.s32 s14, s13;
	s29 =	sadd.s32 $0x1400, s14;
	s30 =	sshrl.u32 s14, $0x3  }
0xd: {  	s14 =	simm.s32 $0x3;
	s22 =	simm.s32 $0x2780;
	s23 =	sshrl.u32 s8, $0x3  }
0xe: {  	s17 =	sadd.s32 s25, s1;
	s7 =	sshrl.u32 s28, $0x3;
	s31 =	sadd.s32 s13, s29  }
0xf: {  	s8 =	sadd.s32 s11, s30;
	s10 =	sshrl.u32 s29, $0x3;
	s15 =	sadd.s32 s23, s6  }
0x10: {  	s6 =	sor.u32 $0x1C03, s26;
	s7 =	sadd.s32 s9, s7;
	s12 =	sshrl.u32 s31, $0x3  }
0x11: {  	s10 =	sadd.s32 s11, s10;
	s13 =	sshrl.u32 s17, $0x3;
	s17 =	simm.s32 $0x2800  }
0x12: {  	s23 =	simm.s32 $0x0;
	s9 =	sadd.s32 s9, s12;
	s11 =	sadd.s32 $0x105400, s15  }
0x13: {  	s12 =	smax.u32 s16, $0x1;
	s15 =	simm.s32 $0x1400;
	s16 =	simm.s32 $0x80  }
.LBB2_1:
0x14: {  	[spmem:s13], [sflag:s6] =	dma.local [hbm:s5], $0x2780  }
0x15: {  	_ =	swait.ge [sflag:s14], $0x2780  }
0x16: {  	[sflag:s14] =	ssyncset.done $0x0  }
0x17: {  	[sflag:s14] =	ssyncadd.s32 $0xFFFFD880  }
0x18: {  	[bflag:$0x0] =	sbarrier.arrive $0xFFFF  }
0x19: {  	[tilespmem:s2], [sflag:$0x3] =	stream.linear.gather [hbm4b:s7+s2], $0x1400, $0x38;
	[tilespmem:$0x1E400] =	vst v63  }
0x1a: {  	_ =	swait.ge [sflag:s14], $0x1400  }
0x1b: {  	[sflag:s14] =	ssyncset.done $0x0  }
0x1c: {  	[sflag:s14] =	ssyncadd.s32 $0xFFFFEC00  }
0x1d: {  	[tilespmem:s15], [sflag:$0x3] =	stream.linear.gather [hbm4b:s8+s2], $0x1400, $0x38;
	[tilespmem:$0x1E400] =	vst v63  }
0x1e: {  	_ =	swait.ge [sflag:s14], $0x1400  }
0x1f: {  	[sflag:s14] =	ssyncset.done $0x0  }
0x20: {  	[sflag:s14] =	ssyncadd.s32 $0xFFFFEC00  }
0x21: {  	[tilespmem:s17], [sflag:$0x1] =	stream.indirect.gather [hbm4b:s4+s16], $0x80, s2, s16, $0xb8;
	[tilespmem:$0x1E400] =	vst v63  }
0x22: {  	_ = 	snop  }
0x23: {  	[tilespmem:s18], [sflag:$0x2] =	stream.indirect.gather [hbm4b:s4+s16], $0x80, s16, s16, $0xb8;
	[tilespmem:$0x1E400] =	vst v63  }
0x24: {  	_ =	swait.ge [sflag:s19], $0x4000  }
0x25: {  	[sflag:s19] =	ssyncset.done $0x0  }
0x26: {  	s24 =	simm.s32 $0x1400;
	[sflag:s19] =	ssyncadd.s32 $0xFFFFC000  }
0x27: {  	[spmem:s1] =	stream.indirect.scatter.add.f32 [tilespmem:s17], [sflag:$0x3], $0x80, s24, s16, $0xb8;
	[tilespmem:$0x1E400] =	vst v63  }
0x28: {  	_ =	swait.ge [sflag:s14], $0x4000  }
0x29: {  	[sflag:s14] =	ssyncset.done $0x0  }
0x2a: {  	s30 =	simm.s32 $0x100;
	[sflag:s14] =	ssyncadd.s32 $0xFFFFC000  }
0x2b: {  	[tilespmem:s17], [sflag:$0x1] =	stream.indirect.gather [hbm4b:s4+s16], $0x80, s30, s16, $0xb8;
	[tilespmem:$0x1E400] =	vst v63  }
0x2c: {  	_ =	swait.ge [sflag:s20], $0x4000  }
0x2d: {  	[sflag:s20] =	ssyncset.done $0x0  }
0x2e: {  	s31 =	simm.s32 $0x1480;
	[sflag:s20] =	ssyncadd.s32 $0xFFFFC000  }
0x2f: {  	[spmem:s1] =	stream.indirect.scatter.add.f32 [tilespmem:s18], [sflag:$0x3], $0x80, s31, s16, $0xb8;
	[tilespmem:$0x1E400] =	vst v63  }
0x30: {  	_ =	swait.ge [sflag:s14], $0x4000  }
0x31: {  	[sflag:s14] =	ssyncset.done $0x0  }
0x32: {  	s25 =	simm.s32 $0x180;
	s24 =	simm.s32 $0x400;
	[sflag:s14] =	ssyncadd.s32 $0xFFFFC000  }
.LBB2_2:
0x33: {  	[tilespmem:s18], [sflag:$0x2] =	stream.indirect.gather [hbm4b:s4+s16], $0x80, s25, s16, $0xb8;
	[tilespmem:$0x1E400] =	vst v63  }
0x34: {  	s25 =	smov.u32 s24  }
0x35: {  	p0 =	sne.s32 s24, $0x4800;
	s24 =	sadd.s32 $0x400, s24;
	_ =	swait.ge [sflag:s19], $0x4000  }
0x36: {  	s25 =	sshra.s32 s25, $0x2;
	[sflag:s19] =	ssyncset.done $0x0  }
0x37: {  	s26 =	sadd.s32 $0x1400, s25;
	[sflag:s19] =	ssyncadd.s32 $0xFFFFC000  }
0x38: {  	[spmem:s1] =	stream.indirect.scatter.add.f32 [tilespmem:s17], [sflag:$0x3], $0x80, s26, s16, $0xb8;
	[tilespmem:$0x1E400] =	vst v63  }
0x39: {  	_ =	swait.ge [sflag:s14], $0x4000  }
0x3a: {  	[sflag:s14] =	ssyncset.done $0x0  }
0x3b: {  	s26 =	sadd.s32 $0x100, s25;
	[sflag:s14] =	ssyncadd.s32 $0xFFFFC000  }
0x3c: {  	[tilespmem:s17], [sflag:$0x1] =	stream.indirect.gather [hbm4b:s4+s16], $0x80, s26, s16, $0xb8;
	[tilespmem:$0x1E400] =	vst v63  }
0x3d: {  	_ =	swait.ge [sflag:s20], $0x4000  }
0x3e: {  	[sflag:s20] =	ssyncset.done $0x0  }
.Ltmp0:
0x3f: {  	s26 =	sadd.s32 $0x1480, s25;
	[sflag:s20] =	ssyncadd.s32 $0xFFFFC000;
	(pc) =	sbr.rel @p0 .LBB2_2-.Ltmp0, $4  }
0x40: {  	[spmem:s1] =	stream.indirect.scatter.add.f32 [tilespmem:s18], [sflag:$0x3], $0x80, s26, s16, $0xb8;
	[tilespmem:$0x1E400] =	vst v63  }
0x41: {  	_ =	swait.ge [sflag:s14], $0x4000  }
0x42: {  	[sflag:s14] =	ssyncset.done $0x0  }
0x43: {  	s25 =	sadd.s32 $0x180, s25;
	[sflag:s14] =	ssyncadd.s32 $0xFFFFC000  }
0x44: {  	[tilespmem:s18], [sflag:$0x2] =	stream.indirect.gather [hbm4b:s4+s16], $0x80, s25, s16, $0xb8;
	[tilespmem:$0x1E400] =	vst v63  }
0x45: {  	_ =	swait.ge [sflag:s19], $0x4000  }
0x46: {  	[sflag:s19] =	ssyncset.done $0x0  }
0x47: {  	[sflag:s19] =	ssyncadd.s32 $0xFFFFC000  }
0x48: {  	[spmem:s1] =	stream.indirect.scatter.add.f32 [tilespmem:s17], [sflag:$0x3], $0x80, s21, s16, $0xb8;
	[tilespmem:$0x1E400] =	vst v63  }
0x49: {  	_ =	swait.ge [sflag:s14], $0x4000  }
0x4a: {  	[sflag:s14] =	ssyncset.done $0x0  }
0x4b: {  	[sflag:s14] =	ssyncadd.s32 $0xFFFFC000  }
0x4c: {  	_ =	swait.ge [sflag:s20], $0x4000  }
0x4d: {  	[sflag:s20] =	ssyncset.done $0x0  }
0x4e: {  	[sflag:s20] =	ssyncadd.s32 $0xFFFFC000  }
0x4f: {  	[spmem:s1] =	stream.indirect.scatter.add.f32 [tilespmem:s18], [sflag:$0x3], $0x80, s22, s16, $0xb8;
	[tilespmem:$0x1E400] =	vst v63  }
0x50: {  	_ =	swait.ge [sflag:s14], $0x4000  }
0x51: {  	[sflag:s14] =	ssyncset.done $0x0  }
0x52: {  	s24 =	simm.s32 $0x0;
	[sflag:s14] =	ssyncadd.s32 $0xFFFFC000  }
0x53: {  	[tilespmem:s24], [sflag:$0x3] =	stream.linear.gather [hbm4b:s9+s24], $0x1400, $0x38;
	[tilespmem:$0x1E400] =	vst v63  }
0x54: {  	_ =	swait.ge [sflag:s14], $0x1400  }
0x55: {  	[sflag:s14] =	ssyncset.done $0x0  }
0x56: {  	[sflag:s14] =	ssyncadd.s32 $0xFFFFEC00  }
0x57: {  	[tilespmem:s15], [sflag:$0x3] =	stream.linear.gather [hbm4b:s10+s24], $0x1400, $0x38;
	[tilespmem:$0x1E400] =	vst v63  }
0x58: {  	_ =	swait.ge [sflag:s14], $0x1400  }
0x59: {  	[sflag:s14] =	ssyncset.done $0x0  }
0x5a: {  	[sflag:s14] =	ssyncadd.s32 $0xFFFFEC00  }
0x5b: {  	[tilespmem:s17], [sflag:$0x1] =	stream.indirect.gather [hbm4b:s4+s16], $0x80, s24, s16, $0xb8;
	[tilespmem:$0x1E400] =	vst v63  }
0x5c: {  	_ = 	snop  }
0x5d: {  	[tilespmem:s18], [sflag:$0x2] =	stream.indirect.gather [hbm4b:s4+s16], $0x80, s16, s16, $0xb8;
	[tilespmem:$0x1E400] =	vst v63  }
0x5e: {  	_ =	swait.ge [sflag:s19], $0x4000  }
0x5f: {  	[sflag:s19] =	ssyncset.done $0x0  }
0x60: {  	s29 =	simm.s32 $0x1400;
	[sflag:s19] =	ssyncadd.s32 $0xFFFFC000  }
0x61: {  	[spmem:s1] =	stream.indirect.scatter.add.f32 [tilespmem:s17], [sflag:$0x3], $0x80, s29, s16, $0xb8;
	[tilespmem:$0x1E400] =	vst v63  }
0x62: {  	_ =	swait.ge [sflag:s14], $0x4000  }
0x63: {  	[sflag:s14] =	ssyncset.done $0x0  }
0x64: {  	s30 =	simm.s32 $0x100;
	[sflag:s14] =	ssyncadd.s32 $0xFFFFC000  }
0x65: {  	[tilespmem:s17], [sflag:$0x1] =	stream.indirect.gather [hbm4b:s4+s16], $0x80, s30, s16, $0xb8;
	[tilespmem:$0x1E400] =	vst v63  }
0x66: {  	_ =	swait.ge [sflag:s20], $0x4000  }
0x67: {  	[sflag:s20] =	ssyncset.done $0x0  }
0x68: {  	s31 =	simm.s32 $0x1480;
	[sflag:s20] =	ssyncadd.s32 $0xFFFFC000  }
0x69: {  	[spmem:s1] =	stream.indirect.scatter.add.f32 [tilespmem:s18], [sflag:$0x3], $0x80, s31, s16, $0xb8;
	[tilespmem:$0x1E400] =	vst v63  }
0x6a: {  	_ =	swait.ge [sflag:s14], $0x4000  }
0x6b: {  	[sflag:s14] =	ssyncset.done $0x0  }
0x6c: {  	s25 =	simm.s32 $0x180;
	s24 =	simm.s32 $0x400;
	[sflag:s14] =	ssyncadd.s32 $0xFFFFC000  }
.LBB2_4:
0x6d: {  	[tilespmem:s18], [sflag:$0x2] =	stream.indirect.gather [hbm4b:s4+s16], $0x80, s25, s16, $0xb8;
	[tilespmem:$0x1E400] =	vst v63  }
0x6e: {  	s25 =	smov.u32 s24  }
0x6f: {  	p0 =	sne.s32 s24, $0x4800;
	s24 =	sadd.s32 $0x400, s24;
	_ =	swait.ge [sflag:s19], $0x4000  }
0x70: {  	s25 =	sshra.s32 s25, $0x2;
	[sflag:s19] =	ssyncset.done $0x0  }
0x71: {  	s26 =	sadd.s32 $0x1400, s25;
	[sflag:s19] =	ssyncadd.s32 $0xFFFFC000  }
0x72: {  	[spmem:s1] =	stream.indirect.scatter.add.f32 [tilespmem:s17], [sflag:$0x3], $0x80, s26, s16, $0xb8;
	[tilespmem:$0x1E400] =	vst v63  }
0x73: {  	_ =	swait.ge [sflag:s14], $0x4000  }
0x74: {  	[sflag:s14] =	ssyncset.done $0x0  }
0x75: {  	s26 =	sadd.s32 $0x100, s25;
	[sflag:s14] =	ssyncadd.s32 $0xFFFFC000  }
0x76: {  	[tilespmem:s17], [sflag:$0x1] =	stream.indirect.gather [hbm4b:s4+s16], $0x80, s26, s16, $0xb8;
	[tilespmem:$0x1E400] =	vst v63  }
0x77: {  	_ =	swait.ge [sflag:s20], $0x4000  }
0x78: {  	[sflag:s20] =	ssyncset.done $0x0  }
.Ltmp1:
0x79: {  	s26 =	sadd.s32 $0x1480, s25;
	[sflag:s20] =	ssyncadd.s32 $0xFFFFC000;
	(pc) =	sbr.rel @p0 .LBB2_4-.Ltmp1, $4  }
0x7a: {  	[spmem:s1] =	stream.indirect.scatter.add.f32 [tilespmem:s18], [sflag:$0x3], $0x80, s26, s16, $0xb8;
	[tilespmem:$0x1E400] =	vst v63  }
0x7b: {  	_ =	swait.ge [sflag:s14], $0x4000  }
0x7c: {  	[sflag:s14] =	ssyncset.done $0x0  }
0x7d: {  	s25 =	sadd.s32 $0x180, s25;
	[sflag:s14] =	ssyncadd.s32 $0xFFFFC000  }
0x7e: {  	[tilespmem:s18], [sflag:$0x2] =	stream.indirect.gather [hbm4b:s4+s16], $0x80, s25, s16, $0xb8;
	[tilespmem:$0x1E400] =	vst v63  }
0x7f: {  	_ =	swait.ge [sflag:s19], $0x4000  }
0x80: {  	[sflag:s19] =	ssyncset.done $0x0  }
0x81: {  	[sflag:s19] =	ssyncadd.s32 $0xFFFFC000  }
0x82: {  	[spmem:s1] =	stream.indirect.scatter.add.f32 [tilespmem:s17], [sflag:$0x3], $0x80, s21, s16, $0xb8;
	[tilespmem:$0x1E400] =	vst v63  }
0x83: {  	_ =	swait.ge [sflag:s14], $0x4000  }
0x84: {  	[sflag:s14] =	ssyncset.done $0x0  }
0x85: {  	[sflag:s14] =	ssyncadd.s32 $0xFFFFC000  }
0x86: {  	_ =	swait.ge [sflag:s20], $0x4000  }
0x87: {  	[sflag:s20] =	ssyncset.done $0x0  }
0x88: {  	[sflag:s20] =	ssyncadd.s32 $0xFFFFC000  }
0x89: {  	[spmem:s1] =	stream.indirect.scatter.add.f32 [tilespmem:s18], [sflag:$0x3], $0x80, s22, s16, $0xb8;
	[tilespmem:$0x1E400] =	vst v63  }
0x8a: {  	_ =	swait.ge [sflag:s14], $0x4000  }
0x8b: {  	s23 =	sadd.s32 $0x1, s23;
	[sflag:s14] =	ssyncset.done $0x0  }
0x8c: {  	p0 =	sne.s32 s23, s12;
	[sflag:s14] =	ssyncadd.s32 $0xFFFFC000  }
.Ltmp2:
0x8d: {  	[bflag:$0x0] =	sbarrier.arrive $0xFFFF;
	(pc) =	sbr.rel @p0 .LBB2_1-.Ltmp2, $4  }
0x8e: {  	[hbm:s11], [sflag:s6] =	dma.local [spmem:s13], $0x2780  }
0x8f: {  	_ =	swait.ge [sflag:s14], $0x2780  }
0x90: {  	[sflag:s14] =	ssyncset.done $0x0  }
0x91: {  	[sflag:s14] =	ssyncadd.s32 $0xFFFFD880  }
0x92: {  	_ =	sfence.sel $0x180000  }
0x93: {  	[bflag:$0x0] =	sbarrier.arrive $0xFFFF  }
0x94: {  	p0 =	sne.s32 s3, $0x0;
	_ =	strace $0x90000050  }
0x95: {  	s0 =	sadd.s32 @!p0 $0x100000, s0;
	[bflag:$0x2] =	sbarrier.arrive $0xFFFF  }
0x96: {  	[sflag:s0] =	ssyncadd.tile.s32 @!p0 $0x1;
	_ =	shalt  }
.Lfunc_end2:
_tile_overlayer_lowered:
.L_overlay_start_2:
0x97: {  	(tag) =	ssettag $0x2  }
0x98: {  	s0 =	rddreg [dreg:$0x0];
	s2 =	stileid.u32  }
0x99: {  	s1 =	rddreg [dreg:$0x1];
	p0 =	sne.s32 s2, $0x0  }
0x9a: {  	s3 =	rddreg [dreg:$0x2];
	[bflag:$0x3] =	sbarrier.arrive $0xFFFF;
	s2 =	simm.s32 @!p0 $0x1C03  }
0x9b: {  	[timem:s3], [sflag:s2] =	dma.local @!p0 [hbm:s0], s1  }
0x9c: {  	s0 =	simm.s32 @!p0 $0x3  }
0x9d: {  	_ =	swait.ge @!p0 [sflag:s0], s1  }
0x9e: {  	s1 =	ssub.s32 @!p0 $0x0, s1;
	[sflag:s0] =	ssyncset.done @!p0 $0x0  }
0x9f: {  	[sflag:s0] =	ssyncadd.s32 @!p0 s1  }
0xa0: {  	[bflag:$0x3] =	sbarrier.arrive $0xFFFF  }
0xa1: {  	_ =	shalt  }

// kernel: kernel.32.cloned.1.call-start
scs
__scs_entry_jumppad:
0x0: {  	(pc) =	sbr.rel $0x88, $3  }
0x1: {  	(tag) =	ssettag $0x0;
	lr =	simm.s32 $0x1  }
0x2: {  	[smem:$0x3F7F] =	sst lr;
	_ =	strace $0xD0000000  }
0x3: {  	_ = 	snop  }
0x4: {  	_ = 	snop  }
0x5: {  	_ = 	snop  }
0x6: {  	_ = 	snop  }
0x7: {  	_ = 	snop  }
__scs_overlays_trampoline_lowered:
0x8: {  	[smem:$0x3F8E] =	sst s0  }
0x9: {  	[smem:$0x3F8F] =	sst s1  }
0xa: {  	[smem:$0x3F90] =	sst s2  }
0xb: {  	[smem:$0x3F91] =	sst s3  }
0xc: {  	[smem:$0x3F92] =	sst s4  }
0xd: {  	[smem:$0x3F93] =	sst s5  }
0xe: {  	[smem:$0x3F94] =	sst s6  }
0xf: {  	[smem:$0x3F95] =	sst s7  }
0x10: {  	[smem:$0x3F96] =	sst s8  }
0x11: {  	[smem:$0x3F97] =	sst s9;
	s0 =	simm.s32 @!p0 $0x0  }
0x12: {  	s1 =	sld [smem:$0x3F7D];
	s0 =	simm.s32 @p0 $0x1  }
0x13: {  	[smem:$0x3F98] =	sst s0;
	s0 =	simm.s32 @!p1 $0x0  }
0x14: {  	s2 =	sld [smem:$0x3F7C];
	s0 =	simm.s32 @p1 $0x1  }
0x15: {  	[smem:$0x3F99] =	sst s0;
	s0 =	simm.s32 @!p2 $0x0  }
0x16: {  	s3 =	sld [smem:$0x3FDB];
	s0 =	simm.s32 @p2 $0x1  }
0x17: {  	s4 =	simm.s32 $0x1BF5;
	[smem:$0x3F9B] =	sst s0  }
0x18: {  	s0 =	sld [smem:$0x3F7E];
	_ =	swait.ge [sflag:s4], $0x0  }
0x19: {  	s7 =	sld [smem:$0x3F7F]  }
0x1a: {  	s8 =	sadd.s32 $0xFFFFE003, lr  }
0x1b: {  	s9 =	sadd.s32 $0xFFFFFEF7, lr;
	s5 =	simm.s32 $0xFFFFFFFF;
	p2 =	slt.u32 s8, $0xFFFFF086  }
0x1c: {  	p1 =	slt.u32 s9, $0xF7A;
	s5 =	simm.s32 @!p2 $0x0  }
0x1d: {  	s5 =	simm.s32 @p1 $0x1;
	p0 =	seq.s32 s7, s2  }
0x1e: {  	s7 =	smul.u32 @!p0 $0xF7A, s2;
	p2 =	seq.s32 @!p0 s5, $0x0  }
0x1f: {  	s9 =	smul.u32 $0xF7A, s1;
	s8 =	simm.s32 @!p0 $0x1BF5;
	p2 =	por !p2, p0  }
0x20: {  	[sflag:s8] =	ssyncset.s32 @!p0 $0xFFFFF086;
	s6 =	sadd.s32 @!p0 s3, s7;
	s7 =	simm.s32 @!p0 $0x108  }
0x21: {  	s3 =	sadd.s32 s3, s9;
	s6 =	sadd.s32 @!p0 $0x88, s6;
	s7 =	simm.s32 @p2 $0x1082  }
0x22: {  	[simem:s7], [sflag:s8] =	dma.local @!p0 [hbm:s6], $0xF7A  }
0x23: {  	s9 =	sor.u32 $0xD0000000, s2;
	s6 =	simm.s32 $0x108;
	_ =	swait.ge @!p0 [sflag:s8], $0x0  }
0x24: {  	s3 =	sadd.s32 $0x88, s3;
	s6 =	simm.s32 @!p1 $0x1082;
	[sflag:s4] =	ssyncset.s32 $0xFFFFF086  }
0x25: {  	[simem:s6], [sflag:s4] =	dma.local [hbm:s3], $0xF7A  }
0x26: {  	[smem:$0x3F7F] =	sst s1;
	(tag) =	ssettag s2;
	_ =	strace s9  }
0x27: {  	s1 =	sld [smem:$0x3F8F]  }
0x28: {  	s2 =	sld [smem:$0x3F90]  }
0x29: {  	s4 =	sld [smem:$0x3F92]  }
0x2a: {  	p0 =	seq.s32 s5, $0x0;
	s5 =	sld [smem:$0x3F93]  }
0x2b: {  	s6 =	sld [smem:$0x3F94]  }
0x2c: {  	s7 =	sld [smem:$0x3F95]  }
0x2d: {  	s3 =	simm.s32 $0x108;
	s8 =	sld [smem:$0x3F96]  }
0x2e: {  	s3 =	simm.s32 @!p0 $0x1082;
	s9 =	sld [smem:$0x3F97]  }
0x2f: {  	lr =	sadd.s32 s0, s3;
	s0 =	sld [smem:$0x3F8E]  }
0x30: {  	s3 =	sld [smem:$0x3F91]  }
0x31: {  	[smem:$0x3F9A] =	sst s10  }
0x32: {  	s10 =	sld [smem:$0x3F98];
	_ =	sdelay $0x3  }
0x33: {  	p0 =	seq.s32 s10, $0x1;
	s10 =	sld [smem:$0x3F9A];
	_ =	sdelay $0x3  }
0x34: {  	[smem:$0x3F9A] =	sst s10  }
0x35: {  	s10 =	sld [smem:$0x3F99];
	_ =	sdelay $0x3  }
0x36: {  	p1 =	seq.s32 s10, $0x1;
	s10 =	sld [smem:$0x3F9A];
	_ =	sdelay $0x3  }
0x37: {  	[smem:$0x3F9A] =	sst s10  }
0x38: {  	s10 =	sld [smem:$0x3F9B]  }
0x39: {  	_ = 	snop;
	(pc) =	sbr.ind lr, $3  }
0x3a: {  	_ = 	snop  }
0x3b: {  	_ = 	snop  }
0x3c: {  	p2 =	seq.s32 s10, $0x1;
	s10 =	sld [smem:$0x3F9A]  }
0x3d: {  	_ =	shalt  }
0x3e: {  	_ =	shalt  }
0x3f: {  	_ =	shalt  }
0x40: {  	_ =	shalt  }
0x41: {  	_ =	shalt  }
0x42: {  	_ =	shalt  }
0x43: {  	_ =	shalt  }
0x44: {  	_ =	shalt  }
0x45: {  	_ =	shalt  }
0x46: {  	_ =	shalt  }
0x47: {  	_ =	shalt  }
0x48: {  	_ =	shalt  }
0x49: {  	_ =	shalt  }
0x4a: {  	_ =	shalt  }
0x4b: {  	_ =	shalt  }
0x4c: {  	_ =	shalt  }
0x4d: {  	_ =	shalt  }
0x4e: {  	_ =	shalt  }
0x4f: {  	_ =	shalt  }
0x50: {  	_ =	shalt  }
0x51: {  	_ =	shalt  }
0x52: {  	_ =	shalt  }
0x53: {  	_ =	shalt  }
0x54: {  	_ =	shalt  }
0x55: {  	_ =	shalt  }
0x56: {  	_ =	shalt  }
0x57: {  	_ =	shalt  }
0x58: {  	_ =	shalt  }
0x59: {  	_ =	shalt  }
0x5a: {  	_ =	shalt  }
0x5b: {  	_ =	shalt  }
0x5c: {  	_ =	shalt  }
0x5d: {  	_ =	shalt  }
0x5e: {  	_ =	shalt  }
0x5f: {  	_ =	shalt  }
0x60: {  	_ =	shalt  }
0x61: {  	_ =	shalt  }
0x62: {  	_ =	shalt  }
0x63: {  	_ =	shalt  }
0x64: {  	_ =	shalt  }
0x65: {  	_ =	shalt  }
0x66: {  	_ =	shalt  }
0x67: {  	_ =	shalt  }
0x68: {  	_ =	shalt  }
0x69: {  	_ =	shalt  }
0x6a: {  	_ =	shalt  }
0x6b: {  	_ =	shalt  }
0x6c: {  	_ =	shalt  }
0x6d: {  	_ =	shalt  }
0x6e: {  	_ =	shalt  }
0x6f: {  	_ =	shalt  }
0x70: {  	_ =	shalt  }
0x71: {  	_ =	shalt  }
0x72: {  	_ =	shalt  }
0x73: {  	_ =	shalt  }
0x74: {  	_ =	shalt  }
0x75: {  	_ =	shalt  }
0x76: {  	_ =	shalt  }
0x77: {  	_ =	shalt  }
0x78: {  	_ =	shalt  }
0x79: {  	_ =	shalt  }
0x7a: {  	_ =	shalt  }
0x7b: {  	_ =	shalt  }
0x7c: {  	_ =	shalt  }
0x7d: {  	_ =	shalt  }
0x7e: {  	_ =	shalt  }
0x7f: {  	_ =	shalt  }
0x80: {  	_ =	shalt  }
0x81: {  	_ =	shalt  }
0x82: {  	_ =	shalt  }
0x83: {  	_ =	shalt  }
0x84: {  	_ =	shalt  }
0x85: {  	_ =	shalt  }
0x86: {  	_ =	shalt  }
0x87: {  	_ =	shalt  }
.Lfunc_end0:
.L_simem_size_0:
called_computation.4_lowered:
.L_overlay_start_0:
0x88: {  	s2 =	sld [smem:$0x3FD9]  }
0x89: {  	s3 =	sld [smem:$0x3FFE];
	_ =	sdelay $0x1  }
0x8a: {  	s1 =	srdreg.scid  }
0x8b: {  	s0 =	sand.u32 $0x1, s1  }
0x8c: {  	s16 =	sshll.u32 s0, $0xA;
	s2 =	sadd.s32 s3, s2  }
0x8d: {  	s2 =	sadd.s32 s2, s16  }
0x8e: {  	[smem:$0x3FA6] =	sst s2  }
0x8f: {  	_ = 	snop  }
0x90: {  	(tm) =	ssettm $0x1  }
0x91: {  	s17 =	sld [smem:$0x3FFB];
	_ =	sdelay $0x3  }
0x92: {  	_ =	strace s17  }
0x93: {  	s2 =	sld [smem:$0x3FFC];
	_ =	sdelay $0x3  }
0x94: {  	_ =	strace s2  }
0x95: {  	s2 =	sld [smem:$0x3FFD];
	_ =	sdelay $0x3  }
0x96: {  	_ =	strace s2  }
0x97: {  	_ =	strace $0x8FFFFFFF  }
0x98: {  	s18 =	sld [smem:$0x3FDB];
	_ =	sdelay $0x1  }
0x99: {  	s19 =	simm.s32 $_scs_section_size  }
0x9a: {  	s4 =	simm.s32 $_size__tile_overlayer_lowered;
	s5 =	simm.s32 $_tile_overlayer_lowered  }
0x9b: {  	s22 =	simm.s32 $0x1BFF;
	s21 =	sshll.u32 s5, $0x1;
	s2 =	sadd.s32 s19, s18  }
0x9c: {  	s6 =	simm.s32 $0x0;
	s20 =	sshll.u32 s4, $0x1;
	s4 =	sadd.s32 s21, s2  }
0x9d: {  	[timem:s6], [sflag:s22] =	dma.local [hbm:s4], s20  }
0x9e: {  	_ =	swait.ge [sflag:s22], s20  }
0x9f: {  	s3 =	ssub.s32 $0x0, s20;
	[sflag:s22] =	ssyncset.done $0x0  }
0xa0: {  	[sflag:s22] =	ssyncadd.s32 s3;
	_ =	sdelay $0x1  }
0xa1: {  	s23 =	simm.s32 $0x1B8B  }
0xa2: {  	_ =	swait.ge [sflag:s23], $0x1  }
0xa3: {  	[sflag:s23] =	ssyncset.done $0x0  }
0xa4: {  	s25 =	simm.s32 $0x1B8E;
	s24 =	sld [smem:$0x3FFE];
	[sflag:s23] =	ssyncadd.s32 $0xFFFFFFFF  }
0xa5: {  	s26 =	simm.s32 $execute0_lowered;
	[smem:$0x3FD2] =	sst s25  }
0xa6: {  	s4 =	sshll.u32 s26, $0x1;
	_ =	strace $0x80000052;
	[dreg:$0x1] =	wrdreg $0xFFFFFFFF  }
0xa7: {  	s28 =	simm.s32 $_size_execute0_lowered;
	s2 =	sadd.s32 s2, s4;
	[dreg:$0x0] =	wrdreg $0x0  }
0xa8: {  	s4 =	sshll.u32 s28, $0x1;
	[dreg:$0x2] =	wrdreg s2  }
0xa9: {  	[dreg:$0x3] =	wrdreg s4  }
0xaa: {  	[dreg:$0x4] =	wrdreg $0xC0  }
0xab: {  	_ =	task [dreg:s6], $0x5FFFF  }
0xac: {  	[dreg:$0x1] =	wrdreg $0xFFFFFFFF  }
0xad: {  	[dreg:$0x0] =	wrdreg $0x60  }
0xae: {  	[dreg:$0x2] =	wrdreg s24  }
0xaf: {  	[dreg:$0x3] =	wrdreg $0xA8000  }
0xb0: {  	[dreg:$0x4] =	wrdreg $0x9  }
0xb1: {  	_ =	task.clear_ibuf [dreg:s6], $0x5FFFF;
	_ =	strace $0x90000052  }
0xb2: {  	s29 =	simm.s32 $0x9;
	_ =	strace $0x80000054  }
0xb3: {  	_ =	swait.ge [sflag:s29], $0x1  }
0xb4: {  	[sflag:s29] =	ssyncadd.s32 $0xFFFFFFFF  }
0xb5: {  	_ =	strace $0x90000054  }
0xb6: {  	_ =	sfence  }
0xb7: {  	s30 =	sld [smem:$0x0];
	_ =	sdelay $0x2  }
0xb8: {  	s31 =	sshll.u32 s1, $0xD;
	s1 =	sshrl.u32 s1, $0x2  }
0xb9: {  	s3 =	sand.u32 $0x4000, s31;
	s1 =	sadd.s32 s1, s30  }
0xba: {  	s0 =	sor.u32 s3, s0;
	s1 =	sshll.u32 s1, $0x11  }
0xbb: {  	s0 =	sor.u32 s1, s0  }
0xbc: {  	s0 =	sadd.s32 $0x8F2B, s0  }
0xbd: {  	[sflag:s0] =	ssyncadd.remote.s32 $0x1  }
0xbe: {  	_ =	sfence.sel $0xFFFF  }
0xbf: {  	[dreg:$0x0] =	wrdreg $0xFFFFFFFF;
	(pc) =	sbr.abs _section_cstart, $3  }
0xc0: {  	[dreg:$0x1] =	wrdreg $0xFFFFFFFF  }
0xc1: {  	_ =	task.clear_ibuf [dreg:s6], $0x2FFFF;
	_ =	strace $0x9FFFFFFF  }
0xc2: {  	(tm) =	ssettm $0x7FFFFFFF  }
0xc3: {  	_ =	shalt  }
tec
execute0_lowered:
.L_overlay_start_1:
0x0: {  	(tag) =	ssettag $0x1  }
0x1: {  	s6 =	rddreg [dreg:$0x0];
	s0 =	srdreg.scid  }
0x2: {  	s2 =	rddreg [dreg:$0x1];
	s1 =	stileid.u32  }
0x3: {  	s3 =	simm.s32 $0x0;
	s14 =	simm.s32 $0x80;
	s15 =	simm.s32 $0x2800  }
0x4: {  	s16 =	simm.s32 $0x6800;
	s17 =	simm.s32 $0x1;
	s18 =	simm.s32 $0x2  }
0x5: {  	s19 =	simm.s32 $0x2700;
	s20 =	simm.s32 $0x2780;
	s21 =	simm.s32 $0x0  }
0x6: {  	s7 =	sand.u32 $0x1, s0;
	s0 =	rddreg [dreg:$0x2];
	s8 =	smul.u32 $0x13C00, s1  }
0x7: {  	s4 =	sshll.u32 s1, $0x1;
	[smem:$0x7FF] =	sst s3;
	s10 =	smul.u32 $0x4F000, s1  }
0x8: {  	s11 =	sshll.u32 s1, $0x6;
	s5 =	smul.u32 $0x13C000, s7;
	s4 =	sor.u32 s7, s4  }
0x9: {  	_ =	strace $0x80000053;
	s31 =	ssub.s32 $0x2, s7;
	s9 =	smul.u32 $0x280, s4  }
0xa: {  	s4 =	sadd.s32 $0x37200, s6;
	s7 =	sshrl.u32 s31, $0x1;
	s10 =	sshrl.u32 s10, $0x2  }
0xb: {  	s5 =	sadd.s32 s8, s5;
	s12 =	ssub.s32 s31, s7;
	s13 =	sadd.s32 s10, s2  }
0xc: {  	s29 =	sadd.s32 s9, s6;
	s30 =	sshrl.u32 s5, $0x3;
	s5 =	sadd.s32 $0xD800, s6  }
0xd: {  	s10 =	smax.u32 s12, $0x1;
	s12 =	simm.s32 $0x3;
	s9 =	sadd.s32 s30, s6  }
0xe: {  	s6 =	sor.u32 $0x1C03, s11;
	s7 =	sadd.s32 $0xFB400, s29;
	s8 =	sadd.s32 $0x8800, s29  }
0xf: {  	s11 =	sshrl.u32 s13, $0x3;
	s13 =	simm.s32 $0x1400;
	s9 =	sadd.s32 $0x85600, s9  }
.LBB2_1:
0x10: {  	[spmem:s11], [sflag:s6] =	dma.local [hbm:s5], $0x2780  }
0x11: {  	_ =	swait.ge [sflag:s12], $0x2780  }
0x12: {  	[sflag:s12] =	ssyncset.done $0x0  }
0x13: {  	[sflag:s12] =	ssyncadd.s32 $0xFFFFD880  }
0x14: {  	[bflag:$0x0] =	sbarrier.arrive $0xFFFF  }
0x15: {  	[tilespmem:s3], [sflag:$0x3] =	stream.linear.gather [hbm4b:s7+s3], $0x1400, $0x38;
	[tilespmem:$0x1E400] =	vst v63  }
0x16: {  	_ =	swait.ge [sflag:s12], $0x1400  }
0x17: {  	[sflag:s12] =	ssyncset.done $0x0  }
0x18: {  	[sflag:s12] =	ssyncadd.s32 $0xFFFFEC00  }
0x19: {  	[tilespmem:s13], [sflag:$0x3] =	stream.linear.gather [hbm4b:s8+s3], $0x1400, $0x38;
	[tilespmem:$0x1E400] =	vst v63  }
0x1a: {  	_ =	swait.ge [sflag:s12], $0x1400  }
0x1b: {  	[sflag:s12] =	ssyncset.done $0x0  }
0x1c: {  	[sflag:s12] =	ssyncadd.s32 $0xFFFFEC00  }
0x1d: {  	[tilespmem:s15], [sflag:$0x1] =	stream.indirect.gather [hbm4b:s4+s14], $0x80, s3, s14, $0xb8;
	[tilespmem:$0x1E400] =	vst v63  }
0x1e: {  	_ = 	snop  }
0x1f: {  	[tilespmem:s16], [sflag:$0x2] =	stream.indirect.gather [hbm4b:s4+s14], $0x80, s14, s14, $0xb8;
	[tilespmem:$0x1E400] =	vst v63  }
0x20: {  	_ =	swait.ge [sflag:s17], $0x4000  }
0x21: {  	[sflag:s17] =	ssyncset.done $0x0  }
0x22: {  	s22 =	simm.s32 $0x1400;
	[sflag:s17] =	ssyncadd.s32 $0xFFFFC000  }
0x23: {  	[spmem:s2] =	stream.indirect.scatter.add.f32 [tilespmem:s15], [sflag:$0x3], $0x80, s22, s14, $0xb8;
	[tilespmem:$0x1E400] =	vst v63  }
0x24: {  	_ =	swait.ge [sflag:s12], $0x4000  }
0x25: {  	[sflag:s12] =	ssyncset.done $0x0  }
0x26: {  	s30 =	simm.s32 $0x100;
	[sflag:s12] =	ssyncadd.s32 $0xFFFFC000  }
0x27: {  	[tilespmem:s15], [sflag:$0x1] =	stream.indirect.gather [hbm4b:s4+s14], $0x80, s30, s14, $0xb8;
	[tilespmem:$0x1E400] =	vst v63  }
0x28: {  	_ =	swait.ge [sflag:s18], $0x4000  }
0x29: {  	[sflag:s18] =	ssyncset.done $0x0  }
0x2a: {  	s31 =	simm.s32 $0x1480;
	[sflag:s18] =	ssyncadd.s32 $0xFFFFC000  }
0x2b: {  	[spmem:s2] =	stream.indirect.scatter.add.f32 [tilespmem:s16], [sflag:$0x3], $0x80, s31, s14, $0xb8;
	[tilespmem:$0x1E400] =	vst v63  }
0x2c: {  	_ =	swait.ge [sflag:s12], $0x4000  }
0x2d: {  	[sflag:s12] =	ssyncset.done $0x0  }
0x2e: {  	s23 =	simm.s32 $0x180;
	s22 =	simm.s32 $0x400;
	[sflag:s12] =	ssyncadd.s32 $0xFFFFC000  }
.LBB2_2:
0x2f: {  	[tilespmem:s16], [sflag:$0x2] =	stream.indirect.gather [hbm4b:s4+s14], $0x80, s23, s14, $0xb8;
	[tilespmem:$0x1E400] =	vst v63  }
0x30: {  	s23 =	smov.u32 s22  }
0x31: {  	p0 =	sne.s32 s22, $0x4800;
	s22 =	sadd.s32 $0x400, s22;
	_ =	swait.ge [sflag:s17], $0x4000  }
0x32: {  	s23 =	sshra.s32 s23, $0x2;
	[sflag:s17] =	ssyncset.done $0x0  }
0x33: {  	s24 =	sadd.s32 $0x1400, s23;
	[sflag:s17] =	ssyncadd.s32 $0xFFFFC000  }
0x34: {  	[spmem:s2] =	stream.indirect.scatter.add.f32 [tilespmem:s15], [sflag:$0x3], $0x80, s24, s14, $0xb8;
	[tilespmem:$0x1E400] =	vst v63  }
0x35: {  	_ =	swait.ge [sflag:s12], $0x4000  }
0x36: {  	[sflag:s12] =	ssyncset.done $0x0  }
0x37: {  	s24 =	sadd.s32 $0x100, s23;
	[sflag:s12] =	ssyncadd.s32 $0xFFFFC000  }
0x38: {  	[tilespmem:s15], [sflag:$0x1] =	stream.indirect.gather [hbm4b:s4+s14], $0x80, s24, s14, $0xb8;
	[tilespmem:$0x1E400] =	vst v63  }
0x39: {  	_ =	swait.ge [sflag:s18], $0x4000  }
0x3a: {  	[sflag:s18] =	ssyncset.done $0x0  }
.Ltmp0:
0x3b: {  	s24 =	sadd.s32 $0x1480, s23;
	[sflag:s18] =	ssyncadd.s32 $0xFFFFC000;
	(pc) =	sbr.rel @p0 .LBB2_2-.Ltmp0, $4  }
0x3c: {  	[spmem:s2] =	stream.indirect.scatter.add.f32 [tilespmem:s16], [sflag:$0x3], $0x80, s24, s14, $0xb8;
	[tilespmem:$0x1E400] =	vst v63  }
0x3d: {  	_ =	swait.ge [sflag:s12], $0x4000  }
0x3e: {  	[sflag:s12] =	ssyncset.done $0x0  }
0x3f: {  	s23 =	sadd.s32 $0x180, s23;
	[sflag:s12] =	ssyncadd.s32 $0xFFFFC000  }
0x40: {  	[tilespmem:s16], [sflag:$0x2] =	stream.indirect.gather [hbm4b:s4+s14], $0x80, s23, s14, $0xb8;
	[tilespmem:$0x1E400] =	vst v63  }
0x41: {  	_ =	swait.ge [sflag:s17], $0x4000  }
0x42: {  	[sflag:s17] =	ssyncset.done $0x0  }
0x43: {  	[sflag:s17] =	ssyncadd.s32 $0xFFFFC000  }
0x44: {  	[spmem:s2] =	stream.indirect.scatter.add.f32 [tilespmem:s15], [sflag:$0x3], $0x80, s19, s14, $0xb8;
	[tilespmem:$0x1E400] =	vst v63  }
0x45: {  	_ =	swait.ge [sflag:s12], $0x4000  }
0x46: {  	[sflag:s12] =	ssyncset.done $0x0  }
0x47: {  	[sflag:s12] =	ssyncadd.s32 $0xFFFFC000  }
0x48: {  	_ =	swait.ge [sflag:s18], $0x4000  }
0x49: {  	[sflag:s18] =	ssyncset.done $0x0  }
0x4a: {  	[sflag:s18] =	ssyncadd.s32 $0xFFFFC000  }
0x4b: {  	[spmem:s2] =	stream.indirect.scatter.add.f32 [tilespmem:s16], [sflag:$0x3], $0x80, s20, s14, $0xb8;
	[tilespmem:$0x1E400] =	vst v63  }
0x4c: {  	_ =	swait.ge [sflag:s12], $0x4000  }
0x4d: {  	s21 =	sadd.s32 $0x1, s21;
	[sflag:s12] =	ssyncset.done $0x0  }
0x4e: {  	p0 =	sne.s32 s21, s10;
	[sflag:s12] =	ssyncadd.s32 $0xFFFFC000  }
.Ltmp1:
0x4f: {  	[bflag:$0x0] =	sbarrier.arrive $0xFFFF;
	(pc) =	sbr.rel @p0 .LBB2_1-.Ltmp1, $4  }
0x50: {  	[hbm:s9], [sflag:s6] =	dma.local [spmem:s11], $0x2780  }
0x51: {  	_ =	swait.ge [sflag:s12], $0x2780  }
0x52: {  	[sflag:s12] =	ssyncset.done $0x0  }
0x53: {  	[sflag:s12] =	ssyncadd.s32 $0xFFFFD880  }
0x54: {  	_ =	sfence.sel $0x180000  }
0x55: {  	[bflag:$0x0] =	sbarrier.arrive $0xFFFF  }
0x56: {  	p0 =	sne.s32 s1, $0x0;
	_ =	strace $0x90000053  }
0x57: {  	s0 =	sadd.s32 @!p0 $0x100000, s0;
	[bflag:$0x2] =	sbarrier.arrive $0xFFFF  }
0x58: {  	[sflag:s0] =	ssyncadd.tile.s32 @!p0 $0x1;
	_ =	shalt  }
.Lfunc_end2:
_tile_overlayer_lowered:
.L_overlay_start_2:
0x59: {  	(tag) =	ssettag $0x2  }
0x5a: {  	s0 =	rddreg [dreg:$0x0];
	s2 =	stileid.u32  }
0x5b: {  	s1 =	rddreg [dreg:$0x1];
	p0 =	sne.s32 s2, $0x0  }
0x5c: {  	s3 =	rddreg [dreg:$0x2];
	[bflag:$0x3] =	sbarrier.arrive $0xFFFF;
	s2 =	simm.s32 @!p0 $0x1C03  }
0x5d: {  	[timem:s3], [sflag:s2] =	dma.local @!p0 [hbm:s0], s1  }
0x5e: {  	s0 =	simm.s32 @!p0 $0x3  }
0x5f: {  	_ =	swait.ge @!p0 [sflag:s0], s1  }
0x60: {  	s1 =	ssub.s32 @!p0 $0x0, s1;
	[sflag:s0] =	ssyncset.done @!p0 $0x0  }
0x61: {  	[sflag:s0] =	ssyncadd.s32 @!p0 s1  }
0x62: {  	[bflag:$0x3] =	sbarrier.arrive $0xFFFF  }
0x63: {  	_ =	shalt  }

</sc_bundles>
